<compile_context>
chip_gen: v7x
topology: tpu7x:2x2x1
jax: 0.10.2.dev20260603
libtpu: 0.0.44.dev20260713+nightly
codegen_flags: <defaults>
</compile_context>

<pallas_src>
import functools

import jax
import jax.numpy as jnp
from jax import lax
from jax.experimental import pallas as pl
from jax.experimental.pallas import tpu as pltpu
from jax.experimental.pallas import tpu_sc as plsc

N = 10000
NPAD = 10240
E = 320000
D = 128
CH = 64
NCHUNK = 5120
EPAD = NCHUNK * CH - E
NC = 2
NT = 16
CPT = NCHUNK // (NC * NT)
PH = CPT // 2
ACCR = 10112
RPT = ACCR // NT

_mesh = plsc.VectorSubcoreMesh(core_axis_name="c", subcore_axis_name="s")

_f32 = jnp.float32
_i32 = jnp.int32


EC = 64
EK = 320 // EC


def _embed_body(nf, nt, out, idx, buf0, buf1, sg0, sg1, sw0, sw1):
    bufs = (buf0, buf1)
    sg = (sg0, sg1)
    sw = (sw0, sw1)
    wid = lax.axis_index("s") * NC + lax.axis_index("c")
    wbase = wid * 320
    pltpu.sync_copy(nf.at[pl.ds(wid * EK, EK)], idx)

    def gather(k, b):
        pltpu.async_copy(nt.at[idx.at[k, 0]], bufs[b], sg[b])

    def wb(k, b):
        return pltpu.make_async_copy(
            bufs[b], out.at[pl.ds(wbase + k * EC, EC)], sw[b])

    gather(0, 0)
    for k in range(EK):
        b = k % 2
        nb = 1 - b
        pltpu.make_async_copy(nt.at[idx.at[k, 0]], bufs[b], sg[b]).wait()
        if k + 1 < EK:
            if k >= 1:
                wb(k - 1, nb).wait()
            gather(k + 1, nb)
        pltpu.async_copy(bufs[b], out.at[pl.ds(wbase + k * EC, EC)], sw[b])
    for k in (EK - 2, EK - 1):
        wb(k, k % 2).wait()


def _embed(nf, nt):
    return pl.kernel(
        _embed_body,
        out_type=jax.ShapeDtypeStruct((NPAD, D), _f32),
        mesh=_mesh,
        scratch_types=[
            pltpu.VMEM((EK, 1, EC), _i32),
            pltpu.VMEM((EC, D), _f32),
            pltpu.VMEM((EC, D), _f32),
            pltpu.SemaphoreType.DMA,
            pltpu.SemaphoreType.DMA,
            pltpu.SemaphoreType.DMA,
            pltpu.SemaphoreType.DMA,
        ],
    )(nf, nt)


def _onehot_lookup(idx_col, tab_ref, ncls):
    npd = tab_ref.shape[0]
    oh = (idx_col == lax.broadcasted_iota(_i32, (idx_col.shape[0], npd), 1))
    del ncls
    return jnp.dot(oh.astype(_f32), tab_ref[...],
                   preferred_element_type=_f32)


def _t0_body(g_ref, tf_ref, lf_ref, af_ref, tt_ref, lt_ref, at_ref, o_ref):
    o_ref[...] = jnp.concatenate(
        [g_ref[:, :64],
         _onehot_lookup(tf_ref[...], tt_ref, 20),
         _onehot_lookup(lf_ref[...], lt_ref, 100),
         _onehot_lookup(af_ref[...], at_ref, 10)], axis=1)


def _t0(g, tf2, lf2, af2, tt_p, lt_p, at_p):
    blk = 2560
    return pl.pallas_call(
        _t0_body,
        grid=(NPAD // blk,),
        in_specs=[
            pl.BlockSpec((blk, D), lambda i: (i, 0)),
            pl.BlockSpec((blk, 1), lambda i: (i, 0)),
            pl.BlockSpec((blk, 1), lambda i: (i, 0)),
            pl.BlockSpec((blk, 1), lambda i: (i, 0)),
            pl.BlockSpec((32, 32), lambda i: (0, 0)),
            pl.BlockSpec((128, 16), lambda i: (0, 0)),
            pl.BlockSpec((16, 16), lambda i: (0, 0)),
        ],
        out_specs=pl.BlockSpec((blk, D), lambda i: (i, 0)),
        out_shape=jax.ShapeDtypeStruct((NPAD, D), _f32),
    )(g, tf2, lf2, af2, tt_p, lt_p, at_p)


def _segsum_body(with_hist, x, rows2, cols2, zeros, zrow, *args):
    if with_hist:
        (out, out_h0, out_h1, acc, acc_h, rows_all, cols_all,
         vals0, vals1, ones_v, sg0, sg1, ss0, ss1, sh0, sh1) = args
    else:
        (out, acc, rows_all, cols_all,
         vals0, vals1, sg0, sg1, ss0, ss1) = args
    vals = (vals0, vals1)
    sg = (sg0, sg1)
    ss = (ss0, ss1)
    if with_hist:
        sh = (sh0, sh1)
    c = lax.axis_index("c")
    s = lax.axis_index("s")
    rsl = pl.ds(RPT * s, RPT)
    base = (NT * c + s) * CPT
    pltpu.sync_copy(zeros.at[rsl], acc.at[rsl])
    if with_hist:
        for k in range(CH // 16):
            ones_v[pl.ds(16 * k, 16)] = jnp.full((16,), 1.0, _f32)

        @pl.when(s == 0)
        def _():
            pltpu.sync_copy(zrow.at[pl.ds(0, ACCR)], acc_h)

    plsc.subcore_barrier()

    def gather_start(j, b):
        pltpu.async_copy(x.at[cols_all.at[j]], vals[b], sg[b])

    def gather_wait(j, b):
        pltpu.make_async_copy(x.at[cols_all.at[j]], vals[b], sg[b]).wait()

    def scatter_start(j, b):
        pltpu.async_copy(vals[b], acc.at[rows_all.at[j]], ss[b], add=True)
        if with_hist:
            pltpu.async_copy(ones_v, acc_h.at[rows_all.at[j]], sh[b],
                             add=True)

    def scatter_wait(j, b):
        pltpu.make_async_copy(vals[b], acc.at[rows_all.at[j]], ss[b]).wait()
        if with_hist:
            pltpu.make_async_copy(ones_v, acc_h.at[rows_all.at[j]],
                                  sh[b]).wait()

    def step(ji, carry):
        for u in (0, 1):
            j = 2 * ji + u
            nb = 1 - u
            gather_wait(j, u)
            if u == 0:
                @pl.when(j >= 1)
                def _():
                    scatter_wait(j - 1, nb)

                gather_start(j + 1, nb)
            else:
                scatter_wait(j - 1, nb)

                @pl.when(j + 1 < PH)
                def _():
                    gather_start(j + 1, nb)

            scatter_start(j, u)
        return carry

    for p in range(CPT // PH):
        psl = pl.ds(base + p * PH, PH)
        pltpu.sync_copy(rows2.at[psl], rows_all)
        pltpu.sync_copy(cols2.at[psl], cols_all)
        gather_start(0, 0)
        lax.fori_loop(0, PH // 2, step, 0)
        scatter_wait(PH - 1, 1)
    plsc.subcore_barrier()
    pltpu.sync_copy(acc.at[rsl], out.at[c, rsl])
    if with_hist:
        for oh, cc in ((out_h0, 0), (out_h1, 1)):
            @pl.when((c == cc) & (s < 15))
            def _(oh=oh):
                hsl = pl.ds(640 * s, 640)
                pltpu.sync_copy(acc_h.at[hsl], oh.at[hsl])

            @pl.when((c == cc) & (s == 15))
            def _(oh=oh):
                hsl = pl.ds(9600, 512)
                pltpu.sync_copy(acc_h.at[hsl], oh.at[hsl])


def _segsum(x, rows2, cols2, zeros, zrow, with_hist):
    out_type = [jax.ShapeDtypeStruct((2, NPAD, D), _f32)]
    scratch = [
        pltpu.VMEM_SHARED((ACCR, D), _f32),
        pltpu.VMEM((PH, CH), _i32),
        pltpu.VMEM((PH, CH), _i32),
        pltpu.VMEM((CH, D), _f32),
        pltpu.VMEM((CH, D), _f32),
        pltpu.SemaphoreType.DMA,
        pltpu.SemaphoreType.DMA,
        pltpu.SemaphoreType.DMA,
        pltpu.SemaphoreType.DMA,
    ]
    if with_hist:
        out_type += [jax.ShapeDtypeStruct((NPAD,), _f32),
                     jax.ShapeDtypeStruct((NPAD,), _f32)]
        scratch = ([scratch[0], pltpu.VMEM_SHARED((ACCR,), _f32)]
                   + scratch[1:5] + [pltpu.VMEM((CH,), _f32)]
                   + scratch[5:]
                   + [pltpu.SemaphoreType.DMA, pltpu.SemaphoreType.DMA])
    res = pl.kernel(
        functools.partial(_segsum_body, with_hist),
        out_type=out_type,
        mesh=_mesh,
        scratch_types=scratch,
    )(x, rows2, cols2, zeros, zrow)
    return res if with_hist else res[0]


def _t2_body(a_ref, rs_ref, w_ref, o_ref):
    s = a_ref[0] + a_ref[1]
    z = jnp.dot(s, w_ref[...], preferred_element_type=_f32) / rs_ref[...]
    o_ref[...] = jnp.where(z > 0, z, jnp.exp(z) - 1.0)


def _t2(acc, rs, w, out_rows, blk):
    return pl.pallas_call(
        _t2_body,
        grid=(out_rows // blk,),
        in_specs=[
            pl.BlockSpec((2, blk, D), lambda i: (0, i, 0)),
            pl.BlockSpec((blk, 1), lambda i: (i, 0)),
            pl.BlockSpec((D, D), lambda i: (0, 0)),
        ],
        out_specs=pl.BlockSpec((blk, D), lambda i: (i, 0)),
        out_shape=jax.ShapeDtypeStruct((out_rows, D), _f32),
    )(acc, rs, w)


def kernel(node_feature, type_feature, length_feature, lane_feature,
           edge_index, struct_adj, struct_assign, fnc_assign, params):
    del struct_adj, struct_assign, fnc_assign

    nf = jnp.pad(node_feature.astype(_i32), (0, NPAD - N)).reshape(
        NPAD // EC, 1, EC)
    tf2 = jnp.pad(type_feature.astype(_i32), (0, NPAD - N)).reshape(NPAD, 1)
    lf2 = jnp.pad(length_feature.astype(_i32), (0, NPAD - N)).reshape(NPAD, 1)
    af2 = jnp.pad(lane_feature.astype(_i32), (0, NPAD - N)).reshape(NPAD, 1)
    pad_i = jnp.arange(EPAD, dtype=_i32)
    rows2 = jnp.concatenate(
        [edge_index[0].astype(_i32), N + pad_i % (ACCR - N)]
    ).reshape(NCHUNK, CH)
    cols2 = jnp.concatenate(
        [edge_index[1].astype(_i32), pad_i % 9973]
    ).reshape(NCHUNK, CH)

    z128 = jnp.zeros((NPAD, D), _f32)
    zrow = jnp.zeros((NPAD,), _f32)

    nt_p = jnp.pad(params["node_table"].astype(_f32), ((0, 0), (0, 64)))
    tt_p = jnp.pad(params["type_table"].astype(_f32), ((0, 12), (0, 0)))
    lt_p = jnp.pad(params["length_table"].astype(_f32), ((0, 28), (0, 0)))
    at_p = jnp.pad(params["lane_table"].astype(_f32), ((0, 6), (0, 0)))

    g = _embed(nf, nt_p)
    x1 = _t0(g, tf2, lf2, af2, tt_p, lt_p, at_p)

    ws = [p["gat_W"].astype(_f32) for p in params["layers"]]

    acc1, h0, h1 = _segsum(x1, rows2, cols2, z128, zrow, True)
    rs = (h0 + h1).reshape(NPAD, 1)
    x2 = _t2(acc1, rs, ws[0], NPAD, 2560)
    acc2 = _segsum(x2, rows2, cols2, z128, zrow, False)
    x3 = _t2(acc2, rs, ws[1], NPAD, 2560)
    acc3 = _segsum(x3, rows2, cols2, z128, zrow, False)
    return _t2(acc3, rs, ws[2], N, 2000)

# --- scband reference (transcript-rebuilt; emitter-appended) ---
"""Pipeline reference for scband-graph-encoder-tl-25134148616971 (READ-ONLY COPY).

The authoritative reference and input builder live on the scoring server;
editing this copy changes nothing except your own understanding.
"""

import jax, jax.numpy as jnp
import numpy as np

N = 10000
E = 320000
D = 128
NS = 1000
NF = 100


def _gcn(x, adj, W, b):
    # GraphConvolution (batch of 1, squeezed): out = D^{-1/2}(A+I)D^{-1/2} @ (x W) + b
    n = adj.shape[-1]
    support = x @ W
    adj_post = adj + jnp.eye(n, dtype=adj.dtype)
    deg = jnp.sum(jnp.abs(adj_post), axis=-1)
    dinv = deg ** -0.5
    norm_adj = dinv[:, None] * adj_post * dinv[None, :]
    return norm_adj @ support + b


def _spgcn(x, edge, W):
    # SPGCN: h' = elu((A @ (x W)) / rowsum(A)), A binary from edge indices
    h = x @ W
    row = edge[0]
    col = edge[1]
    ones = jnp.ones((edge.shape[1],), dtype=h.dtype)
    e_rowsum = jax.ops.segment_sum(ones, row, num_segments=N)[:, None]
    h_prime = jax.ops.segment_sum(h[col], row, num_segments=N)
    h_prime = h_prime / e_rowsum
    return jax.nn.elu(h_prime)


def _core(struct_adj, raw_feat, edge, struct_assign_raw, fnc_assign_raw, p):
    # GraphEncoderTLCore.forward
    sa = struct_assign_raw / (jax.nn.relu(jnp.sum(struct_assign_raw, 0) - 1.0) + 1.0)
    fa = fnc_assign_raw / (jax.nn.relu(jnp.sum(fnc_assign_raw, 0) - 1.0) + 1.0)
    struct_emb = sa.T @ raw_feat
    fnc_emb = fa.T @ struct_emb
    fnc_adj = jax.nn.sigmoid(fnc_emb @ fnc_emb.T)
    fnc_adj = fnc_adj + jnp.eye(fnc_adj.shape[0], dtype=fnc_adj.dtype) * 1.0
    fnc_emb = _gcn(fnc_emb, fnc_adj, p["fnc_W"], p["fnc_b"])
    fnc_message = (fnc_assign_raw @ fnc_emb) / (jax.nn.relu(jnp.sum(fa, 1) - 1.0) + 1.0)[:, None]
    r_f = jax.nn.sigmoid(jnp.concatenate([struct_emb, fnc_message], 1) @ p["lc_W"] + p["lc_b"])
    struct_emb = struct_emb + 0.15 * fnc_message
    n = struct_adj.shape[1]
    eye = jnp.eye(n, dtype=struct_adj.dtype)
    sadj = jax.nn.relu(struct_adj - eye * 10000.0) + eye * 1.0
    struct_emb = _gcn(struct_emb, sadj, p["struct_W"], p["struct_b"])
    struct_message = struct_assign_raw @ struct_emb
    r_s = jax.nn.sigmoid(jnp.concatenate([raw_feat, struct_message], 1) @ p["ls_W"] + p["ls_b"])
    del r_f, r_s  # computed but unused by the returned output, as in the original
    return _spgcn(raw_feat, edge, p["gat_W"])


def _layer_params(key):
    ks = jax.random.split(key, 10)
    xs = 1.414 * (2.0 / (D + D)) ** 0.5
    xa = 1.414 * (2.0 / (1 + 2 * D)) ** 0.5
    lb = 1.0 / (2 * D) ** 0.5
    return {
        "fnc_W": jax.random.uniform(ks[0], (D, D), minval=-0.5, maxval=0.5),
        "fnc_b": jax.random.uniform(ks[1], (D,), minval=-0.5, maxval=0.5),
        "struct_W": jax.random.uniform(ks[2], (D, D), minval=-0.5, maxval=0.5),
        "struct_b": jax.random.uniform(ks[3], (D,), minval=-0.5, maxval=0.5),
        "gat_W": xs * jax.random.normal(ks[4], (D, D)),
        "gat_a": xa * jax.random.normal(ks[5], (1, 2 * D)),
        "lc_W": jax.random.uniform(ks[6], (2 * D, 1), minval=-lb, maxval=lb),
        "lc_b": jnp.zeros((1,)),
        "ls_W": jax.random.uniform(ks[7], (2 * D, 1), minval=-lb, maxval=lb),
        "ls_b": jnp.zeros((1,)),
    }


def setup_inputs(seed: int = 0) -> dict:
    key = jax.random.key(seed)
    ks = jax.random.split(key, 16)
    node_feature = jax.random.randint(ks[0], (N,), 0, N)
    type_feature = jax.random.randint(ks[1], (N,), 0, 20)
    length_feature = jax.random.randint(ks[2], (N,), 0, 100)
    lane_feature = jax.random.randint(ks[3], (N,), 0, 10)
    edge_index = jax.random.randint(ks[4], (2, E), 0, N)
    struct_adj = jax.random.uniform(ks[5], (NS, NS))
    struct_assign = jax.random.uniform(ks[6], (N, NS))
    fnc_assign = jax.random.uniform(ks[7], (NS, NF))
    params = {
        "node_table": 0.1 * jax.random.normal(ks[8], (N, 64)),
        "type_table": 0.1 * jax.random.normal(ks[9], (20, 32)),
        "length_table": 0.1 * jax.random.normal(ks[10], (100, 16)),
        "lane_table": 0.1 * jax.random.normal(ks[11], (10, 16)),
        "layers": [_layer_params(ks[12]), _layer_params(ks[13]), _layer_params(ks[14])],
    }
    return {
        "node_feature": node_feature,
        "type_feature": type_feature,
        "length_feature": length_feature,
        "lane_feature": lane_feature,
        "edge_index": edge_index,
        "struct_adj": struct_adj,
        "struct_assign": struct_assign,
        "fnc_assign": fnc_assign,
        "params": params,
    }


def reference(node_feature, type_feature, length_feature, lane_feature, edge_index, struct_adj, struct_assign, fnc_assign, params):
    raw_feat = jnp.concatenate([
        params["node_table"][node_feature],
        params["type_table"][type_feature],
        params["length_table"][length_feature],
        params["lane_table"][lane_feature],
    ], axis=1)
    for p in params["layers"]:
        raw_feat = _core(struct_adj, raw_feat, edge_index, struct_assign, fnc_assign, p)
    return raw_feat

if __name__ == "__main__":
    import jax
    _d = setup_inputs()
    print(jax.jit(kernel)(*tuple(_d.values())))

</pallas_src>

<mosaic_0001>
#map = affine_map<(d0, d1) -> (0, 0, 0)>
#map1 = affine_map<(d0, d1) -> (0, 0)>
module attributes {stable_mosaic.version = 14 : i64} {
  func.func @_embed_body(%arg0: i32, %arg1: i32, %arg2: memref<160x1x64xi32, #tpu.memory_space<hbm>>, %arg3: memref<10000x128xf32, #tpu.memory_space<hbm>>, %arg4: memref<10240x128xf32, #tpu.memory_space<hbm>>, %arg5: memref<5x1x64xi32, #tpu.memory_space<vmem>>, %arg6: memref<64x128xf32, #tpu.memory_space<vmem>>, %arg7: memref<64x128xf32, #tpu.memory_space<vmem>>, %arg8: memref<!tpu.dma_semaphore, #tpu.memory_space<semaphore_mem>>, %arg9: memref<!tpu.dma_semaphore, #tpu.memory_space<semaphore_mem>>, %arg10: memref<!tpu.dma_semaphore, #tpu.memory_space<semaphore_mem>>, %arg11: memref<!tpu.dma_semaphore, #tpu.memory_space<semaphore_mem>>) attributes {dimension_semantics = [#tpu.dimension_semantics<core_parallel>, #tpu.dimension_semantics<subcore_parallel>], iteration_bounds = array<i64: 2, 16>, scalar_prefetch = 0 : i64, scratch_operands = 7 : i64, tpu.core_type = #tpu.core_type<sc_vector_subcore>, window_params = [{transform_indices = #map}, {transform_indices = #map1}, {transform_indices = #map1}]} {
    %mul3A = arith.constant 2 : i32
    %mul3A_0 = arith.muli %arg1, %mul3A : i32
    %add3A = arith.addi %mul3A_0, %arg0 : i32
    %mul3A_1 = arith.constant 320 : i32
    %mul3A_2 = arith.muli %add3A, %mul3A_1 : i32
    %mul3A_3 = arith.constant 5 : i32
    %mul3A_4 = arith.muli %add3A, %mul3A_3 : i32
    "tpu.region"() ({
      %run_scoped3A = tpu.sem_alloc : memref<!tpu.dma_semaphore, #tpu.memory_space<semaphore_mem>>
      %dma_start3A_143 = arith.constant 0 : i32
      %dma_start3A_144 = arith.constant 0 : i32
      %dma_start3A_145 = tpu.memref_slice %arg2[%mul3A_4, %dma_start3A_143, %dma_start3A_144] : memref<160x1x64xi32, #tpu.memory_space<hbm>> -> memref<5x1x64xi32, #tpu.memory_space<hbm>>
      %dma_start3A_146 = arith.constant 0 : i32
      %dma_start3A_147 = arith.constant 0 : i32
      %dma_start3A_148 = tpu.memref_slice %arg2[%mul3A_4, %dma_start3A_146, %dma_start3A_147] : memref<160x1x64xi32, #tpu.memory_space<hbm>> -> memref<5x1x64xi32, #tpu.memory_space<hbm>>
      tpu.enqueue_dma source(%dma_start3A_148 : memref<5x1x64xi32, #tpu.memory_space<hbm>>) target(%arg5 : memref<5x1x64xi32, #tpu.memory_space<vmem>>) target_semaphore(%run_scoped3A : memref<!tpu.dma_semaphore, #tpu.memory_space<semaphore_mem>>)
      %dma_wait3A_149 = arith.constant 0 : i32
      %dma_wait3A_150 = arith.constant 0 : i32
      %dma_wait3A_151 = tpu.memref_slice %arg2[%mul3A_4, %dma_wait3A_149, %dma_wait3A_150] : memref<160x1x64xi32, #tpu.memory_space<hbm>> -> memref<5x1x64xi32, #tpu.memory_space<hbm>>
      %dma_wait3A_152 = arith.constant 0 : i32
      %dma_wait3A_153 = arith.constant 0 : i32
      %dma_wait3A_154 = tpu.memref_slice %arg2[%mul3A_4, %dma_wait3A_152, %dma_wait3A_153] : memref<160x1x64xi32, #tpu.memory_space<hbm>> -> memref<5x1x64xi32, #tpu.memory_space<hbm>>
      tpu.wait_dma2 semaphore(%run_scoped3A : memref<!tpu.dma_semaphore, #tpu.memory_space<semaphore_mem>>) src(%dma_wait3A_154 : memref<5x1x64xi32, #tpu.memory_space<hbm>>) dst(%arg5 : memref<5x1x64xi32, #tpu.memory_space<vmem>>)
      tpu.yield
    }) : () -> ()
    %dma_start3A = arith.constant 0 : i32
    %dma_start3A_5 = arith.constant 0 : i32
    %dma_start3A_6 = arith.constant 0 : i32
    %dma_start3A_7 = tpu.memref_slice %arg5[%dma_start3A, %dma_start3A_5, %dma_start3A_6] : memref<5x1x64xi32, #tpu.memory_space<vmem>> -> memref<1x1x64xi32, #tpu.memory_space<vmem>>
    %dma_start3A_8 = tpu.memref_squeeze %dma_start3A_7 : memref<1x1x64xi32, #tpu.memory_space<vmem>> -> memref<64xi32, #tpu.memory_space<vmem>>
    %dma_start3A_9 = arith.constant 0 : i32
    %dma_start3A_10 = arith.constant 0 : i32
    %dma_start3A_11 = tpu.memref_slice %arg3[%dma_start3A_9, %dma_start3A_10] : memref<10000x128xf32, #tpu.memory_space<hbm>> -> memref<10000x128xf32, #tpu.memory_space<hbm>>
    tpu.enqueue_indirect_dma source(%dma_start3A_11 : memref<10000x128xf32, #tpu.memory_space<hbm>>) target(%arg6 : memref<64x128xf32, #tpu.memory_space<vmem>>) offsets(%dma_start3A_8 : memref<64xi32, #tpu.memory_space<vmem>>) semaphore(%arg8 : memref<!tpu.dma_semaphore, #tpu.memory_space<semaphore_mem>>)
    %dma_wait3A = arith.constant 0 : i32
    %dma_wait3A_12 = arith.constant 0 : i32
    %dma_wait3A_13 = arith.constant 0 : i32
    %dma_wait3A_14 = tpu.memref_slice %arg5[%dma_wait3A, %dma_wait3A_12, %dma_wait3A_13] : memref<5x1x64xi32, #tpu.memory_space<vmem>> -> memref<1x1x64xi32, #tpu.memory_space<vmem>>
    %dma_wait3A_15 = tpu.memref_squeeze %dma_wait3A_14 : memref<1x1x64xi32, #tpu.memory_space<vmem>> -> memref<64xi32, #tpu.memory_space<vmem>>
    %dma_wait3A_16 = arith.constant 0 : i32
    %dma_wait3A_17 = arith.constant 0 : i32
    %dma_wait3A_18 = tpu.memref_slice %arg3[%dma_wait3A_16, %dma_wait3A_17] : memref<10000x128xf32, #tpu.memory_space<hbm>> -> memref<10000x128xf32, #tpu.memory_space<hbm>>
    tpu.wait_indirect_dma semaphore(%arg8 : memref<!tpu.dma_semaphore, #tpu.memory_space<semaphore_mem>>) src(%dma_wait3A_18 : memref<10000x128xf32, #tpu.memory_space<hbm>>) dst(%arg6 : memref<64x128xf32, #tpu.memory_space<vmem>>)
    %dma_start3A_19 = arith.constant 1 : i32
    %dma_start3A_20 = arith.constant 0 : i32
    %dma_start3A_21 = arith.constant 0 : i32
    %dma_start3A_22 = tpu.memref_slice %arg5[%dma_start3A_19, %dma_start3A_20, %dma_start3A_21] : memref<5x1x64xi32, #tpu.memory_space<vmem>> -> memref<1x1x64xi32, #tpu.memory_space<vmem>>
    %dma_start3A_23 = tpu.memref_squeeze %dma_start3A_22 : memref<1x1x64xi32, #tpu.memory_space<vmem>> -> memref<64xi32, #tpu.memory_space<vmem>>
    %dma_start3A_24 = arith.constant 0 : i32
    %dma_start3A_25 = arith.constant 0 : i32
    %dma_start3A_26 = tpu.memref_slice %arg3[%dma_start3A_24, %dma_start3A_25] : memref<10000x128xf32, #tpu.memory_space<hbm>> -> memref<10000x128xf32, #tpu.memory_space<hbm>>
    tpu.enqueue_indirect_dma source(%dma_start3A_26 : memref<10000x128xf32, #tpu.memory_space<hbm>>) target(%arg7 : memref<64x128xf32, #tpu.memory_space<vmem>>) offsets(%dma_start3A_23 : memref<64xi32, #tpu.memory_space<vmem>>) semaphore(%arg9 : memref<!tpu.dma_semaphore, #tpu.memory_space<semaphore_mem>>)
    %add3A_27 = arith.constant 0 : i32
    %add3A_28 = arith.addi %mul3A_2, %add3A_27 : i32
    %dma_start3A_29 = arith.constant 0 : i32
    %dma_start3A_30 = tpu.memref_slice %arg4[%add3A_28, %dma_start3A_29] : memref<10240x128xf32, #tpu.memory_space<hbm>> -> memref<64x128xf32, #tpu.memory_space<hbm>>
    %dma_start3A_31 = arith.constant 0 : i32
    %dma_start3A_32 = tpu.memref_slice %arg4[%add3A_28, %dma_start3A_31] : memref<10240x128xf32, #tpu.memory_space<hbm>> -> memref<64x128xf32, #tpu.memory_space<hbm>>
    tpu.enqueue_dma source(%arg6 : memref<64x128xf32, #tpu.memory_space<vmem>>) target(%dma_start3A_32 : memref<64x128xf32, #tpu.memory_space<hbm>>) target_semaphore(%arg10 : memref<!tpu.dma_semaphore, #tpu.memory_space<semaphore_mem>>)
    %dma_wait3A_33 = arith.constant 1 : i32
    %dma_wait3A_34 = arith.constant 0 : i32
    %dma_wait3A_35 = arith.constant 0 : i32
    %dma_wait3A_36 = tpu.memref_slice %arg5[%dma_wait3A_33, %dma_wait3A_34, %dma_wait3A_35] : memref<5x1x64xi32, #tpu.memory_space<vmem>> -> memref<1x1x64xi32, #tpu.memory_space<vmem>>
    %dma_wait3A_37 = tpu.memref_squeeze %dma_wait3A_36 : memref<1x1x64xi32, #tpu.memory_space<vmem>> -> memref<64xi32, #tpu.memory_space<vmem>>
    %dma_wait3A_38 = arith.constant 0 : i32
    %dma_wait3A_39 = arith.constant 0 : i32
    %dma_wait3A_40 = tpu.memref_slice %arg3[%dma_wait3A_38, %dma_wait3A_39] : memref<10000x128xf32, #tpu.memory_space<hbm>> -> memref<10000x128xf32, #tpu.memory_space<hbm>>
    tpu.wait_indirect_dma semaphore(%arg9 : memref<!tpu.dma_semaphore, #tpu.memory_space<semaphore_mem>>) src(%dma_wait3A_40 : memref<10000x128xf32, #tpu.memory_space<hbm>>) dst(%arg7 : memref<64x128xf32, #tpu.memory_space<vmem>>)
    %add3A_41 = arith.constant 0 : i32
    %add3A_42 = arith.addi %mul3A_2, %add3A_41 : i32
    %dma_wait3A_43 = arith.constant 0 : i32
    %dma_wait3A_44 = tpu.memref_slice %arg4[%add3A_42, %dma_wait3A_43] : memref<10240x128xf32, #tpu.memory_space<hbm>> -> memref<64x128xf32, #tpu.memory_space<hbm>>
    %dma_wait3A_45 = arith.constant 0 : i32
    %dma_wait3A_46 = tpu.memref_slice %arg4[%add3A_42, %dma_wait3A_45] : memref<10240x128xf32, #tpu.memory_space<hbm>> -> memref<64x128xf32, #tpu.memory_space<hbm>>
    tpu.wait_dma2 semaphore(%arg10 : memref<!tpu.dma_semaphore, #tpu.memory_space<semaphore_mem>>) src(%arg6 : memref<64x128xf32, #tpu.memory_space<vmem>>) dst(%dma_wait3A_46 : memref<64x128xf32, #tpu.memory_space<hbm>>)
    %dma_start3A_47 = arith.constant 2 : i32
    %dma_start3A_48 = arith.constant 0 : i32
    %dma_start3A_49 = arith.constant 0 : i32
    %dma_start3A_50 = tpu.memref_slice %arg5[%dma_start3A_47, %dma_start3A_48, %dma_start3A_49] : memref<5x1x64xi32, #tpu.memory_space<vmem>> -> memref<1x1x64xi32, #tpu.memory_space<vmem>>
    %dma_start3A_51 = tpu.memref_squeeze %dma_start3A_50 : memref<1x1x64xi32, #tpu.memory_space<vmem>> -> memref<64xi32, #tpu.memory_space<vmem>>
    %dma_start3A_52 = arith.constant 0 : i32
    %dma_start3A_53 = arith.constant 0 : i32
    %dma_start3A_54 = tpu.memref_slice %arg3[%dma_start3A_52, %dma_start3A_53] : memref<10000x128xf32, #tpu.memory_space<hbm>> -> memref<10000x128xf32, #tpu.memory_space<hbm>>
    tpu.enqueue_indirect_dma source(%dma_start3A_54 : memref<10000x128xf32, #tpu.memory_space<hbm>>) target(%arg6 : memref<64x128xf32, #tpu.memory_space<vmem>>) offsets(%dma_start3A_51 : memref<64xi32, #tpu.memory_space<vmem>>) semaphore(%arg8 : memref<!tpu.dma_semaphore, #tpu.memory_space<semaphore_mem>>)
    %add3A_55 = arith.constant 64 : i32
    %add3A_56 = arith.addi %mul3A_2, %add3A_55 : i32
    %dma_start3A_57 = arith.constant 0 : i32
    %dma_start3A_58 = tpu.memref_slice %arg4[%add3A_56, %dma_start3A_57] : memref<10240x128xf32, #tpu.memory_space<hbm>> -> memref<64x128xf32, #tpu.memory_space<hbm>>
    %dma_start3A_59 = arith.constant 0 : i32
    %dma_start3A_60 = tpu.memref_slice %arg4[%add3A_56, %dma_start3A_59] : memref<10240x128xf32, #tpu.memory_space<hbm>> -> memref<64x128xf32, #tpu.memory_space<hbm>>
    tpu.enqueue_dma source(%arg7 : memref<64x128xf32, #tpu.memory_space<vmem>>) target(%dma_start3A_60 : memref<64x128xf32, #tpu.memory_space<hbm>>) target_semaphore(%arg11 : memref<!tpu.dma_semaphore, #tpu.memory_space<semaphore_mem>>)
    %dma_wait3A_61 = arith.constant 2 : i32
    %dma_wait3A_62 = arith.constant 0 : i32
    %dma_wait3A_63 = arith.constant 0 : i32
    %dma_wait3A_64 = tpu.memref_slice %arg5[%dma_wait3A_61, %dma_wait3A_62, %dma_wait3A_63] : memref<5x1x64xi32, #tpu.memory_space<vmem>> -> memref<1x1x64xi32, #tpu.memory_space<vmem>>
    %dma_wait3A_65 = tpu.memref_squeeze %dma_wait3A_64 : memref<1x1x64xi32, #tpu.memory_space<vmem>> -> memref<64xi32, #tpu.memory_space<vmem>>
    %dma_wait3A_66 = arith.constant 0 : i32
    %dma_wait3A_67 = arith.constant 0 : i32
    %dma_wait3A_68 = tpu.memref_slice %arg3[%dma_wait3A_66, %dma_wait3A_67] : memref<10000x128xf32, #tpu.memory_space<hbm>> -> memref<10000x128xf32, #tpu.memory_space<hbm>>
    tpu.wait_indirect_dma semaphore(%arg8 : memref<!tpu.dma_semaphore, #tpu.memory_space<semaphore_mem>>) src(%dma_wait3A_68 : memref<10000x128xf32, #tpu.memory_space<hbm>>) dst(%arg6 : memref<64x128xf32, #tpu.memory_space<vmem>>)
    %add3A_69 = arith.constant 64 : i32
    %add3A_70 = arith.addi %mul3A_2, %add3A_69 : i32
    %dma_wait3A_71 = arith.constant 0 : i32
    %dma_wait3A_72 = tpu.memref_slice %arg4[%add3A_70, %dma_wait3A_71] : memref<10240x128xf32, #tpu.memory_space<hbm>> -> memref<64x128xf32, #tpu.memory_space<hbm>>
    %dma_wait3A_73 = arith.constant 0 : i32
    %dma_wait3A_74 = tpu.memref_slice %arg4[%add3A_70, %dma_wait3A_73] : memref<10240x128xf32, #tpu.memory_space<hbm>> -> memref<64x128xf32, #tpu.memory_space<hbm>>
    tpu.wait_dma2 semaphore(%arg11 : memref<!tpu.dma_semaphore, #tpu.memory_space<semaphore_mem>>) src(%arg7 : memref<64x128xf32, #tpu.memory_space<vmem>>) dst(%dma_wait3A_74 : memref<64x128xf32, #tpu.memory_space<hbm>>)
    %dma_start3A_75 = arith.constant 3 : i32
    %dma_start3A_76 = arith.constant 0 : i32
    %dma_start3A_77 = arith.constant 0 : i32
    %dma_start3A_78 = tpu.memref_slice %arg5[%dma_start3A_75, %dma_start3A_76, %dma_start3A_77] : memref<5x1x64xi32, #tpu.memory_space<vmem>> -> memref<1x1x64xi32, #tpu.memory_space<vmem>>
    %dma_start3A_79 = tpu.memref_squeeze %dma_start3A_78 : memref<1x1x64xi32, #tpu.memory_space<vmem>> -> memref<64xi32, #tpu.memory_space<vmem>>
    %dma_start3A_80 = arith.constant 0 : i32
    %dma_start3A_81 = arith.constant 0 : i32
    %dma_start3A_82 = tpu.memref_slice %arg3[%dma_start3A_80, %dma_start3A_81] : memref<10000x128xf32, #tpu.memory_space<hbm>> -> memref<10000x128xf32, #tpu.memory_space<hbm>>
    tpu.enqueue_indirect_dma source(%dma_start3A_82 : memref<10000x128xf32, #tpu.memory_space<hbm>>) target(%arg7 : memref<64x128xf32, #tpu.memory_space<vmem>>) offsets(%dma_start3A_79 : memref<64xi32, #tpu.memory_space<vmem>>) semaphore(%arg9 : memref<!tpu.dma_semaphore, #tpu.memory_space<semaphore_mem>>)
    %add3A_83 = arith.constant 128 : i32
    %add3A_84 = arith.addi %mul3A_2, %add3A_83 : i32
    %dma_start3A_85 = arith.constant 0 : i32
    %dma_start3A_86 = tpu.memref_slice %arg4[%add3A_84, %dma_start3A_85] : memref<10240x128xf32, #tpu.memory_space<hbm>> -> memref<64x128xf32, #tpu.memory_space<hbm>>
    %dma_start3A_87 = arith.constant 0 : i32
    %dma_start3A_88 = tpu.memref_slice %arg4[%add3A_84, %dma_start3A_87] : memref<10240x128xf32, #tpu.memory_space<hbm>> -> memref<64x128xf32, #tpu.memory_space<hbm>>
    tpu.enqueue_dma source(%arg6 : memref<64x128xf32, #tpu.memory_space<vmem>>) target(%dma_start3A_88 : memref<64x128xf32, #tpu.memory_space<hbm>>) target_semaphore(%arg10 : memref<!tpu.dma_semaphore, #tpu.memory_space<semaphore_mem>>)
    %dma_wait3A_89 = arith.constant 3 : i32
    %dma_wait3A_90 = arith.constant 0 : i32
    %dma_wait3A_91 = arith.constant 0 : i32
    %dma_wait3A_92 = tpu.memref_slice %arg5[%dma_wait3A_89, %dma_wait3A_90, %dma_wait3A_91] : memref<5x1x64xi32, #tpu.memory_space<vmem>> -> memref<1x1x64xi32, #tpu.memory_space<vmem>>
    %dma_wait3A_93 = tpu.memref_squeeze %dma_wait3A_92 : memref<1x1x64xi32, #tpu.memory_space<vmem>> -> memref<64xi32, #tpu.memory_space<vmem>>
    %dma_wait3A_94 = arith.constant 0 : i32
    %dma_wait3A_95 = arith.constant 0 : i32
    %dma_wait3A_96 = tpu.memref_slice %arg3[%dma_wait3A_94, %dma_wait3A_95] : memref<10000x128xf32, #tpu.memory_space<hbm>> -> memref<10000x128xf32, #tpu.memory_space<hbm>>
    tpu.wait_indirect_dma semaphore(%arg9 : memref<!tpu.dma_semaphore, #tpu.memory_space<semaphore_mem>>) src(%dma_wait3A_96 : memref<10000x128xf32, #tpu.memory_space<hbm>>) dst(%arg7 : memref<64x128xf32, #tpu.memory_space<vmem>>)
    %add3A_97 = arith.constant 128 : i32
    %add3A_98 = arith.addi %mul3A_2, %add3A_97 : i32
    %dma_wait3A_99 = arith.constant 0 : i32
    %dma_wait3A_100 = tpu.memref_slice %arg4[%add3A_98, %dma_wait3A_99] : memref<10240x128xf32, #tpu.memory_space<hbm>> -> memref<64x128xf32, #tpu.memory_space<hbm>>
    %dma_wait3A_101 = arith.constant 0 : i32
    %dma_wait3A_102 = tpu.memref_slice %arg4[%add3A_98, %dma_wait3A_101] : memref<10240x128xf32, #tpu.memory_space<hbm>> -> memref<64x128xf32, #tpu.memory_space<hbm>>
    tpu.wait_dma2 semaphore(%arg10 : memref<!tpu.dma_semaphore, #tpu.memory_space<semaphore_mem>>) src(%arg6 : memref<64x128xf32, #tpu.memory_space<vmem>>) dst(%dma_wait3A_102 : memref<64x128xf32, #tpu.memory_space<hbm>>)
    %dma_start3A_103 = arith.constant 4 : i32
    %dma_start3A_104 = arith.constant 0 : i32
    %dma_start3A_105 = arith.constant 0 : i32
    %dma_start3A_106 = tpu.memref_slice %arg5[%dma_start3A_103, %dma_start3A_104, %dma_start3A_105] : memref<5x1x64xi32, #tpu.memory_space<vmem>> -> memref<1x1x64xi32, #tpu.memory_space<vmem>>
    %dma_start3A_107 = tpu.memref_squeeze %dma_start3A_106 : memref<1x1x64xi32, #tpu.memory_space<vmem>> -> memref<64xi32, #tpu.memory_space<vmem>>
    %dma_start3A_108 = arith.constant 0 : i32
    %dma_start3A_109 = arith.constant 0 : i32
    %dma_start3A_110 = tpu.memref_slice %arg3[%dma_start3A_108, %dma_start3A_109] : memref<10000x128xf32, #tpu.memory_space<hbm>> -> memref<10000x128xf32, #tpu.memory_space<hbm>>
    tpu.enqueue_indirect_dma source(%dma_start3A_110 : memref<10000x128xf32, #tpu.memory_space<hbm>>) target(%arg6 : memref<64x128xf32, #tpu.memory_space<vmem>>) offsets(%dma_start3A_107 : memref<64xi32, #tpu.memory_space<vmem>>) semaphore(%arg8 : memref<!tpu.dma_semaphore, #tpu.memory_space<semaphore_mem>>)
    %add3A_111 = arith.constant 192 : i32
    %add3A_112 = arith.addi %mul3A_2, %add3A_111 : i32
    %dma_start3A_113 = arith.constant 0 : i32
    %dma_start3A_114 = tpu.memref_slice %arg4[%add3A_112, %dma_start3A_113] : memref<10240x128xf32, #tpu.memory_space<hbm>> -> memref<64x128xf32, #tpu.memory_space<hbm>>
    %dma_start3A_115 = arith.constant 0 : i32
    %dma_start3A_116 = tpu.memref_slice %arg4[%add3A_112, %dma_start3A_115] : memref<10240x128xf32, #tpu.memory_space<hbm>> -> memref<64x128xf32, #tpu.memory_space<hbm>>
    tpu.enqueue_dma source(%arg7 : memref<64x128xf32, #tpu.memory_space<vmem>>) target(%dma_start3A_116 : memref<64x128xf32, #tpu.memory_space<hbm>>) target_semaphore(%arg11 : memref<!tpu.dma_semaphore, #tpu.memory_space<semaphore_mem>>)
    %dma_wait3A_117 = arith.constant 4 : i32
    %dma_wait3A_118 = arith.constant 0 : i32
    %dma_wait3A_119 = arith.constant 0 : i32
    %dma_wait3A_120 = tpu.memref_slice %arg5[%dma_wait3A_117, %dma_wait3A_118, %dma_wait3A_119] : memref<5x1x64xi32, #tpu.memory_space<vmem>> -> memref<1x1x64xi32, #tpu.memory_space<vmem>>
    %dma_wait3A_121 = tpu.memref_squeeze %dma_wait3A_120 : memref<1x1x64xi32, #tpu.memory_space<vmem>> -> memref<64xi32, #tpu.memory_space<vmem>>
    %dma_wait3A_122 = arith.constant 0 : i32
    %dma_wait3A_123 = arith.constant 0 : i32
    %dma_wait3A_124 = tpu.memref_slice %arg3[%dma_wait3A_122, %dma_wait3A_123] : memref<10000x128xf32, #tpu.memory_space<hbm>> -> memref<10000x128xf32, #tpu.memory_space<hbm>>
    tpu.wait_indirect_dma semaphore(%arg8 : memref<!tpu.dma_semaphore, #tpu.memory_space<semaphore_mem>>) src(%dma_wait3A_124 : memref<10000x128xf32, #tpu.memory_space<hbm>>) dst(%arg6 : memref<64x128xf32, #tpu.memory_space<vmem>>)
    %add3A_125 = arith.constant 256 : i32
    %add3A_126 = arith.addi %mul3A_2, %add3A_125 : i32
    %dma_start3A_127 = arith.constant 0 : i32
    %dma_start3A_128 = tpu.memref_slice %arg4[%add3A_126, %dma_start3A_127] : memref<10240x128xf32, #tpu.memory_space<hbm>> -> memref<64x128xf32, #tpu.memory_space<hbm>>
    %dma_start3A_129 = arith.constant 0 : i32
    %dma_start3A_130 = tpu.memref_slice %arg4[%add3A_126, %dma_start3A_129] : memref<10240x128xf32, #tpu.memory_space<hbm>> -> memref<64x128xf32, #tpu.memory_space<hbm>>
    tpu.enqueue_dma source(%arg6 : memref<64x128xf32, #tpu.memory_space<vmem>>) target(%dma_start3A_130 : memref<64x128xf32, #tpu.memory_space<hbm>>) target_semaphore(%arg10 : memref<!tpu.dma_semaphore, #tpu.memory_space<semaphore_mem>>)
    %add3A_131 = arith.constant 192 : i32
    %add3A_132 = arith.addi %mul3A_2, %add3A_131 : i32
    %dma_wait3A_133 = arith.constant 0 : i32
    %dma_wait3A_134 = tpu.memref_slice %arg4[%add3A_132, %dma_wait3A_133] : memref<10240x128xf32, #tpu.memory_space<hbm>> -> memref<64x128xf32, #tpu.memory_space<hbm>>
    %dma_wait3A_135 = arith.constant 0 : i32
    %dma_wait3A_136 = tpu.memref_slice %arg4[%add3A_132, %dma_wait3A_135] : memref<10240x128xf32, #tpu.memory_space<hbm>> -> memref<64x128xf32, #tpu.memory_space<hbm>>
    tpu.wait_dma2 semaphore(%arg11 : memref<!tpu.dma_semaphore, #tpu.memory_space<semaphore_mem>>) src(%arg7 : memref<64x128xf32, #tpu.memory_space<vmem>>) dst(%dma_wait3A_136 : memref<64x128xf32, #tpu.memory_space<hbm>>)
    %add3A_137 = arith.constant 256 : i32
    %add3A_138 = arith.addi %mul3A_2, %add3A_137 : i32
    %dma_wait3A_139 = arith.constant 0 : i32
    %dma_wait3A_140 = tpu.memref_slice %arg4[%add3A_138, %dma_wait3A_139] : memref<10240x128xf32, #tpu.memory_space<hbm>> -> memref<64x128xf32, #tpu.memory_space<hbm>>
    %dma_wait3A_141 = arith.constant 0 : i32
    %dma_wait3A_142 = tpu.memref_slice %arg4[%add3A_138, %dma_wait3A_141] : memref<10240x128xf32, #tpu.memory_space<hbm>> -> memref<64x128xf32, #tpu.memory_space<hbm>>
    tpu.wait_dma2 semaphore(%arg10 : memref<!tpu.dma_semaphore, #tpu.memory_space<semaphore_mem>>) src(%arg6 : memref<64x128xf32, #tpu.memory_space<vmem>>) dst(%dma_wait3A_142 : memref<64x128xf32, #tpu.memory_space<hbm>>)
    return
  }
}

#map = affine_map<(d0, d1) -> (0, 0)>
#map1 = affine_map<(d0, d1) -> (0)>
#map2 = affine_map<(d0, d1) -> (0, 0, 0)>
module attributes {stable_mosaic.version = 14 : i64} {
  func.func @_segsum_body(%arg0: i32, %arg1: i32, %arg2: memref<10240x128xf32, #tpu.memory_space<hbm>>, %arg3: memref<5120x64xi32, #tpu.memory_space<hbm>>, %arg4: memref<5120x64xi32, #tpu.memory_space<hbm>>, %arg5: memref<10240x128xf32, #tpu.memory_space<hbm>>, %arg6: memref<10240xf32, #tpu.memory_space<hbm>>, %arg7: memref<2x10240x128xf32, #tpu.memory_space<hbm>>, %arg8: memref<10112x128xf32, #tpu.memory_space<vmem_shared>>, %arg9: memref<80x64xi32, #tpu.memory_space<vmem>>, %arg10: memref<80x64xi32, #tpu.memory_space<vmem>>, %arg11: memref<64x128xf32, #tpu.memory_space<vmem>>, %arg12: memref<64x128xf32, #tpu.memory_space<vmem>>, %arg13: memref<!tpu.dma_semaphore, #tpu.memory_space<semaphore_mem>>, %arg14: memref<!tpu.dma_semaphore, #tpu.memory_space<semaphore_mem>>, %arg15: memref<!tpu.dma_semaphore, #tpu.memory_space<semaphore_mem>>, %arg16: memref<!tpu.dma_semaphore, #tpu.memory_space<semaphore_mem>>) attributes {dimension_semantics = [#tpu.dimension_semantics<core_parallel>, #tpu.dimension_semantics<subcore_parallel>], iteration_bounds = array<i64: 2, 16>, scalar_prefetch = 0 : i64, scratch_operands = 9 : i64, tpu.core_type = #tpu.core_type<sc_vector_subcore>, window_params = [{transform_indices = #map}, {transform_indices = #map}, {transform_indices = #map}, {transform_indices = #map}, {transform_indices = #map1}, {transform_indices = #map2}]} {
    %mul3A = arith.constant 632 : i32
    %mul3A_0 = arith.muli %mul3A, %arg1 : i32
    %mul3A_1 = arith.constant 16 : i32
    %mul3A_2 = arith.muli %mul3A_1, %arg0 : i32
    %add3A = arith.addi %mul3A_2, %arg1 : i32
    %mul3A_3 = arith.constant 160 : i32
    %mul3A_4 = arith.muli %add3A, %mul3A_3 : i32
    "tpu.region"() ({
      %run_scoped3A = tpu.sem_alloc : memref<!tpu.dma_semaphore, #tpu.memory_space<semaphore_mem>>
      %dma_start3A_47 = arith.constant 0 : i32
      %dma_start3A_48 = tpu.memref_slice %arg8[%mul3A_0, %dma_start3A_47] : memref<10112x128xf32, #tpu.memory_space<vmem_shared>> -> memref<632x128xf32, #tpu.memory_space<vmem_shared>>
      %dma_start3A_49 = arith.constant 0 : i32
      %dma_start3A_50 = tpu.memref_slice %arg5[%mul3A_0, %dma_start3A_49] : memref<10240x128xf32, #tpu.memory_space<hbm>> -> memref<632x128xf32, #tpu.memory_space<hbm>>
      tpu.enqueue_dma source(%dma_start3A_50 : memref<632x128xf32, #tpu.memory_space<hbm>>) target(%dma_start3A_48 : memref<632x128xf32, #tpu.memory_space<vmem_shared>>) target_semaphore(%run_scoped3A : memref<!tpu.dma_semaphore, #tpu.memory_space<semaphore_mem>>)
      %dma_wait3A_51 = arith.constant 0 : i32
      %dma_wait3A_52 = tpu.memref_slice %arg8[%mul3A_0, %dma_wait3A_51] : memref<10112x128xf32, #tpu.memory_space<vmem_shared>> -> memref<632x128xf32, #tpu.memory_space<vmem_shared>>
      %dma_wait3A_53 = arith.constant 0 : i32
      %dma_wait3A_54 = tpu.memref_slice %arg5[%mul3A_0, %dma_wait3A_53] : memref<10240x128xf32, #tpu.memory_space<hbm>> -> memref<632x128xf32, #tpu.memory_space<hbm>>
      tpu.wait_dma2 semaphore(%run_scoped3A : memref<!tpu.dma_semaphore, #tpu.memory_space<semaphore_mem>>) src(%dma_wait3A_54 : memref<632x128xf32, #tpu.memory_space<hbm>>) dst(%dma_wait3A_52 : memref<632x128xf32, #tpu.memory_space<vmem_shared>>)
      tpu.yield
    }) : () -> ()
    %barrier3A = arith.constant 0 : index
    tpu.barrier barrier_id(%barrier3A)
    %add3A_5 = arith.constant 0 : i32
    %add3A_6 = arith.addi %mul3A_4, %add3A_5 : i32
    "tpu.region"() ({
      %run_scoped3A = tpu.sem_alloc : memref<!tpu.dma_semaphore, #tpu.memory_space<semaphore_mem>>
      %dma_start3A_47 = arith.constant 0 : i32
      %dma_start3A_48 = tpu.memref_slice %arg3[%add3A_6, %dma_start3A_47] : memref<5120x64xi32, #tpu.memory_space<hbm>> -> memref<80x64xi32, #tpu.memory_space<hbm>>
      %dma_start3A_49 = arith.constant 0 : i32
      %dma_start3A_50 = tpu.memref_slice %arg3[%add3A_6, %dma_start3A_49] : memref<5120x64xi32, #tpu.memory_space<hbm>> -> memref<80x64xi32, #tpu.memory_space<hbm>>
      tpu.enqueue_dma source(%dma_start3A_50 : memref<80x64xi32, #tpu.memory_space<hbm>>) target(%arg9 : memref<80x64xi32, #tpu.memory_space<vmem>>) target_semaphore(%run_scoped3A : memref<!tpu.dma_semaphore, #tpu.memory_space<semaphore_mem>>)
      %dma_wait3A_51 = arith.constant 0 : i32
      %dma_wait3A_52 = tpu.memref_slice %arg3[%add3A_6, %dma_wait3A_51] : memref<5120x64xi32, #tpu.memory_space<hbm>> -> memref<80x64xi32, #tpu.memory_space<hbm>>
      %dma_wait3A_53 = arith.constant 0 : i32
      %dma_wait3A_54 = tpu.memref_slice %arg3[%add3A_6, %dma_wait3A_53] : memref<5120x64xi32, #tpu.memory_space<hbm>> -> memref<80x64xi32, #tpu.memory_space<hbm>>
      tpu.wait_dma2 semaphore(%run_scoped3A : memref<!tpu.dma_semaphore, #tpu.memory_space<semaphore_mem>>) src(%dma_wait3A_54 : memref<80x64xi32, #tpu.memory_space<hbm>>) dst(%arg9 : memref<80x64xi32, #tpu.memory_space<vmem>>)
      tpu.yield
    }) : () -> ()
    "tpu.region"() ({
      %run_scoped3A = tpu.sem_alloc : memref<!tpu.dma_semaphore, #tpu.memory_space<semaphore_mem>>
      %dma_start3A_47 = arith.constant 0 : i32
      %dma_start3A_48 = tpu.memref_slice %arg4[%add3A_6, %dma_start3A_47] : memref<5120x64xi32, #tpu.memory_space<hbm>> -> memref<80x64xi32, #tpu.memory_space<hbm>>
      %dma_start3A_49 = arith.constant 0 : i32
      %dma_start3A_50 = tpu.memref_slice %arg4[%add3A_6, %dma_start3A_49] : memref<5120x64xi32, #tpu.memory_space<hbm>> -> memref<80x64xi32, #tpu.memory_space<hbm>>
      tpu.enqueue_dma source(%dma_start3A_50 : memref<80x64xi32, #tpu.memory_space<hbm>>) target(%arg10 : memref<80x64xi32, #tpu.memory_space<vmem>>) target_semaphore(%run_scoped3A : memref<!tpu.dma_semaphore, #tpu.memory_space<semaphore_mem>>)
      %dma_wait3A_51 = arith.constant 0 : i32
      %dma_wait3A_52 = tpu.memref_slice %arg4[%add3A_6, %dma_wait3A_51] : memref<5120x64xi32, #tpu.memory_space<hbm>> -> memref<80x64xi32, #tpu.memory_space<hbm>>
      %dma_wait3A_53 = arith.constant 0 : i32
      %dma_wait3A_54 = tpu.memref_slice %arg4[%add3A_6, %dma_wait3A_53] : memref<5120x64xi32, #tpu.memory_space<hbm>> -> memref<80x64xi32, #tpu.memory_space<hbm>>
      tpu.wait_dma2 semaphore(%run_scoped3A : memref<!tpu.dma_semaphore, #tpu.memory_space<semaphore_mem>>) src(%dma_wait3A_54 : memref<80x64xi32, #tpu.memory_space<hbm>>) dst(%arg10 : memref<80x64xi32, #tpu.memory_space<vmem>>)
      tpu.yield
    }) : () -> ()
    %dma_start3A = arith.constant 0 : i32
    %dma_start3A_7 = arith.constant 0 : i32
    %dma_start3A_8 = tpu.memref_slice %arg10[%dma_start3A, %dma_start3A_7] : memref<80x64xi32, #tpu.memory_space<vmem>> -> memref<1x64xi32, #tpu.memory_space<vmem>>
    %dma_start3A_9 = tpu.memref_squeeze %dma_start3A_8 : memref<1x64xi32, #tpu.memory_space<vmem>> -> memref<64xi32, #tpu.memory_space<vmem>>
    %dma_start3A_10 = arith.constant 0 : i32
    %dma_start3A_11 = arith.constant 0 : i32
    %dma_start3A_12 = tpu.memref_slice %arg2[%dma_start3A_10, %dma_start3A_11] : memref<10240x128xf32, #tpu.memory_space<hbm>> -> memref<10240x128xf32, #tpu.memory_space<hbm>>
    tpu.enqueue_indirect_dma source(%dma_start3A_12 : memref<10240x128xf32, #tpu.memory_space<hbm>>) target(%arg11 : memref<64x128xf32, #tpu.memory_space<vmem>>) offsets(%dma_start3A_9 : memref<64xi32, #tpu.memory_space<vmem>>) semaphore(%arg13 : memref<!tpu.dma_semaphore, #tpu.memory_space<semaphore_mem>>)
    %scan3A = arith.constant 0 : i32
    %scan3A_13 = arith.constant 0 : i32
    %scan3A_14 = arith.constant 40 : i32
    %scan3A_15 = arith.addi %scan3A_13, %scan3A_14 : i32
    %scan3A_16 = arith.constant 1 : i32
    scf.for %scan3A_47 = %scan3A_13 to %scan3A_15 step %scan3A_16  : i32 {
      %mul3A_48 = arith.constant 2 : i32
      %mul3A_49 = arith.muli %mul3A_48, %scan3A_47 : i32
      %add3A_50 = arith.constant 0 : i32
      %add3A_51 = arith.addi %mul3A_49, %add3A_50 : i32
      %dma_wait3A_52 = arith.constant 0 : i32
      %dma_wait3A_53 = tpu.memref_slice %arg10[%add3A_51, %dma_wait3A_52] : memref<80x64xi32, #tpu.memory_space<vmem>> -> memref<1x64xi32, #tpu.memory_space<vmem>>
      %dma_wait3A_54 = tpu.memref_squeeze %dma_wait3A_53 : memref<1x64xi32, #tpu.memory_space<vmem>> -> memref<64xi32, #tpu.memory_space<vmem>>
      %dma_wait3A_55 = arith.constant 0 : i32
      %dma_wait3A_56 = arith.constant 0 : i32
      %dma_wait3A_57 = tpu.memref_slice %arg2[%dma_wait3A_55, %dma_wait3A_56] : memref<10240x128xf32, #tpu.memory_space<hbm>> -> memref<10240x128xf32, #tpu.memory_space<hbm>>
      tpu.wait_indirect_dma semaphore(%arg13 : memref<!tpu.dma_semaphore, #tpu.memory_space<semaphore_mem>>) src(%dma_wait3A_57 : memref<10240x128xf32, #tpu.memory_space<hbm>>) dst(%arg11 : memref<64x128xf32, #tpu.memory_space<vmem>>)
      %ge3A = arith.constant 1 : i32
      %ge3A_58 = arith.cmpi sge, %add3A_51, %ge3A : i32
      %convert_element_type3A = arith.extui %ge3A_58 : i1 to i32
      %cond3A = arith.constant 0 : i32
      %cond3A_59 = arith.cmpi ne, %convert_element_type3A, %cond3A : i32
      scf.if %cond3A_59 {
        %sub3A_103 = arith.constant 1 : i32
        %sub3A_104 = arith.subi %add3A_51, %sub3A_103 : i32
        %dma_wait3A_105 = arith.constant 0 : i32
        %dma_wait3A_106 = tpu.memref_slice %arg9[%sub3A_104, %dma_wait3A_105] : memref<80x64xi32, #tpu.memory_space<vmem>> -> memref<1x64xi32, #tpu.memory_space<vmem>>
        %dma_wait3A_107 = tpu.memref_squeeze %dma_wait3A_106 : memref<1x64xi32, #tpu.memory_space<vmem>> -> memref<64xi32, #tpu.memory_space<vmem>>
        %dma_wait3A_108 = arith.constant 0 : i32
        %dma_wait3A_109 = arith.constant 0 : i32
        %dma_wait3A_110 = tpu.memref_slice %arg8[%dma_wait3A_108, %dma_wait3A_109] : memref<10112x128xf32, #tpu.memory_space<vmem_shared>> -> memref<10112x128xf32, #tpu.memory_space<vmem_shared>>
        tpu.wait_indirect_dma semaphore(%arg16 : memref<!tpu.dma_semaphore, #tpu.memory_space<semaphore_mem>>) src(%arg12 : memref<64x128xf32, #tpu.memory_space<vmem>>) dst(%dma_wait3A_110 : memref<10112x128xf32, #tpu.memory_space<vmem_shared>>)
      } else {
      }
      %add3A_60 = arith.constant 1 : i32
      %add3A_61 = arith.addi %add3A_51, %add3A_60 : i32
      %dma_start3A_62 = arith.constant 0 : i32
      %dma_start3A_63 = tpu.memref_slice %arg10[%add3A_61, %dma_start3A_62] : memref<80x64xi32, #tpu.memory_space<vmem>> -> memref<1x64xi32, #tpu.memory_space<vmem>>
      %dma_start3A_64 = tpu.memref_squeeze %dma_start3A_63 : memref<1x64xi32, #tpu.memory_space<vmem>> -> memref<64xi32, #tpu.memory_space<vmem>>
      %dma_start3A_65 = arith.constant 0 : i32
      %dma_start3A_66 = arith.constant 0 : i32
      %dma_start3A_67 = tpu.memref_slice %arg2[%dma_start3A_65, %dma_start3A_66] : memref<10240x128xf32, #tpu.memory_space<hbm>> -> memref<10240x128xf32, #tpu.memory_space<hbm>>
      tpu.enqueue_indirect_dma source(%dma_start3A_67 : memref<10240x128xf32, #tpu.memory_space<hbm>>) target(%arg12 : memref<64x128xf32, #tpu.memory_space<vmem>>) offsets(%dma_start3A_64 : memref<64xi32, #tpu.memory_space<vmem>>) semaphore(%arg14 : memref<!tpu.dma_semaphore, #tpu.memory_space<semaphore_mem>>)
      %dma_start3A_68 = arith.constant 0 : i32
      %dma_start3A_69 = tpu.memref_slice %arg9[%add3A_51, %dma_start3A_68] : memref<80x64xi32, #tpu.memory_space<vmem>> -> memref<1x64xi32, #tpu.memory_space<vmem>>
      %dma_start3A_70 = tpu.memref_squeeze %dma_start3A_69 : memref<1x64xi32, #tpu.memory_space<vmem>> -> memref<64xi32, #tpu.memory_space<vmem>>
      %dma_start3A_71 = arith.constant 0 : i32
      %dma_start3A_72 = arith.constant 0 : i32
      %dma_start3A_73 = tpu.memref_slice %arg8[%dma_start3A_71, %dma_start3A_72] : memref<10112x128xf32, #tpu.memory_space<vmem_shared>> -> memref<10112x128xf32, #tpu.memory_space<vmem_shared>>
      tpu.enqueue_indirect_dma source(%arg11 : memref<64x128xf32, #tpu.memory_space<vmem>>) target(%dma_start3A_73 : memref<10112x128xf32, #tpu.memory_space<vmem_shared>>) offsets(%dma_start3A_70 : memref<64xi32, #tpu.memory_space<vmem>>) semaphore(%arg15 : memref<!tpu.dma_semaphore, #tpu.memory_space<semaphore_mem>>) {add = true}
      %mul3A_74 = arith.constant 2 : i32
      %mul3A_75 = arith.muli %mul3A_74, %scan3A_47 : i32
      %add3A_76 = arith.constant 1 : i32
      %add3A_77 = arith.addi %mul3A_75, %add3A_76 : i32
      %dma_wait3A_78 = arith.constant 0 : i32
      %dma_wait3A_79 = tpu.memref_slice %arg10[%add3A_77, %dma_wait3A_78] : memref<80x64xi32, #tpu.memory_space<vmem>> -> memref<1x64xi32, #tpu.memory_space<vmem>>
      %dma_wait3A_80 = tpu.memref_squeeze %dma_wait3A_79 : memref<1x64xi32, #tpu.memory_space<vmem>> -> memref<64xi32, #tpu.memory_space<vmem>>
      %dma_wait3A_81 = arith.constant 0 : i32
      %dma_wait3A_82 = arith.constant 0 : i32
      %dma_wait3A_83 = tpu.memref_slice %arg2[%dma_wait3A_81, %dma_wait3A_82] : memref<10240x128xf32, #tpu.memory_space<hbm>> -> memref<10240x128xf32, #tpu.memory_space<hbm>>
      tpu.wait_indirect_dma semaphore(%arg14 : memref<!tpu.dma_semaphore, #tpu.memory_space<semaphore_mem>>) src(%dma_wait3A_83 : memref<10240x128xf32, #tpu.memory_space<hbm>>) dst(%arg12 : memref<64x128xf32, #tpu.memory_space<vmem>>)
      %sub3A = arith.constant 1 : i32
      %sub3A_84 = arith.subi %add3A_77, %sub3A : i32
      %dma_wait3A_85 = arith.constant 0 : i32
      %dma_wait3A_86 = tpu.memref_slice %arg9[%sub3A_84, %dma_wait3A_85] : memref<80x64xi32, #tpu.memory_space<vmem>> -> memref<1x64xi32, #tpu.memory_space<vmem>>
      %dma_wait3A_87 = tpu.memref_squeeze %dma_wait3A_86 : memref<1x64xi32, #tpu.memory_space<vmem>> -> memref<64xi32, #tpu.memory_space<vmem>>
      %dma_wait3A_88 = arith.constant 0 : i32
      %dma_wait3A_89 = arith.constant 0 : i32
      %dma_wait3A_90 = tpu.memref_slice %arg8[%dma_wait3A_88, %dma_wait3A_89] : memref<10112x128xf32, #tpu.memory_space<vmem_shared>> -> memref<10112x128xf32, #tpu.memory_space<vmem_shared>>
      tpu.wait_indirect_dma semaphore(%arg15 : memref<!tpu.dma_semaphore, #tpu.memory_space<semaphore_mem>>) src(%arg11 : memref<64x128xf32, #tpu.memory_space<vmem>>) dst(%dma_wait3A_90 : memref<10112x128xf32, #tpu.memory_space<vmem_shared>>)
      %add3A_91 = arith.constant 1 : i32
      %add3A_92 = arith.addi %add3A_77, %add3A_91 : i32
      %lt3A = arith.constant 80 : i32
      %lt3A_93 = arith.cmpi slt, %add3A_92, %lt3A : i32
      %convert_element_type3A_94 = arith.extui %lt3A_93 : i1 to i32
      %cond3A_95 = arith.constant 0 : i32
      %cond3A_96 = arith.cmpi ne, %convert_element_type3A_94, %cond3A_95 : i32
      scf.if %cond3A_96 {
        %add3A_103 = arith.constant 1 : i32
        %add3A_104 = arith.addi %add3A_77, %add3A_103 : i32
        %dma_start3A_105 = arith.constant 0 : i32
        %dma_start3A_106 = tpu.memref_slice %arg10[%add3A_104, %dma_start3A_105] : memref<80x64xi32, #tpu.memory_space<vmem>> -> memref<1x64xi32, #tpu.memory_space<vmem>>
        %dma_start3A_107 = tpu.memref_squeeze %dma_start3A_106 : memref<1x64xi32, #tpu.memory_space<vmem>> -> memref<64xi32, #tpu.memory_space<vmem>>
        %dma_start3A_108 = arith.constant 0 : i32
        %dma_start3A_109 = arith.constant 0 : i32
        %dma_start3A_110 = tpu.memref_slice %arg2[%dma_start3A_108, %dma_start3A_109] : memref<10240x128xf32, #tpu.memory_space<hbm>> -> memref<10240x128xf32, #tpu.memory_space<hbm>>
        tpu.enqueue_indirect_dma source(%dma_start3A_110 : memref<10240x128xf32, #tpu.memory_space<hbm>>) target(%arg11 : memref<64x128xf32, #tpu.memory_space<vmem>>) offsets(%dma_start3A_107 : memref<64xi32, #tpu.memory_space<vmem>>) semaphore(%arg13 : memref<!tpu.dma_semaphore, #tpu.memory_space<semaphore_mem>>)
      } else {
      }
      %dma_start3A_97 = arith.constant 0 : i32
      %dma_start3A_98 = tpu.memref_slice %arg9[%add3A_77, %dma_start3A_97] : memref<80x64xi32, #tpu.memory_space<vmem>> -> memref<1x64xi32, #tpu.memory_space<vmem>>
      %dma_start3A_99 = tpu.memref_squeeze %dma_start3A_98 : memref<1x64xi32, #tpu.memory_space<vmem>> -> memref<64xi32, #tpu.memory_space<vmem>>
      %dma_start3A_100 = arith.constant 0 : i32
      %dma_start3A_101 = arith.constant 0 : i32
      %dma_start3A_102 = tpu.memref_slice %arg8[%dma_start3A_100, %dma_start3A_101] : memref<10112x128xf32, #tpu.memory_space<vmem_shared>> -> memref<10112x128xf32, #tpu.memory_space<vmem_shared>>
      tpu.enqueue_indirect_dma source(%arg12 : memref<64x128xf32, #tpu.memory_space<vmem>>) target(%dma_start3A_102 : memref<10112x128xf32, #tpu.memory_space<vmem_shared>>) offsets(%dma_start3A_99 : memref<64xi32, #tpu.memory_space<vmem>>) semaphore(%arg16 : memref<!tpu.dma_semaphore, #tpu.memory_space<semaphore_mem>>) {add = true}
    }
    %scan3A_17 = arith.constant 40 : i32
    %dma_wait3A = arith.constant 79 : i32
    %dma_wait3A_18 = arith.constant 0 : i32
    %dma_wait3A_19 = tpu.memref_slice %arg9[%dma_wait3A, %dma_wait3A_18] : memref<80x64xi32, #tpu.memory_space<vmem>> -> memref<1x64xi32, #tpu.memory_space<vmem>>
    %dma_wait3A_20 = tpu.memref_squeeze %dma_wait3A_19 : memref<1x64xi32, #tpu.memory_space<vmem>> -> memref<64xi32, #tpu.memory_space<vmem>>
    %dma_wait3A_21 = arith.constant 0 : i32
    %dma_wait3A_22 = arith.constant 0 : i32
    %dma_wait3A_23 = tpu.memref_slice %arg8[%dma_wait3A_21, %dma_wait3A_22] : memref<10112x128xf32, #tpu.memory_space<vmem_shared>> -> memref<10112x128xf32, #tpu.memory_space<vmem_shared>>
    tpu.wait_indirect_dma semaphore(%arg16 : memref<!tpu.dma_semaphore, #tpu.memory_space<semaphore_mem>>) src(%arg12 : memref<64x128xf32, #tpu.memory_space<vmem>>) dst(%dma_wait3A_23 : memref<10112x128xf32, #tpu.memory_space<vmem_shared>>)
    %add3A_24 = arith.constant 80 : i32
    %add3A_25 = arith.addi %mul3A_4, %add3A_24 : i32
    "tpu.region"() ({
      %run_scoped3A = tpu.sem_alloc : memref<!tpu.dma_semaphore, #tpu.memory_space<semaphore_mem>>
      %dma_start3A_47 = arith.constant 0 : i32
      %dma_start3A_48 = tpu.memref_slice %arg3[%add3A_25, %dma_start3A_47] : memref<5120x64xi32, #tpu.memory_space<hbm>> -> memref<80x64xi32, #tpu.memory_space<hbm>>
      %dma_start3A_49 = arith.constant 0 : i32
      %dma_start3A_50 = tpu.memref_slice %arg3[%add3A_25, %dma_start3A_49] : memref<5120x64xi32, #tpu.memory_space<hbm>> -> memref<80x64xi32, #tpu.memory_space<hbm>>
      tpu.enqueue_dma source(%dma_start3A_50 : memref<80x64xi32, #tpu.memory_space<hbm>>) target(%arg9 : memref<80x64xi32, #tpu.memory_space<vmem>>) target_semaphore(%run_scoped3A : memref<!tpu.dma_semaphore, #tpu.memory_space<semaphore_mem>>)
      %dma_wait3A_51 = arith.constant 0 : i32
      %dma_wait3A_52 = tpu.memref_slice %arg3[%add3A_25, %dma_wait3A_51] : memref<5120x64xi32, #tpu.memory_space<hbm>> -> memref<80x64xi32, #tpu.memory_space<hbm>>
      %dma_wait3A_53 = arith.constant 0 : i32
      %dma_wait3A_54 = tpu.memref_slice %arg3[%add3A_25, %dma_wait3A_53] : memref<5120x64xi32, #tpu.memory_space<hbm>> -> memref<80x64xi32, #tpu.memory_space<hbm>>
      tpu.wait_dma2 semaphore(%run_scoped3A : memref<!tpu.dma_semaphore, #tpu.memory_space<semaphore_mem>>) src(%dma_wait3A_54 : memref<80x64xi32, #tpu.memory_space<hbm>>) dst(%arg9 : memref<80x64xi32, #tpu.memory_space<vmem>>)
      tpu.yield
    }) : () -> ()
    "tpu.region"() ({
      %run_scoped3A = tpu.sem_alloc : memref<!tpu.dma_semaphore, #tpu.memory_space<semaphore_mem>>
      %dma_start3A_47 = arith.constant 0 : i32
      %dma_start3A_48 = tpu.memref_slice %arg4[%add3A_25, %dma_start3A_47] : memref<5120x64xi32, #tpu.memory_space<hbm>> -> memref<80x64xi32, #tpu.memory_space<hbm>>
      %dma_start3A_49 = arith.constant 0 : i32
      %dma_start3A_50 = tpu.memref_slice %arg4[%add3A_25, %dma_start3A_49] : memref<5120x64xi32, #tpu.memory_space<hbm>> -> memref<80x64xi32, #tpu.memory_space<hbm>>
      tpu.enqueue_dma source(%dma_start3A_50 : memref<80x64xi32, #tpu.memory_space<hbm>>) target(%arg10 : memref<80x64xi32, #tpu.memory_space<vmem>>) target_semaphore(%run_scoped3A : memref<!tpu.dma_semaphore, #tpu.memory_space<semaphore_mem>>)
      %dma_wait3A_51 = arith.constant 0 : i32
      %dma_wait3A_52 = tpu.memref_slice %arg4[%add3A_25, %dma_wait3A_51] : memref<5120x64xi32, #tpu.memory_space<hbm>> -> memref<80x64xi32, #tpu.memory_space<hbm>>
      %dma_wait3A_53 = arith.constant 0 : i32
      %dma_wait3A_54 = tpu.memref_slice %arg4[%add3A_25, %dma_wait3A_53] : memref<5120x64xi32, #tpu.memory_space<hbm>> -> memref<80x64xi32, #tpu.memory_space<hbm>>
      tpu.wait_dma2 semaphore(%run_scoped3A : memref<!tpu.dma_semaphore, #tpu.memory_space<semaphore_mem>>) src(%dma_wait3A_54 : memref<80x64xi32, #tpu.memory_space<hbm>>) dst(%arg10 : memref<80x64xi32, #tpu.memory_space<vmem>>)
      tpu.yield
    }) : () -> ()
    %dma_start3A_26 = arith.constant 0 : i32
    %dma_start3A_27 = arith.constant 0 : i32
    %dma_start3A_28 = tpu.memref_slice %arg10[%dma_start3A_26, %dma_start3A_27] : memref<80x64xi32, #tpu.memory_space<vmem>> -> memref<1x64xi32, #tpu.memory_space<vmem>>
    %dma_start3A_29 = tpu.memref_squeeze %dma_start3A_28 : memref<1x64xi32, #tpu.memory_space<vmem>> -> memref<64xi32, #tpu.memory_space<vmem>>
    %dma_start3A_30 = arith.constant 0 : i32
    %dma_start3A_31 = arith.constant 0 : i32
    %dma_start3A_32 = tpu.memref_slice %arg2[%dma_start3A_30, %dma_start3A_31] : memref<10240x128xf32, #tpu.memory_space<hbm>> -> memref<10240x128xf32, #tpu.memory_space<hbm>>
    tpu.enqueue_indirect_dma source(%dma_start3A_32 : memref<10240x128xf32, #tpu.memory_space<hbm>>) target(%arg11 : memref<64x128xf32, #tpu.memory_space<vmem>>) offsets(%dma_start3A_29 : memref<64xi32, #tpu.memory_space<vmem>>) semaphore(%arg13 : memref<!tpu.dma_semaphore, #tpu.memory_space<semaphore_mem>>)
    %scan3A_33 = arith.constant 0 : i32
    %scan3A_34 = arith.constant 0 : i32
    %scan3A_35 = arith.constant 40 : i32
    %scan3A_36 = arith.addi %scan3A_34, %scan3A_35 : i32
    %scan3A_37 = arith.constant 1 : i32
    scf.for %scan3A_47 = %scan3A_34 to %scan3A_36 step %scan3A_37  : i32 {
      %mul3A_48 = arith.constant 2 : i32
      %mul3A_49 = arith.muli %mul3A_48, %scan3A_47 : i32
      %add3A_50 = arith.constant 0 : i32
      %add3A_51 = arith.addi %mul3A_49, %add3A_50 : i32
      %dma_wait3A_52 = arith.constant 0 : i32
      %dma_wait3A_53 = tpu.memref_slice %arg10[%add3A_51, %dma_wait3A_52] : memref<80x64xi32, #tpu.memory_space<vmem>> -> memref<1x64xi32, #tpu.memory_space<vmem>>
      %dma_wait3A_54 = tpu.memref_squeeze %dma_wait3A_53 : memref<1x64xi32, #tpu.memory_space<vmem>> -> memref<64xi32, #tpu.memory_space<vmem>>
      %dma_wait3A_55 = arith.constant 0 : i32
      %dma_wait3A_56 = arith.constant 0 : i32
      %dma_wait3A_57 = tpu.memref_slice %arg2[%dma_wait3A_55, %dma_wait3A_56] : memref<10240x128xf32, #tpu.memory_space<hbm>> -> memref<10240x128xf32, #tpu.memory_space<hbm>>
      tpu.wait_indirect_dma semaphore(%arg13 : memref<!tpu.dma_semaphore, #tpu.memory_space<semaphore_mem>>) src(%dma_wait3A_57 : memref<10240x128xf32, #tpu.memory_space<hbm>>) dst(%arg11 : memref<64x128xf32, #tpu.memory_space<vmem>>)
      %ge3A = arith.constant 1 : i32
      %ge3A_58 = arith.cmpi sge, %add3A_51, %ge3A : i32
      %convert_element_type3A = arith.extui %ge3A_58 : i1 to i32
      %cond3A = arith.constant 0 : i32
      %cond3A_59 = arith.cmpi ne, %convert_element_type3A, %cond3A : i32
      scf.if %cond3A_59 {
        %sub3A_103 = arith.constant 1 : i32
        %sub3A_104 = arith.subi %add3A_51, %sub3A_103 : i32
        %dma_wait3A_105 = arith.constant 0 : i32
        %dma_wait3A_106 = tpu.memref_slice %arg9[%sub3A_104, %dma_wait3A_105] : memref<80x64xi32, #tpu.memory_space<vmem>> -> memref<1x64xi32, #tpu.memory_space<vmem>>
        %dma_wait3A_107 = tpu.memref_squeeze %dma_wait3A_106 : memref<1x64xi32, #tpu.memory_space<vmem>> -> memref<64xi32, #tpu.memory_space<vmem>>
        %dma_wait3A_108 = arith.constant 0 : i32
        %dma_wait3A_109 = arith.constant 0 : i32
        %dma_wait3A_110 = tpu.memref_slice %arg8[%dma_wait3A_108, %dma_wait3A_109] : memref<10112x128xf32, #tpu.memory_space<vmem_shared>> -> memref<10112x128xf32, #tpu.memory_space<vmem_shared>>
        tpu.wait_indirect_dma semaphore(%arg16 : memref<!tpu.dma_semaphore, #tpu.memory_space<semaphore_mem>>) src(%arg12 : memref<64x128xf32, #tpu.memory_space<vmem>>) dst(%dma_wait3A_110 : memref<10112x128xf32, #tpu.memory_space<vmem_shared>>)
      } else {
      }
      %add3A_60 = arith.constant 1 : i32
      %add3A_61 = arith.addi %add3A_51, %add3A_60 : i32
      %dma_start3A_62 = arith.constant 0 : i32
      %dma_start3A_63 = tpu.memref_slice %arg10[%add3A_61, %dma_start3A_62] : memref<80x64xi32, #tpu.memory_space<vmem>> -> memref<1x64xi32, #tpu.memory_space<vmem>>
      %dma_start3A_64 = tpu.memref_squeeze %dma_start3A_63 : memref<1x64xi32, #tpu.memory_space<vmem>> -> memref<64xi32, #tpu.memory_space<vmem>>
      %dma_start3A_65 = arith.constant 0 : i32
      %dma_start3A_66 = arith.constant 0 : i32
      %dma_start3A_67 = tpu.memref_slice %arg2[%dma_start3A_65, %dma_start3A_66] : memref<10240x128xf32, #tpu.memory_space<hbm>> -> memref<10240x128xf32, #tpu.memory_space<hbm>>
      tpu.enqueue_indirect_dma source(%dma_start3A_67 : memref<10240x128xf32, #tpu.memory_space<hbm>>) target(%arg12 : memref<64x128xf32, #tpu.memory_space<vmem>>) offsets(%dma_start3A_64 : memref<64xi32, #tpu.memory_space<vmem>>) semaphore(%arg14 : memref<!tpu.dma_semaphore, #tpu.memory_space<semaphore_mem>>)
      %dma_start3A_68 = arith.constant 0 : i32
      %dma_start3A_69 = tpu.memref_slice %arg9[%add3A_51, %dma_start3A_68] : memref<80x64xi32, #tpu.memory_space<vmem>> -> memref<1x64xi32, #tpu.memory_space<vmem>>
      %dma_start3A_70 = tpu.memref_squeeze %dma_start3A_69 : memref<1x64xi32, #tpu.memory_space<vmem>> -> memref<64xi32, #tpu.memory_space<vmem>>
      %dma_start3A_71 = arith.constant 0 : i32
      %dma_start3A_72 = arith.constant 0 : i32
      %dma_start3A_73 = tpu.memref_slice %arg8[%dma_start3A_71, %dma_start3A_72] : memref<10112x128xf32, #tpu.memory_space<vmem_shared>> -> memref<10112x128xf32, #tpu.memory_space<vmem_shared>>
      tpu.enqueue_indirect_dma source(%arg11 : memref<64x128xf32, #tpu.memory_space<vmem>>) target(%dma_start3A_73 : memref<10112x128xf32, #tpu.memory_space<vmem_shared>>) offsets(%dma_start3A_70 : memref<64xi32, #tpu.memory_space<vmem>>) semaphore(%arg15 : memref<!tpu.dma_semaphore, #tpu.memory_space<semaphore_mem>>) {add = true}
      %mul3A_74 = arith.constant 2 : i32
      %mul3A_75 = arith.muli %mul3A_74, %scan3A_47 : i32
      %add3A_76 = arith.constant 1 : i32
      %add3A_77 = arith.addi %mul3A_75, %add3A_76 : i32
      %dma_wait3A_78 = arith.constant 0 : i32
      %dma_wait3A_79 = tpu.memref_slice %arg10[%add3A_77, %dma_wait3A_78] : memref<80x64xi32, #tpu.memory_space<vmem>> -> memref<1x64xi32, #tpu.memory_space<vmem>>
      %dma_wait3A_80 = tpu.memref_squeeze %dma_wait3A_79 : memref<1x64xi32, #tpu.memory_space<vmem>> -> memref<64xi32, #tpu.memory_space<vmem>>
      %dma_wait3A_81 = arith.constant 0 : i32
      %dma_wait3A_82 = arith.constant 0 : i32
      %dma_wait3A_83 = tpu.memref_slice %arg2[%dma_wait3A_81, %dma_wait3A_82] : memref<10240x128xf32, #tpu.memory_space<hbm>> -> memref<10240x128xf32, #tpu.memory_space<hbm>>
      tpu.wait_indirect_dma semaphore(%arg14 : memref<!tpu.dma_semaphore, #tpu.memory_space<semaphore_mem>>) src(%dma_wait3A_83 : memref<10240x128xf32, #tpu.memory_space<hbm>>) dst(%arg12 : memref<64x128xf32, #tpu.memory_space<vmem>>)
      %sub3A = arith.constant 1 : i32
      %sub3A_84 = arith.subi %add3A_77, %sub3A : i32
      %dma_wait3A_85 = arith.constant 0 : i32
      %dma_wait3A_86 = tpu.memref_slice %arg9[%sub3A_84, %dma_wait3A_85] : memref<80x64xi32, #tpu.memory_space<vmem>> -> memref<1x64xi32, #tpu.memory_space<vmem>>
      %dma_wait3A_87 = tpu.memref_squeeze %dma_wait3A_86 : memref<1x64xi32, #tpu.memory_space<vmem>> -> memref<64xi32, #tpu.memory_space<vmem>>
      %dma_wait3A_88 = arith.constant 0 : i32
      %dma_wait3A_89 = arith.constant 0 : i32
      %dma_wait3A_90 = tpu.memref_slice %arg8[%dma_wait3A_88, %dma_wait3A_89] : memref<10112x128xf32, #tpu.memory_space<vmem_shared>> -> memref<10112x128xf32, #tpu.memory_space<vmem_shared>>
      tpu.wait_indirect_dma semaphore(%arg15 : memref<!tpu.dma_semaphore, #tpu.memory_space<semaphore_mem>>) src(%arg11 : memref<64x128xf32, #tpu.memory_space<vmem>>) dst(%dma_wait3A_90 : memref<10112x128xf32, #tpu.memory_space<vmem_shared>>)
      %add3A_91 = arith.constant 1 : i32
      %add3A_92 = arith.addi %add3A_77, %add3A_91 : i32
      %lt3A = arith.constant 80 : i32
      %lt3A_93 = arith.cmpi slt, %add3A_92, %lt3A : i32
      %convert_element_type3A_94 = arith.extui %lt3A_93 : i1 to i32
      %cond3A_95 = arith.constant 0 : i32
      %cond3A_96 = arith.cmpi ne, %convert_element_type3A_94, %cond3A_95 : i32
      scf.if %cond3A_96 {
        %add3A_103 = arith.constant 1 : i32
        %add3A_104 = arith.addi %add3A_77, %add3A_103 : i32
        %dma_start3A_105 = arith.constant 0 : i32
        %dma_start3A_106 = tpu.memref_slice %arg10[%add3A_104, %dma_start3A_105] : memref<80x64xi32, #tpu.memory_space<vmem>> -> memref<1x64xi32, #tpu.memory_space<vmem>>
        %dma_start3A_107 = tpu.memref_squeeze %dma_start3A_106 : memref<1x64xi32, #tpu.memory_space<vmem>> -> memref<64xi32, #tpu.memory_space<vmem>>
        %dma_start3A_108 = arith.constant 0 : i32
        %dma_start3A_109 = arith.constant 0 : i32
        %dma_start3A_110 = tpu.memref_slice %arg2[%dma_start3A_108, %dma_start3A_109] : memref<10240x128xf32, #tpu.memory_space<hbm>> -> memref<10240x128xf32, #tpu.memory_space<hbm>>
        tpu.enqueue_indirect_dma source(%dma_start3A_110 : memref<10240x128xf32, #tpu.memory_space<hbm>>) target(%arg11 : memref<64x128xf32, #tpu.memory_space<vmem>>) offsets(%dma_start3A_107 : memref<64xi32, #tpu.memory_space<vmem>>) semaphore(%arg13 : memref<!tpu.dma_semaphore, #tpu.memory_space<semaphore_mem>>)
      } else {
      }
      %dma_start3A_97 = arith.constant 0 : i32
      %dma_start3A_98 = tpu.memref_slice %arg9[%add3A_77, %dma_start3A_97] : memref<80x64xi32, #tpu.memory_space<vmem>> -> memref<1x64xi32, #tpu.memory_space<vmem>>
      %dma_start3A_99 = tpu.memref_squeeze %dma_start3A_98 : memref<1x64xi32, #tpu.memory_space<vmem>> -> memref<64xi32, #tpu.memory_space<vmem>>
      %dma_start3A_100 = arith.constant 0 : i32
      %dma_start3A_101 = arith.constant 0 : i32
      %dma_start3A_102 = tpu.memref_slice %arg8[%dma_start3A_100, %dma_start3A_101] : memref<10112x128xf32, #tpu.memory_space<vmem_shared>> -> memref<10112x128xf32, #tpu.memory_space<vmem_shared>>
      tpu.enqueue_indirect_dma source(%arg12 : memref<64x128xf32, #tpu.memory_space<vmem>>) target(%dma_start3A_102 : memref<10112x128xf32, #tpu.memory_space<vmem_shared>>) offsets(%dma_start3A_99 : memref<64xi32, #tpu.memory_space<vmem>>) semaphore(%arg16 : memref<!tpu.dma_semaphore, #tpu.memory_space<semaphore_mem>>) {add = true}
    }
    %scan3A_38 = arith.constant 40 : i32
    %dma_wait3A_39 = arith.constant 79 : i32
    %dma_wait3A_40 = arith.constant 0 : i32
    %dma_wait3A_41 = tpu.memref_slice %arg9[%dma_wait3A_39, %dma_wait3A_40] : memref<80x64xi32, #tpu.memory_space<vmem>> -> memref<1x64xi32, #tpu.memory_space<vmem>>
    %dma_wait3A_42 = tpu.memref_squeeze %dma_wait3A_41 : memref<1x64xi32, #tpu.memory_space<vmem>> -> memref<64xi32, #tpu.memory_space<vmem>>
    %dma_wait3A_43 = arith.constant 0 : i32
    %dma_wait3A_44 = arith.constant 0 : i32
    %dma_wait3A_45 = tpu.memref_slice %arg8[%dma_wait3A_43, %dma_wait3A_44] : memref<10112x128xf32, #tpu.memory_space<vmem_shared>> -> memref<10112x128xf32, #tpu.memory_space<vmem_shared>>
    tpu.wait_indirect_dma semaphore(%arg16 : memref<!tpu.dma_semaphore, #tpu.memory_space<semaphore_mem>>) src(%arg12 : memref<64x128xf32, #tpu.memory_space<vmem>>) dst(%dma_wait3A_45 : memref<10112x128xf32, #tpu.memory_space<vmem_shared>>)
    %barrier3A_46 = arith.constant 0 : index
    tpu.barrier barrier_id(%barrier3A_46)
    "tpu.region"() ({
      %run_scoped3A = tpu.sem_alloc : memref<!tpu.dma_semaphore, #tpu.memory_space<semaphore_mem>>
      %dma_start3A_47 = arith.constant 0 : i32
      %dma_start3A_48 = tpu.memref_slice %arg7[%arg0, %mul3A_0, %dma_start3A_47] : memref<2x10240x128xf32, #tpu.memory_space<hbm>> -> memref<1x632x128xf32, #tpu.memory_space<hbm>>
      %dma_start3A_49 = tpu.memref_squeeze %dma_start3A_48 : memref<1x632x128xf32, #tpu.memory_space<hbm>> -> memref<632x128xf32, #tpu.memory_space<hbm>>
      %dma_start3A_50 = arith.constant 0 : i32
      %dma_start3A_51 = tpu.memref_slice %arg8[%mul3A_0, %dma_start3A_50] : memref<10112x128xf32, #tpu.memory_space<vmem_shared>> -> memref<632x128xf32, #tpu.memory_space<vmem_shared>>
      tpu.enqueue_dma source(%dma_start3A_51 : memref<632x128xf32, #tpu.memory_space<vmem_shared>>) target(%dma_start3A_49 : memref<632x128xf32, #tpu.memory_space<hbm>>) target_semaphore(%run_scoped3A : memref<!tpu.dma_semaphore, #tpu.memory_space<semaphore_mem>>)
      %dma_wait3A_52 = arith.constant 0 : i32
      %dma_wait3A_53 = tpu.memref_slice %arg7[%arg0, %mul3A_0, %dma_wait3A_52] : memref<2x10240x128xf32, #tpu.memory_space<hbm>> -> memref<1x632x128xf32, #tpu.memory_space<hbm>>
      %dma_wait3A_54 = tpu.memref_squeeze %dma_wait3A_53 : memref<1x632x128xf32, #tpu.memory_space<hbm>> -> memref<632x128xf32, #tpu.memory_space<hbm>>
      %dma_wait3A_55 = arith.constant 0 : i32
      %dma_wait3A_56 = tpu.memref_slice %arg8[%mul3A_0, %dma_wait3A_55] : memref<10112x128xf32, #tpu.memory_space<vmem_shared>> -> memref<632x128xf32, #tpu.memory_space<vmem_shared>>
      tpu.wait_dma2 semaphore(%run_scoped3A : memref<!tpu.dma_semaphore, #tpu.memory_space<semaphore_mem>>) src(%dma_wait3A_56 : memref<632x128xf32, #tpu.memory_space<vmem_shared>>) dst(%dma_wait3A_54 : memref<632x128xf32, #tpu.memory_space<hbm>>)
      tpu.yield
    }) : () -> ()
    return
  }
}

#map = affine_map<(d0, d1) -> (0, 0)>
#map1 = affine_map<(d0, d1) -> (0)>
#map2 = affine_map<(d0, d1) -> (0, 0, 0)>
module attributes {stable_mosaic.version = 14 : i64} {
  func.func @_segsum_body(%arg0: i32, %arg1: i32, %arg2: memref<10240x128xf32, #tpu.memory_space<hbm>>, %arg3: memref<5120x64xi32, #tpu.memory_space<hbm>>, %arg4: memref<5120x64xi32, #tpu.memory_space<hbm>>, %arg5: memref<10240x128xf32, #tpu.memory_space<hbm>>, %arg6: memref<10240xf32, #tpu.memory_space<hbm>>, %arg7: memref<2x10240x128xf32, #tpu.memory_space<hbm>>, %arg8: memref<10112x128xf32, #tpu.memory_space<vmem_shared>>, %arg9: memref<80x64xi32, #tpu.memory_space<vmem>>, %arg10: memref<80x64xi32, #tpu.memory_space<vmem>>, %arg11: memref<64x128xf32, #tpu.memory_space<vmem>>, %arg12: memref<64x128xf32, #tpu.memory_space<vmem>>, %arg13: memref<!tpu.dma_semaphore, #tpu.memory_space<semaphore_mem>>, %arg14: memref<!tpu.dma_semaphore, #tpu.memory_space<semaphore_mem>>, %arg15: memref<!tpu.dma_semaphore, #tpu.memory_space<semaphore_mem>>, %arg16: memref<!tpu.dma_semaphore, #tpu.memory_space<semaphore_mem>>) attributes {dimension_semantics = [#tpu.dimension_semantics<core_parallel>, #tpu.dimension_semantics<subcore_parallel>], iteration_bounds = array<i64: 2, 16>, scalar_prefetch = 0 : i64, scratch_operands = 9 : i64, tpu.core_type = #tpu.core_type<sc_vector_subcore>, window_params = [{transform_indices = #map}, {transform_indices = #map}, {transform_indices = #map}, {transform_indices = #map}, {transform_indices = #map1}, {transform_indices = #map2}]} {
    %mul3A = arith.constant 632 : i32
    %mul3A_0 = arith.muli %mul3A, %arg1 : i32
    %mul3A_1 = arith.constant 16 : i32
    %mul3A_2 = arith.muli %mul3A_1, %arg0 : i32
    %add3A = arith.addi %mul3A_2, %arg1 : i32
    %mul3A_3 = arith.constant 160 : i32
    %mul3A_4 = arith.muli %add3A, %mul3A_3 : i32
    "tpu.region"() ({
      %run_scoped3A = tpu.sem_alloc : memref<!tpu.dma_semaphore, #tpu.memory_space<semaphore_mem>>
      %dma_start3A_47 = arith.constant 0 : i32
      %dma_start3A_48 = tpu.memref_slice %arg8[%mul3A_0, %dma_start3A_47] : memref<10112x128xf32, #tpu.memory_space<vmem_shared>> -> memref<632x128xf32, #tpu.memory_space<vmem_shared>>
      %dma_start3A_49 = arith.constant 0 : i32
      %dma_start3A_50 = tpu.memref_slice %arg5[%mul3A_0, %dma_start3A_49] : memref<10240x128xf32, #tpu.memory_space<hbm>> -> memref<632x128xf32, #tpu.memory_space<hbm>>
      tpu.enqueue_dma source(%dma_start3A_50 : memref<632x128xf32, #tpu.memory_space<hbm>>) target(%dma_start3A_48 : memref<632x128xf32, #tpu.memory_space<vmem_shared>>) target_semaphore(%run_scoped3A : memref<!tpu.dma_semaphore, #tpu.memory_space<semaphore_mem>>)
      %dma_wait3A_51 = arith.constant 0 : i32
      %dma_wait3A_52 = tpu.memref_slice %arg8[%mul3A_0, %dma_wait3A_51] : memref<10112x128xf32, #tpu.memory_space<vmem_shared>> -> memref<632x128xf32, #tpu.memory_space<vmem_shared>>
      %dma_wait3A_53 = arith.constant 0 : i32
      %dma_wait3A_54 = tpu.memref_slice %arg5[%mul3A_0, %dma_wait3A_53] : memref<10240x128xf32, #tpu.memory_space<hbm>> -> memref<632x128xf32, #tpu.memory_space<hbm>>
      tpu.wait_dma2 semaphore(%run_scoped3A : memref<!tpu.dma_semaphore, #tpu.memory_space<semaphore_mem>>) src(%dma_wait3A_54 : memref<632x128xf32, #tpu.memory_space<hbm>>) dst(%dma_wait3A_52 : memref<632x128xf32, #tpu.memory_space<vmem_shared>>)
      tpu.yield
    }) : () -> ()
    %barrier3A = arith.constant 0 : index
    tpu.barrier barrier_id(%barrier3A)
    %add3A_5 = arith.constant 0 : i32
    %add3A_6 = arith.addi %mul3A_4, %add3A_5 : i32
    "tpu.region"() ({
      %run_scoped3A = tpu.sem_alloc : memref<!tpu.dma_semaphore, #tpu.memory_space<semaphore_mem>>
      %dma_start3A_47 = arith.constant 0 : i32
      %dma_start3A_48 = tpu.memref_slice %arg3[%add3A_6, %dma_start3A_47] : memref<5120x64xi32, #tpu.memory_space<hbm>> -> memref<80x64xi32, #tpu.memory_space<hbm>>
      %dma_start3A_49 = arith.constant 0 : i32
      %dma_start3A_50 = tpu.memref_slice %arg3[%add3A_6, %dma_start3A_49] : memref<5120x64xi32, #tpu.memory_space<hbm>> -> memref<80x64xi32, #tpu.memory_space<hbm>>
      tpu.enqueue_dma source(%dma_start3A_50 : memref<80x64xi32, #tpu.memory_space<hbm>>) target(%arg9 : memref<80x64xi32, #tpu.memory_space<vmem>>) target_semaphore(%run_scoped3A : memref<!tpu.dma_semaphore, #tpu.memory_space<semaphore_mem>>)
      %dma_wait3A_51 = arith.constant 0 : i32
      %dma_wait3A_52 = tpu.memref_slice %arg3[%add3A_6, %dma_wait3A_51] : memref<5120x64xi32, #tpu.memory_space<hbm>> -> memref<80x64xi32, #tpu.memory_space<hbm>>
      %dma_wait3A_53 = arith.constant 0 : i32
      %dma_wait3A_54 = tpu.memref_slice %arg3[%add3A_6, %dma_wait3A_53] : memref<5120x64xi32, #tpu.memory_space<hbm>> -> memref<80x64xi32, #tpu.memory_space<hbm>>
      tpu.wait_dma2 semaphore(%run_scoped3A : memref<!tpu.dma_semaphore, #tpu.memory_space<semaphore_mem>>) src(%dma_wait3A_54 : memref<80x64xi32, #tpu.memory_space<hbm>>) dst(%arg9 : memref<80x64xi32, #tpu.memory_space<vmem>>)
      tpu.yield
    }) : () -> ()
    "tpu.region"() ({
      %run_scoped3A = tpu.sem_alloc : memref<!tpu.dma_semaphore, #tpu.memory_space<semaphore_mem>>
      %dma_start3A_47 = arith.constant 0 : i32
      %dma_start3A_48 = tpu.memref_slice %arg4[%add3A_6, %dma_start3A_47] : memref<5120x64xi32, #tpu.memory_space<hbm>> -> memref<80x64xi32, #tpu.memory_space<hbm>>
      %dma_start3A_49 = arith.constant 0 : i32
      %dma_start3A_50 = tpu.memref_slice %arg4[%add3A_6, %dma_start3A_49] : memref<5120x64xi32, #tpu.memory_space<hbm>> -> memref<80x64xi32, #tpu.memory_space<hbm>>
      tpu.enqueue_dma source(%dma_start3A_50 : memref<80x64xi32, #tpu.memory_space<hbm>>) target(%arg10 : memref<80x64xi32, #tpu.memory_space<vmem>>) target_semaphore(%run_scoped3A : memref<!tpu.dma_semaphore, #tpu.memory_space<semaphore_mem>>)
      %dma_wait3A_51 = arith.constant 0 : i32
      %dma_wait3A_52 = tpu.memref_slice %arg4[%add3A_6, %dma_wait3A_51] : memref<5120x64xi32, #tpu.memory_space<hbm>> -> memref<80x64xi32, #tpu.memory_space<hbm>>
      %dma_wait3A_53 = arith.constant 0 : i32
      %dma_wait3A_54 = tpu.memref_slice %arg4[%add3A_6, %dma_wait3A_53] : memref<5120x64xi32, #tpu.memory_space<hbm>> -> memref<80x64xi32, #tpu.memory_space<hbm>>
      tpu.wait_dma2 semaphore(%run_scoped3A : memref<!tpu.dma_semaphore, #tpu.memory_space<semaphore_mem>>) src(%dma_wait3A_54 : memref<80x64xi32, #tpu.memory_space<hbm>>) dst(%arg10 : memref<80x64xi32, #tpu.memory_space<vmem>>)
      tpu.yield
    }) : () -> ()
    %dma_start3A = arith.constant 0 : i32
    %dma_start3A_7 = arith.constant 0 : i32
    %dma_start3A_8 = tpu.memref_slice %arg10[%dma_start3A, %dma_start3A_7] : memref<80x64xi32, #tpu.memory_space<vmem>> -> memref<1x64xi32, #tpu.memory_space<vmem>>
    %dma_start3A_9 = tpu.memref_squeeze %dma_start3A_8 : memref<1x64xi32, #tpu.memory_space<vmem>> -> memref<64xi32, #tpu.memory_space<vmem>>
    %dma_start3A_10 = arith.constant 0 : i32
    %dma_start3A_11 = arith.constant 0 : i32
    %dma_start3A_12 = tpu.memref_slice %arg2[%dma_start3A_10, %dma_start3A_11] : memref<10240x128xf32, #tpu.memory_space<hbm>> -> memref<10240x128xf32, #tpu.memory_space<hbm>>
    tpu.enqueue_indirect_dma source(%dma_start3A_12 : memref<10240x128xf32, #tpu.memory_space<hbm>>) target(%arg11 : memref<64x128xf32, #tpu.memory_space<vmem>>) offsets(%dma_start3A_9 : memref<64xi32, #tpu.memory_space<vmem>>) semaphore(%arg13 : memref<!tpu.dma_semaphore, #tpu.memory_space<semaphore_mem>>)
    %scan3A = arith.constant 0 : i32
    %scan3A_13 = arith.constant 0 : i32
    %scan3A_14 = arith.constant 40 : i32
    %scan3A_15 = arith.addi %scan3A_13, %scan3A_14 : i32
    %scan3A_16 = arith.constant 1 : i32
    scf.for %scan3A_47 = %scan3A_13 to %scan3A_15 step %scan3A_16  : i32 {
      %mul3A_48 = arith.constant 2 : i32
      %mul3A_49 = arith.muli %mul3A_48, %scan3A_47 : i32
      %add3A_50 = arith.constant 0 : i32
      %add3A_51 = arith.addi %mul3A_49, %add3A_50 : i32
      %dma_wait3A_52 = arith.constant 0 : i32
      %dma_wait3A_53 = tpu.memref_slice %arg10[%add3A_51, %dma_wait3A_52] : memref<80x64xi32, #tpu.memory_space<vmem>> -> memref<1x64xi32, #tpu.memory_space<vmem>>
      %dma_wait3A_54 = tpu.memref_squeeze %dma_wait3A_53 : memref<1x64xi32, #tpu.memory_space<vmem>> -> memref<64xi32, #tpu.memory_space<vmem>>
      %dma_wait3A_55 = arith.constant 0 : i32
      %dma_wait3A_56 = arith.constant 0 : i32
      %dma_wait3A_57 = tpu.memref_slice %arg2[%dma_wait3A_55, %dma_wait3A_56] : memref<10240x128xf32, #tpu.memory_space<hbm>> -> memref<10240x128xf32, #tpu.memory_space<hbm>>
      tpu.wait_indirect_dma semaphore(%arg13 : memref<!tpu.dma_semaphore, #tpu.memory_space<semaphore_mem>>) src(%dma_wait3A_57 : memref<10240x128xf32, #tpu.memory_space<hbm>>) dst(%arg11 : memref<64x128xf32, #tpu.memory_space<vmem>>)
      %ge3A = arith.constant 1 : i32
      %ge3A_58 = arith.cmpi sge, %add3A_51, %ge3A : i32
      %convert_element_type3A = arith.extui %ge3A_58 : i1 to i32
      %cond3A = arith.constant 0 : i32
      %cond3A_59 = arith.cmpi ne, %convert_element_type3A, %cond3A : i32
      scf.if %cond3A_59 {
        %sub3A_103 = arith.constant 1 : i32
        %sub3A_104 = arith.subi %add3A_51, %sub3A_103 : i32
        %dma_wait3A_105 = arith.constant 0 : i32
        %dma_wait3A_106 = tpu.memref_slice %arg9[%sub3A_104, %dma_wait3A_105] : memref<80x64xi32, #tpu.memory_space<vmem>> -> memref<1x64xi32, #tpu.memory_space<vmem>>
        %dma_wait3A_107 = tpu.memref_squeeze %dma_wait3A_106 : memref<1x64xi32, #tpu.memory_space<vmem>> -> memref<64xi32, #tpu.memory_space<vmem>>
        %dma_wait3A_108 = arith.constant 0 : i32
        %dma_wait3A_109 = arith.constant 0 : i32
        %dma_wait3A_110 = tpu.memref_slice %arg8[%dma_wait3A_108, %dma_wait3A_109] : memref<10112x128xf32, #tpu.memory_space<vmem_shared>> -> memref<10112x128xf32, #tpu.memory_space<vmem_shared>>
        tpu.wait_indirect_dma semaphore(%arg16 : memref<!tpu.dma_semaphore, #tpu.memory_space<semaphore_mem>>) src(%arg12 : memref<64x128xf32, #tpu.memory_space<vmem>>) dst(%dma_wait3A_110 : memref<10112x128xf32, #tpu.memory_space<vmem_shared>>)
      } else {
      }
      %add3A_60 = arith.constant 1 : i32
      %add3A_61 = arith.addi %add3A_51, %add3A_60 : i32
      %dma_start3A_62 = arith.constant 0 : i32
      %dma_start3A_63 = tpu.memref_slice %arg10[%add3A_61, %dma_start3A_62] : memref<80x64xi32, #tpu.memory_space<vmem>> -> memref<1x64xi32, #tpu.memory_space<vmem>>
      %dma_start3A_64 = tpu.memref_squeeze %dma_start3A_63 : memref<1x64xi32, #tpu.memory_space<vmem>> -> memref<64xi32, #tpu.memory_space<vmem>>
      %dma_start3A_65 = arith.constant 0 : i32
      %dma_start3A_66 = arith.constant 0 : i32
      %dma_start3A_67 = tpu.memref_slice %arg2[%dma_start3A_65, %dma_start3A_66] : memref<10240x128xf32, #tpu.memory_space<hbm>> -> memref<10240x128xf32, #tpu.memory_space<hbm>>
      tpu.enqueue_indirect_dma source(%dma_start3A_67 : memref<10240x128xf32, #tpu.memory_space<hbm>>) target(%arg12 : memref<64x128xf32, #tpu.memory_space<vmem>>) offsets(%dma_start3A_64 : memref<64xi32, #tpu.memory_space<vmem>>) semaphore(%arg14 : memref<!tpu.dma_semaphore, #tpu.memory_space<semaphore_mem>>)
      %dma_start3A_68 = arith.constant 0 : i32
      %dma_start3A_69 = tpu.memref_slice %arg9[%add3A_51, %dma_start3A_68] : memref<80x64xi32, #tpu.memory_space<vmem>> -> memref<1x64xi32, #tpu.memory_space<vmem>>
      %dma_start3A_70 = tpu.memref_squeeze %dma_start3A_69 : memref<1x64xi32, #tpu.memory_space<vmem>> -> memref<64xi32, #tpu.memory_space<vmem>>
      %dma_start3A_71 = arith.constant 0 : i32
      %dma_start3A_72 = arith.constant 0 : i32
      %dma_start3A_73 = tpu.memref_slice %arg8[%dma_start3A_71, %dma_start3A_72] : memref<10112x128xf32, #tpu.memory_space<vmem_shared>> -> memref<10112x128xf32, #tpu.memory_space<vmem_shared>>
      tpu.enqueue_indirect_dma source(%arg11 : memref<64x128xf32, #tpu.memory_space<vmem>>) target(%dma_start3A_73 : memref<10112x128xf32, #tpu.memory_space<vmem_shared>>) offsets(%dma_start3A_70 : memref<64xi32, #tpu.memory_space<vmem>>) semaphore(%arg15 : memref<!tpu.dma_semaphore, #tpu.memory_space<semaphore_mem>>) {add = true}
      %mul3A_74 = arith.constant 2 : i32
      %mul3A_75 = arith.muli %mul3A_74, %scan3A_47 : i32
      %add3A_76 = arith.constant 1 : i32
      %add3A_77 = arith.addi %mul3A_75, %add3A_76 : i32
      %dma_wait3A_78 = arith.constant 0 : i32
      %dma_wait3A_79 = tpu.memref_slice %arg10[%add3A_77, %dma_wait3A_78] : memref<80x64xi32, #tpu.memory_space<vmem>> -> memref<1x64xi32, #tpu.memory_space<vmem>>
      %dma_wait3A_80 = tpu.memref_squeeze %dma_wait3A_79 : memref<1x64xi32, #tpu.memory_space<vmem>> -> memref<64xi32, #tpu.memory_space<vmem>>
      %dma_wait3A_81 = arith.constant 0 : i32
      %dma_wait3A_82 = arith.constant 0 : i32
      %dma_wait3A_83 = tpu.memref_slice %arg2[%dma_wait3A_81, %dma_wait3A_82] : memref<10240x128xf32, #tpu.memory_space<hbm>> -> memref<10240x128xf32, #tpu.memory_space<hbm>>
      tpu.wait_indirect_dma semaphore(%arg14 : memref<!tpu.dma_semaphore, #tpu.memory_space<semaphore_mem>>) src(%dma_wait3A_83 : memref<10240x128xf32, #tpu.memory_space<hbm>>) dst(%arg12 : memref<64x128xf32, #tpu.memory_space<vmem>>)
      %sub3A = arith.constant 1 : i32
      %sub3A_84 = arith.subi %add3A_77, %sub3A : i32
      %dma_wait3A_85 = arith.constant 0 : i32
      %dma_wait3A_86 = tpu.memref_slice %arg9[%sub3A_84, %dma_wait3A_85] : memref<80x64xi32, #tpu.memory_space<vmem>> -> memref<1x64xi32, #tpu.memory_space<vmem>>
      %dma_wait3A_87 = tpu.memref_squeeze %dma_wait3A_86 : memref<1x64xi32, #tpu.memory_space<vmem>> -> memref<64xi32, #tpu.memory_space<vmem>>
      %dma_wait3A_88 = arith.constant 0 : i32
      %dma_wait3A_89 = arith.constant 0 : i32
      %dma_wait3A_90 = tpu.memref_slice %arg8[%dma_wait3A_88, %dma_wait3A_89] : memref<10112x128xf32, #tpu.memory_space<vmem_shared>> -> memref<10112x128xf32, #tpu.memory_space<vmem_shared>>
      tpu.wait_indirect_dma semaphore(%arg15 : memref<!tpu.dma_semaphore, #tpu.memory_space<semaphore_mem>>) src(%arg11 : memref<64x128xf32, #tpu.memory_space<vmem>>) dst(%dma_wait3A_90 : memref<10112x128xf32, #tpu.memory_space<vmem_shared>>)
      %add3A_91 = arith.constant 1 : i32
      %add3A_92 = arith.addi %add3A_77, %add3A_91 : i32
      %lt3A = arith.constant 80 : i32
      %lt3A_93 = arith.cmpi slt, %add3A_92, %lt3A : i32
      %convert_element_type3A_94 = arith.extui %lt3A_93 : i1 to i32
      %cond3A_95 = arith.constant 0 : i32
      %cond3A_96 = arith.cmpi ne, %convert_element_type3A_94, %cond3A_95 : i32
      scf.if %cond3A_96 {
        %add3A_103 = arith.constant 1 : i32
        %add3A_104 = arith.addi %add3A_77, %add3A_103 : i32
        %dma_start3A_105 = arith.constant 0 : i32
        %dma_start3A_106 = tpu.memref_slice %arg10[%add3A_104, %dma_start3A_105] : memref<80x64xi32, #tpu.memory_space<vmem>> -> memref<1x64xi32, #tpu.memory_space<vmem>>
        %dma_start3A_107 = tpu.memref_squeeze %dma_start3A_106 : memref<1x64xi32, #tpu.memory_space<vmem>> -> memref<64xi32, #tpu.memory_space<vmem>>
        %dma_start3A_108 = arith.constant 0 : i32
        %dma_start3A_109 = arith.constant 0 : i32
        %dma_start3A_110 = tpu.memref_slice %arg2[%dma_start3A_108, %dma_start3A_109] : memref<10240x128xf32, #tpu.memory_space<hbm>> -> memref<10240x128xf32, #tpu.memory_space<hbm>>
        tpu.enqueue_indirect_dma source(%dma_start3A_110 : memref<10240x128xf32, #tpu.memory_space<hbm>>) target(%arg11 : memref<64x128xf32, #tpu.memory_space<vmem>>) offsets(%dma_start3A_107 : memref<64xi32, #tpu.memory_space<vmem>>) semaphore(%arg13 : memref<!tpu.dma_semaphore, #tpu.memory_space<semaphore_mem>>)
      } else {
      }
      %dma_start3A_97 = arith.constant 0 : i32
      %dma_start3A_98 = tpu.memref_slice %arg9[%add3A_77, %dma_start3A_97] : memref<80x64xi32, #tpu.memory_space<vmem>> -> memref<1x64xi32, #tpu.memory_space<vmem>>
      %dma_start3A_99 = tpu.memref_squeeze %dma_start3A_98 : memref<1x64xi32, #tpu.memory_space<vmem>> -> memref<64xi32, #tpu.memory_space<vmem>>
      %dma_start3A_100 = arith.constant 0 : i32
      %dma_start3A_101 = arith.constant 0 : i32
      %dma_start3A_102 = tpu.memref_slice %arg8[%dma_start3A_100, %dma_start3A_101] : memref<10112x128xf32, #tpu.memory_space<vmem_shared>> -> memref<10112x128xf32, #tpu.memory_space<vmem_shared>>
      tpu.enqueue_indirect_dma source(%arg12 : memref<64x128xf32, #tpu.memory_space<vmem>>) target(%dma_start3A_102 : memref<10112x128xf32, #tpu.memory_space<vmem_shared>>) offsets(%dma_start3A_99 : memref<64xi32, #tpu.memory_space<vmem>>) semaphore(%arg16 : memref<!tpu.dma_semaphore, #tpu.memory_space<semaphore_mem>>) {add = true}
    }
    %scan3A_17 = arith.constant 40 : i32
    %dma_wait3A = arith.constant 79 : i32
    %dma_wait3A_18 = arith.constant 0 : i32
    %dma_wait3A_19 = tpu.memref_slice %arg9[%dma_wait3A, %dma_wait3A_18] : memref<80x64xi32, #tpu.memory_space<vmem>> -> memref<1x64xi32, #tpu.memory_space<vmem>>
    %dma_wait3A_20 = tpu.memref_squeeze %dma_wait3A_19 : memref<1x64xi32, #tpu.memory_space<vmem>> -> memref<64xi32, #tpu.memory_space<vmem>>
    %dma_wait3A_21 = arith.constant 0 : i32
    %dma_wait3A_22 = arith.constant 0 : i32
    %dma_wait3A_23 = tpu.memref_slice %arg8[%dma_wait3A_21, %dma_wait3A_22] : memref<10112x128xf32, #tpu.memory_space<vmem_shared>> -> memref<10112x128xf32, #tpu.memory_space<vmem_shared>>
    tpu.wait_indirect_dma semaphore(%arg16 : memref<!tpu.dma_semaphore, #tpu.memory_space<semaphore_mem>>) src(%arg12 : memref<64x128xf32, #tpu.memory_space<vmem>>) dst(%dma_wait3A_23 : memref<10112x128xf32, #tpu.memory_space<vmem_shared>>)
    %add3A_24 = arith.constant 80 : i32
    %add3A_25 = arith.addi %mul3A_4, %add3A_24 : i32
    "tpu.region"() ({
      %run_scoped3A = tpu.sem_alloc : memref<!tpu.dma_semaphore, #tpu.memory_space<semaphore_mem>>
      %dma_start3A_47 = arith.constant 0 : i32
      %dma_start3A_48 = tpu.memref_slice %arg3[%add3A_25, %dma_start3A_47] : memref<5120x64xi32, #tpu.memory_space<hbm>> -> memref<80x64xi32, #tpu.memory_space<hbm>>
      %dma_start3A_49 = arith.constant 0 : i32
      %dma_start3A_50 = tpu.memref_slice %arg3[%add3A_25, %dma_start3A_49] : memref<5120x64xi32, #tpu.memory_space<hbm>> -> memref<80x64xi32, #tpu.memory_space<hbm>>
      tpu.enqueue_dma source(%dma_start3A_50 : memref<80x64xi32, #tpu.memory_space<hbm>>) target(%arg9 : memref<80x64xi32, #tpu.memory_space<vmem>>) target_semaphore(%run_scoped3A : memref<!tpu.dma_semaphore, #tpu.memory_space<semaphore_mem>>)
      %dma_wait3A_51 = arith.constant 0 : i32
      %dma_wait3A_52 = tpu.memref_slice %arg3[%add3A_25, %dma_wait3A_51] : memref<5120x64xi32, #tpu.memory_space<hbm>> -> memref<80x64xi32, #tpu.memory_space<hbm>>
      %dma_wait3A_53 = arith.constant 0 : i32
      %dma_wait3A_54 = tpu.memref_slice %arg3[%add3A_25, %dma_wait3A_53] : memref<5120x64xi32, #tpu.memory_space<hbm>> -> memref<80x64xi32, #tpu.memory_space<hbm>>
      tpu.wait_dma2 semaphore(%run_scoped3A : memref<!tpu.dma_semaphore, #tpu.memory_space<semaphore_mem>>) src(%dma_wait3A_54 : memref<80x64xi32, #tpu.memory_space<hbm>>) dst(%arg9 : memref<80x64xi32, #tpu.memory_space<vmem>>)
      tpu.yield
    }) : () -> ()
    "tpu.region"() ({
      %run_scoped3A = tpu.sem_alloc : memref<!tpu.dma_semaphore, #tpu.memory_space<semaphore_mem>>
      %dma_start3A_47 = arith.constant 0 : i32
      %dma_start3A_48 = tpu.memref_slice %arg4[%add3A_25, %dma_start3A_47] : memref<5120x64xi32, #tpu.memory_space<hbm>> -> memref<80x64xi32, #tpu.memory_space<hbm>>
      %dma_start3A_49 = arith.constant 0 : i32
      %dma_start3A_50 = tpu.memref_slice %arg4[%add3A_25, %dma_start3A_49] : memref<5120x64xi32, #tpu.memory_space<hbm>> -> memref<80x64xi32, #tpu.memory_space<hbm>>
      tpu.enqueue_dma source(%dma_start3A_50 : memref<80x64xi32, #tpu.memory_space<hbm>>) target(%arg10 : memref<80x64xi32, #tpu.memory_space<vmem>>) target_semaphore(%run_scoped3A : memref<!tpu.dma_semaphore, #tpu.memory_space<semaphore_mem>>)
      %dma_wait3A_51 = arith.constant 0 : i32
      %dma_wait3A_52 = tpu.memref_slice %arg4[%add3A_25, %dma_wait3A_51] : memref<5120x64xi32, #tpu.memory_space<hbm>> -> memref<80x64xi32, #tpu.memory_space<hbm>>
      %dma_wait3A_53 = arith.constant 0 : i32
      %dma_wait3A_54 = tpu.memref_slice %arg4[%add3A_25, %dma_wait3A_53] : memref<5120x64xi32, #tpu.memory_space<hbm>> -> memref<80x64xi32, #tpu.memory_space<hbm>>
      tpu.wait_dma2 semaphore(%run_scoped3A : memref<!tpu.dma_semaphore, #tpu.memory_space<semaphore_mem>>) src(%dma_wait3A_54 : memref<80x64xi32, #tpu.memory_space<hbm>>) dst(%arg10 : memref<80x64xi32, #tpu.memory_space<vmem>>)
      tpu.yield
    }) : () -> ()
    %dma_start3A_26 = arith.constant 0 : i32
    %dma_start3A_27 = arith.constant 0 : i32
    %dma_start3A_28 = tpu.memref_slice %arg10[%dma_start3A_26, %dma_start3A_27] : memref<80x64xi32, #tpu.memory_space<vmem>> -> memref<1x64xi32, #tpu.memory_space<vmem>>
    %dma_start3A_29 = tpu.memref_squeeze %dma_start3A_28 : memref<1x64xi32, #tpu.memory_space<vmem>> -> memref<64xi32, #tpu.memory_space<vmem>>
    %dma_start3A_30 = arith.constant 0 : i32
    %dma_start3A_31 = arith.constant 0 : i32
    %dma_start3A_32 = tpu.memref_slice %arg2[%dma_start3A_30, %dma_start3A_31] : memref<10240x128xf32, #tpu.memory_space<hbm>> -> memref<10240x128xf32, #tpu.memory_space<hbm>>
    tpu.enqueue_indirect_dma source(%dma_start3A_32 : memref<10240x128xf32, #tpu.memory_space<hbm>>) target(%arg11 : memref<64x128xf32, #tpu.memory_space<vmem>>) offsets(%dma_start3A_29 : memref<64xi32, #tpu.memory_space<vmem>>) semaphore(%arg13 : memref<!tpu.dma_semaphore, #tpu.memory_space<semaphore_mem>>)
    %scan3A_33 = arith.constant 0 : i32
    %scan3A_34 = arith.constant 0 : i32
    %scan3A_35 = arith.constant 40 : i32
    %scan3A_36 = arith.addi %scan3A_34, %scan3A_35 : i32
    %scan3A_37 = arith.constant 1 : i32
    scf.for %scan3A_47 = %scan3A_34 to %scan3A_36 step %scan3A_37  : i32 {
      %mul3A_48 = arith.constant 2 : i32
      %mul3A_49 = arith.muli %mul3A_48, %scan3A_47 : i32
      %add3A_50 = arith.constant 0 : i32
      %add3A_51 = arith.addi %mul3A_49, %add3A_50 : i32
      %dma_wait3A_52 = arith.constant 0 : i32
      %dma_wait3A_53 = tpu.memref_slice %arg10[%add3A_51, %dma_wait3A_52] : memref<80x64xi32, #tpu.memory_space<vmem>> -> memref<1x64xi32, #tpu.memory_space<vmem>>
      %dma_wait3A_54 = tpu.memref_squeeze %dma_wait3A_53 : memref<1x64xi32, #tpu.memory_space<vmem>> -> memref<64xi32, #tpu.memory_space<vmem>>
      %dma_wait3A_55 = arith.constant 0 : i32
      %dma_wait3A_56 = arith.constant 0 : i32
      %dma_wait3A_57 = tpu.memref_slice %arg2[%dma_wait3A_55, %dma_wait3A_56] : memref<10240x128xf32, #tpu.memory_space<hbm>> -> memref<10240x128xf32, #tpu.memory_space<hbm>>
      tpu.wait_indirect_dma semaphore(%arg13 : memref<!tpu.dma_semaphore, #tpu.memory_space<semaphore_mem>>) src(%dma_wait3A_57 : memref<10240x128xf32, #tpu.memory_space<hbm>>) dst(%arg11 : memref<64x128xf32, #tpu.memory_space<vmem>>)
      %ge3A = arith.constant 1 : i32
      %ge3A_58 = arith.cmpi sge, %add3A_51, %ge3A : i32
      %convert_element_type3A = arith.extui %ge3A_58 : i1 to i32
      %cond3A = arith.constant 0 : i32
      %cond3A_59 = arith.cmpi ne, %convert_element_type3A, %cond3A : i32
      scf.if %cond3A_59 {
        %sub3A_103 = arith.constant 1 : i32
        %sub3A_104 = arith.subi %add3A_51, %sub3A_103 : i32
        %dma_wait3A_105 = arith.constant 0 : i32
        %dma_wait3A_106 = tpu.memref_slice %arg9[%sub3A_104, %dma_wait3A_105] : memref<80x64xi32, #tpu.memory_space<vmem>> -> memref<1x64xi32, #tpu.memory_space<vmem>>
        %dma_wait3A_107 = tpu.memref_squeeze %dma_wait3A_106 : memref<1x64xi32, #tpu.memory_space<vmem>> -> memref<64xi32, #tpu.memory_space<vmem>>
        %dma_wait3A_108 = arith.constant 0 : i32
        %dma_wait3A_109 = arith.constant 0 : i32
        %dma_wait3A_110 = tpu.memref_slice %arg8[%dma_wait3A_108, %dma_wait3A_109] : memref<10112x128xf32, #tpu.memory_space<vmem_shared>> -> memref<10112x128xf32, #tpu.memory_space<vmem_shared>>
        tpu.wait_indirect_dma semaphore(%arg16 : memref<!tpu.dma_semaphore, #tpu.memory_space<semaphore_mem>>) src(%arg12 : memref<64x128xf32, #tpu.memory_space<vmem>>) dst(%dma_wait3A_110 : memref<10112x128xf32, #tpu.memory_space<vmem_shared>>)
      } else {
      }
      %add3A_60 = arith.constant 1 : i32
      %add3A_61 = arith.addi %add3A_51, %add3A_60 : i32
      %dma_start3A_62 = arith.constant 0 : i32
      %dma_start3A_63 = tpu.memref_slice %arg10[%add3A_61, %dma_start3A_62] : memref<80x64xi32, #tpu.memory_space<vmem>> -> memref<1x64xi32, #tpu.memory_space<vmem>>
      %dma_start3A_64 = tpu.memref_squeeze %dma_start3A_63 : memref<1x64xi32, #tpu.memory_space<vmem>> -> memref<64xi32, #tpu.memory_space<vmem>>
      %dma_start3A_65 = arith.constant 0 : i32
      %dma_start3A_66 = arith.constant 0 : i32
      %dma_start3A_67 = tpu.memref_slice %arg2[%dma_start3A_65, %dma_start3A_66] : memref<10240x128xf32, #tpu.memory_space<hbm>> -> memref<10240x128xf32, #tpu.memory_space<hbm>>
      tpu.enqueue_indirect_dma source(%dma_start3A_67 : memref<10240x128xf32, #tpu.memory_space<hbm>>) target(%arg12 : memref<64x128xf32, #tpu.memory_space<vmem>>) offsets(%dma_start3A_64 : memref<64xi32, #tpu.memory_space<vmem>>) semaphore(%arg14 : memref<!tpu.dma_semaphore, #tpu.memory_space<semaphore_mem>>)
      %dma_start3A_68 = arith.constant 0 : i32
      %dma_start3A_69 = tpu.memref_slice %arg9[%add3A_51, %dma_start3A_68] : memref<80x64xi32, #tpu.memory_space<vmem>> -> memref<1x64xi32, #tpu.memory_space<vmem>>
      %dma_start3A_70 = tpu.memref_squeeze %dma_start3A_69 : memref<1x64xi32, #tpu.memory_space<vmem>> -> memref<64xi32, #tpu.memory_space<vmem>>
      %dma_start3A_71 = arith.constant 0 : i32
      %dma_start3A_72 = arith.constant 0 : i32
      %dma_start3A_73 = tpu.memref_slice %arg8[%dma_start3A_71, %dma_start3A_72] : memref<10112x128xf32, #tpu.memory_space<vmem_shared>> -> memref<10112x128xf32, #tpu.memory_space<vmem_shared>>
      tpu.enqueue_indirect_dma source(%arg11 : memref<64x128xf32, #tpu.memory_space<vmem>>) target(%dma_start3A_73 : memref<10112x128xf32, #tpu.memory_space<vmem_shared>>) offsets(%dma_start3A_70 : memref<64xi32, #tpu.memory_space<vmem>>) semaphore(%arg15 : memref<!tpu.dma_semaphore, #tpu.memory_space<semaphore_mem>>) {add = true}
      %mul3A_74 = arith.constant 2 : i32
      %mul3A_75 = arith.muli %mul3A_74, %scan3A_47 : i32
      %add3A_76 = arith.constant 1 : i32
      %add3A_77 = arith.addi %mul3A_75, %add3A_76 : i32
      %dma_wait3A_78 = arith.constant 0 : i32
      %dma_wait3A_79 = tpu.memref_slice %arg10[%add3A_77, %dma_wait3A_78] : memref<80x64xi32, #tpu.memory_space<vmem>> -> memref<1x64xi32, #tpu.memory_space<vmem>>
      %dma_wait3A_80 = tpu.memref_squeeze %dma_wait3A_79 : memref<1x64xi32, #tpu.memory_space<vmem>> -> memref<64xi32, #tpu.memory_space<vmem>>
      %dma_wait3A_81 = arith.constant 0 : i32
      %dma_wait3A_82 = arith.constant 0 : i32
      %dma_wait3A_83 = tpu.memref_slice %arg2[%dma_wait3A_81, %dma_wait3A_82] : memref<10240x128xf32, #tpu.memory_space<hbm>> -> memref<10240x128xf32, #tpu.memory_space<hbm>>
      tpu.wait_indirect_dma semaphore(%arg14 : memref<!tpu.dma_semaphore, #tpu.memory_space<semaphore_mem>>) src(%dma_wait3A_83 : memref<10240x128xf32, #tpu.memory_space<hbm>>) dst(%arg12 : memref<64x128xf32, #tpu.memory_space<vmem>>)
      %sub3A = arith.constant 1 : i32
      %sub3A_84 = arith.subi %add3A_77, %sub3A : i32
      %dma_wait3A_85 = arith.constant 0 : i32
      %dma_wait3A_86 = tpu.memref_slice %arg9[%sub3A_84, %dma_wait3A_85] : memref<80x64xi32, #tpu.memory_space<vmem>> -> memref<1x64xi32, #tpu.memory_space<vmem>>
      %dma_wait3A_87 = tpu.memref_squeeze %dma_wait3A_86 : memref<1x64xi32, #tpu.memory_space<vmem>> -> memref<64xi32, #tpu.memory_space<vmem>>
      %dma_wait3A_88 = arith.constant 0 : i32
      %dma_wait3A_89 = arith.constant 0 : i32
      %dma_wait3A_90 = tpu.memref_slice %arg8[%dma_wait3A_88, %dma_wait3A_89] : memref<10112x128xf32, #tpu.memory_space<vmem_shared>> -> memref<10112x128xf32, #tpu.memory_space<vmem_shared>>
      tpu.wait_indirect_dma semaphore(%arg15 : memref<!tpu.dma_semaphore, #tpu.memory_space<semaphore_mem>>) src(%arg11 : memref<64x128xf32, #tpu.memory_space<vmem>>) dst(%dma_wait3A_90 : memref<10112x128xf32, #tpu.memory_space<vmem_shared>>)
      %add3A_91 = arith.constant 1 : i32
      %add3A_92 = arith.addi %add3A_77, %add3A_91 : i32
      %lt3A = arith.constant 80 : i32
      %lt3A_93 = arith.cmpi slt, %add3A_92, %lt3A : i32
      %convert_element_type3A_94 = arith.extui %lt3A_93 : i1 to i32
      %cond3A_95 = arith.constant 0 : i32
      %cond3A_96 = arith.cmpi ne, %convert_element_type3A_94, %cond3A_95 : i32
      scf.if %cond3A_96 {
        %add3A_103 = arith.constant 1 : i32
        %add3A_104 = arith.addi %add3A_77, %add3A_103 : i32
        %dma_start3A_105 = arith.constant 0 : i32
        %dma_start3A_106 = tpu.memref_slice %arg10[%add3A_104, %dma_start3A_105] : memref<80x64xi32, #tpu.memory_space<vmem>> -> memref<1x64xi32, #tpu.memory_space<vmem>>
        %dma_start3A_107 = tpu.memref_squeeze %dma_start3A_106 : memref<1x64xi32, #tpu.memory_space<vmem>> -> memref<64xi32, #tpu.memory_space<vmem>>
        %dma_start3A_108 = arith.constant 0 : i32
        %dma_start3A_109 = arith.constant 0 : i32
        %dma_start3A_110 = tpu.memref_slice %arg2[%dma_start3A_108, %dma_start3A_109] : memref<10240x128xf32, #tpu.memory_space<hbm>> -> memref<10240x128xf32, #tpu.memory_space<hbm>>
        tpu.enqueue_indirect_dma source(%dma_start3A_110 : memref<10240x128xf32, #tpu.memory_space<hbm>>) target(%arg11 : memref<64x128xf32, #tpu.memory_space<vmem>>) offsets(%dma_start3A_107 : memref<64xi32, #tpu.memory_space<vmem>>) semaphore(%arg13 : memref<!tpu.dma_semaphore, #tpu.memory_space<semaphore_mem>>)
      } else {
      }
      %dma_start3A_97 = arith.constant 0 : i32
      %dma_start3A_98 = tpu.memref_slice %arg9[%add3A_77, %dma_start3A_97] : memref<80x64xi32, #tpu.memory_space<vmem>> -> memref<1x64xi32, #tpu.memory_space<vmem>>
      %dma_start3A_99 = tpu.memref_squeeze %dma_start3A_98 : memref<1x64xi32, #tpu.memory_space<vmem>> -> memref<64xi32, #tpu.memory_space<vmem>>
      %dma_start3A_100 = arith.constant 0 : i32
      %dma_start3A_101 = arith.constant 0 : i32
      %dma_start3A_102 = tpu.memref_slice %arg8[%dma_start3A_100, %dma_start3A_101] : memref<10112x128xf32, #tpu.memory_space<vmem_shared>> -> memref<10112x128xf32, #tpu.memory_space<vmem_shared>>
      tpu.enqueue_indirect_dma source(%arg12 : memref<64x128xf32, #tpu.memory_space<vmem>>) target(%dma_start3A_102 : memref<10112x128xf32, #tpu.memory_space<vmem_shared>>) offsets(%dma_start3A_99 : memref<64xi32, #tpu.memory_space<vmem>>) semaphore(%arg16 : memref<!tpu.dma_semaphore, #tpu.memory_space<semaphore_mem>>) {add = true}
    }
    %scan3A_38 = arith.constant 40 : i32
    %dma_wait3A_39 = arith.constant 79 : i32
    %dma_wait3A_40 = arith.constant 0 : i32
    %dma_wait3A_41 = tpu.memref_slice %arg9[%dma_wait3A_39, %dma_wait3A_40] : memref<80x64xi32, #tpu.memory_space<vmem>> -> memref<1x64xi32, #tpu.memory_space<vmem>>
    %dma_wait3A_42 = tpu.memref_squeeze %dma_wait3A_41 : memref<1x64xi32, #tpu.memory_space<vmem>> -> memref<64xi32, #tpu.memory_space<vmem>>
    %dma_wait3A_43 = arith.constant 0 : i32
    %dma_wait3A_44 = arith.constant 0 : i32
    %dma_wait3A_45 = tpu.memref_slice %arg8[%dma_wait3A_43, %dma_wait3A_44] : memref<10112x128xf32, #tpu.memory_space<vmem_shared>> -> memref<10112x128xf32, #tpu.memory_space<vmem_shared>>
    tpu.wait_indirect_dma semaphore(%arg16 : memref<!tpu.dma_semaphore, #tpu.memory_space<semaphore_mem>>) src(%arg12 : memref<64x128xf32, #tpu.memory_space<vmem>>) dst(%dma_wait3A_45 : memref<10112x128xf32, #tpu.memory_space<vmem_shared>>)
    %barrier3A_46 = arith.constant 0 : index
    tpu.barrier barrier_id(%barrier3A_46)
    "tpu.region"() ({
      %run_scoped3A = tpu.sem_alloc : memref<!tpu.dma_semaphore, #tpu.memory_space<semaphore_mem>>
      %dma_start3A_47 = arith.constant 0 : i32
      %dma_start3A_48 = tpu.memref_slice %arg7[%arg0, %mul3A_0, %dma_start3A_47] : memref<2x10240x128xf32, #tpu.memory_space<hbm>> -> memref<1x632x128xf32, #tpu.memory_space<hbm>>
      %dma_start3A_49 = tpu.memref_squeeze %dma_start3A_48 : memref<1x632x128xf32, #tpu.memory_space<hbm>> -> memref<632x128xf32, #tpu.memory_space<hbm>>
      %dma_start3A_50 = arith.constant 0 : i32
      %dma_start3A_51 = tpu.memref_slice %arg8[%mul3A_0, %dma_start3A_50] : memref<10112x128xf32, #tpu.memory_space<vmem_shared>> -> memref<632x128xf32, #tpu.memory_space<vmem_shared>>
      tpu.enqueue_dma source(%dma_start3A_51 : memref<632x128xf32, #tpu.memory_space<vmem_shared>>) target(%dma_start3A_49 : memref<632x128xf32, #tpu.memory_space<hbm>>) target_semaphore(%run_scoped3A : memref<!tpu.dma_semaphore, #tpu.memory_space<semaphore_mem>>)
      %dma_wait3A_52 = arith.constant 0 : i32
      %dma_wait3A_53 = tpu.memref_slice %arg7[%arg0, %mul3A_0, %dma_wait3A_52] : memref<2x10240x128xf32, #tpu.memory_space<hbm>> -> memref<1x632x128xf32, #tpu.memory_space<hbm>>
      %dma_wait3A_54 = tpu.memref_squeeze %dma_wait3A_53 : memref<1x632x128xf32, #tpu.memory_space<hbm>> -> memref<632x128xf32, #tpu.memory_space<hbm>>
      %dma_wait3A_55 = arith.constant 0 : i32
      %dma_wait3A_56 = tpu.memref_slice %arg8[%mul3A_0, %dma_wait3A_55] : memref<10112x128xf32, #tpu.memory_space<vmem_shared>> -> memref<632x128xf32, #tpu.memory_space<vmem_shared>>
      tpu.wait_dma2 semaphore(%run_scoped3A : memref<!tpu.dma_semaphore, #tpu.memory_space<semaphore_mem>>) src(%dma_wait3A_56 : memref<632x128xf32, #tpu.memory_space<vmem_shared>>) dst(%dma_wait3A_54 : memref<632x128xf32, #tpu.memory_space<hbm>>)
      tpu.yield
    }) : () -> ()
    return
  }
}

#map = affine_map<(d0, d1) -> (0, 0)>
#map1 = affine_map<(d0, d1) -> (0)>
#map2 = affine_map<(d0, d1) -> (0, 0, 0)>
module attributes {stable_mosaic.version = 14 : i64} {
  func.func @_segsum_body(%arg0: i32, %arg1: i32, %arg2: memref<10240x128xf32, #tpu.memory_space<hbm>>, %arg3: memref<5120x64xi32, #tpu.memory_space<hbm>>, %arg4: memref<5120x64xi32, #tpu.memory_space<hbm>>, %arg5: memref<10240x128xf32, #tpu.memory_space<hbm>>, %arg6: memref<10240xf32, #tpu.memory_space<hbm>>, %arg7: memref<2x10240x128xf32, #tpu.memory_space<hbm>>, %arg8: memref<10240xf32, #tpu.memory_space<hbm>>, %arg9: memref<10240xf32, #tpu.memory_space<hbm>>, %arg10: memref<10112x128xf32, #tpu.memory_space<vmem_shared>>, %arg11: memref<10112xf32, #tpu.memory_space<vmem_shared>>, %arg12: memref<80x64xi32, #tpu.memory_space<vmem>>, %arg13: memref<80x64xi32, #tpu.memory_space<vmem>>, %arg14: memref<64x128xf32, #tpu.memory_space<vmem>>, %arg15: memref<64x128xf32, #tpu.memory_space<vmem>>, %arg16: memref<64xf32, #tpu.memory_space<vmem>>, %arg17: memref<!tpu.dma_semaphore, #tpu.memory_space<semaphore_mem>>, %arg18: memref<!tpu.dma_semaphore, #tpu.memory_space<semaphore_mem>>, %arg19: memref<!tpu.dma_semaphore, #tpu.memory_space<semaphore_mem>>, %arg20: memref<!tpu.dma_semaphore, #tpu.memory_space<semaphore_mem>>, %arg21: memref<!tpu.dma_semaphore, #tpu.memory_space<semaphore_mem>>, %arg22: memref<!tpu.dma_semaphore, #tpu.memory_space<semaphore_mem>>) attributes {dimension_semantics = [#tpu.dimension_semantics<core_parallel>, #tpu.dimension_semantics<subcore_parallel>], iteration_bounds = array<i64: 2, 16>, scalar_prefetch = 0 : i64, scratch_operands = 13 : i64, tpu.core_type = #tpu.core_type<sc_vector_subcore>, window_params = [{transform_indices = #map}, {transform_indices = #map}, {transform_indices = #map}, {transform_indices = #map}, {transform_indices = #map1}, {transform_indices = #map2}, {transform_indices = #map1}, {transform_indices = #map1}]} {
    %mul3A = arith.constant 632 : i32
    %mul3A_0 = arith.muli %mul3A, %arg1 : i32
    %mul3A_1 = arith.constant 16 : i32
    %mul3A_2 = arith.muli %mul3A_1, %arg0 : i32
    %add3A = arith.addi %mul3A_2, %arg1 : i32
    %mul3A_3 = arith.constant 160 : i32
    %mul3A_4 = arith.muli %add3A, %mul3A_3 : i32
    "tpu.region"() ({
      %run_scoped3A = tpu.sem_alloc : memref<!tpu.dma_semaphore, #tpu.memory_space<semaphore_mem>>
      %dma_start3A_113 = arith.constant 0 : i32
      %dma_start3A_114 = tpu.memref_slice %arg10[%mul3A_0, %dma_start3A_113] : memref<10112x128xf32, #tpu.memory_space<vmem_shared>> -> memref<632x128xf32, #tpu.memory_space<vmem_shared>>
      %dma_start3A_115 = arith.constant 0 : i32
      %dma_start3A_116 = tpu.memref_slice %arg5[%mul3A_0, %dma_start3A_115] : memref<10240x128xf32, #tpu.memory_space<hbm>> -> memref<632x128xf32, #tpu.memory_space<hbm>>
      tpu.enqueue_dma source(%dma_start3A_116 : memref<632x128xf32, #tpu.memory_space<hbm>>) target(%dma_start3A_114 : memref<632x128xf32, #tpu.memory_space<vmem_shared>>) target_semaphore(%run_scoped3A : memref<!tpu.dma_semaphore, #tpu.memory_space<semaphore_mem>>)
      %dma_wait3A_117 = arith.constant 0 : i32
      %dma_wait3A_118 = tpu.memref_slice %arg10[%mul3A_0, %dma_wait3A_117] : memref<10112x128xf32, #tpu.memory_space<vmem_shared>> -> memref<632x128xf32, #tpu.memory_space<vmem_shared>>
      %dma_wait3A_119 = arith.constant 0 : i32
      %dma_wait3A_120 = tpu.memref_slice %arg5[%mul3A_0, %dma_wait3A_119] : memref<10240x128xf32, #tpu.memory_space<hbm>> -> memref<632x128xf32, #tpu.memory_space<hbm>>
      tpu.wait_dma2 semaphore(%run_scoped3A : memref<!tpu.dma_semaphore, #tpu.memory_space<semaphore_mem>>) src(%dma_wait3A_120 : memref<632x128xf32, #tpu.memory_space<hbm>>) dst(%dma_wait3A_118 : memref<632x128xf32, #tpu.memory_space<vmem_shared>>)
      tpu.yield
    }) : () -> ()
    %broadcast_in_dim3A = arith.constant 1.000000e+00 : f32
    %broadcast_in_dim3A_5 = vector.broadcast %broadcast_in_dim3A : f32 to vector<16xf32>
    %swap3A = arith.constant 0 : index
    %swap3A_6 = tpu.vector_load %arg16[%swap3A] {strides = array<i32>} : memref<64xf32, #tpu.memory_space<vmem>>, vector<16xf32>,
    %swap3A_7 = vector.shape_cast %swap3A_6 : vector<16xf32> to vector<16xf32>
    %swap3A_8 = vector.shape_cast %broadcast_in_dim3A_5 : vector<16xf32> to vector<16xf32>
    tpu.vector_store %arg16[%swap3A], %swap3A_8 {strides = array<i32>} : memref<64xf32, #tpu.memory_space<vmem>>, vector<16xf32>,
    %broadcast_in_dim3A_9 = arith.constant 1.000000e+00 : f32
    %broadcast_in_dim3A_10 = vector.broadcast %broadcast_in_dim3A_9 : f32 to vector<16xf32>
    %swap3A_11 = arith.constant 16 : index
    %swap3A_12 = tpu.vector_load %arg16[%swap3A_11] {strides = array<i32>} : memref<64xf32, #tpu.memory_space<vmem>>, vector<16xf32>,
    %swap3A_13 = vector.shape_cast %swap3A_12 : vector<16xf32> to vector<16xf32>
    %swap3A_14 = vector.shape_cast %broadcast_in_dim3A_10 : vector<16xf32> to vector<16xf32>
    tpu.vector_store %arg16[%swap3A_11], %swap3A_14 {strides = array<i32>} : memref<64xf32, #tpu.memory_space<vmem>>, vector<16xf32>,
    %broadcast_in_dim3A_15 = arith.constant 1.000000e+00 : f32
    %broadcast_in_dim3A_16 = vector.broadcast %broadcast_in_dim3A_15 : f32 to vector<16xf32>
    %swap3A_17 = arith.constant 32 : index
    %swap3A_18 = tpu.vector_load %arg16[%swap3A_17] {strides = array<i32>} : memref<64xf32, #tpu.memory_space<vmem>>, vector<16xf32>,
    %swap3A_19 = vector.shape_cast %swap3A_18 : vector<16xf32> to vector<16xf32>
    %swap3A_20 = vector.shape_cast %broadcast_in_dim3A_16 : vector<16xf32> to vector<16xf32>
    tpu.vector_store %arg16[%swap3A_17], %swap3A_20 {strides = array<i32>} : memref<64xf32, #tpu.memory_space<vmem>>, vector<16xf32>,
    %broadcast_in_dim3A_21 = arith.constant 1.000000e+00 : f32
    %broadcast_in_dim3A_22 = vector.broadcast %broadcast_in_dim3A_21 : f32 to vector<16xf32>
    %swap3A_23 = arith.constant 48 : index
    %swap3A_24 = tpu.vector_load %arg16[%swap3A_23] {strides = array<i32>} : memref<64xf32, #tpu.memory_space<vmem>>, vector<16xf32>,
    %swap3A_25 = vector.shape_cast %swap3A_24 : vector<16xf32> to vector<16xf32>
    %swap3A_26 = vector.shape_cast %broadcast_in_dim3A_22 : vector<16xf32> to vector<16xf32>
    tpu.vector_store %arg16[%swap3A_23], %swap3A_26 {strides = array<i32>} : memref<64xf32, #tpu.memory_space<vmem>>, vector<16xf32>,
    %eq3A = arith.constant 0 : i32
    %eq3A_27 = arith.cmpi eq, %arg1, %eq3A : i32
    %convert_element_type3A = arith.extui %eq3A_27 : i1 to i32
    %cond3A = arith.constant 0 : i32
    %cond3A_28 = arith.cmpi ne, %convert_element_type3A, %cond3A : i32
    scf.if %cond3A_28 {
      "tpu.region"() ({
        %run_scoped3A = tpu.sem_alloc : memref<!tpu.dma_semaphore, #tpu.memory_space<semaphore_mem>>
        %dma_start3A_113 = arith.constant 0 : i32
        %dma_start3A_114 = tpu.memref_slice %arg6[%dma_start3A_113] : memref<10240xf32, #tpu.memory_space<hbm>> -> memref<10112xf32, #tpu.memory_space<hbm>>
        tpu.enqueue_dma source(%dma_start3A_114 : memref<10112xf32, #tpu.memory_space<hbm>>) target(%arg11 : memref<10112xf32, #tpu.memory_space<vmem_shared>>) target_semaphore(%run_scoped3A : memref<!tpu.dma_semaphore, #tpu.memory_space<semaphore_mem>>)
        %dma_wait3A_115 = arith.constant 0 : i32
        %dma_wait3A_116 = tpu.memref_slice %arg6[%dma_wait3A_115] : memref<10240xf32, #tpu.memory_space<hbm>> -> memref<10112xf32, #tpu.memory_space<hbm>>
        tpu.wait_dma2 semaphore(%run_scoped3A : memref<!tpu.dma_semaphore, #tpu.memory_space<semaphore_mem>>) src(%dma_wait3A_116 : memref<10112xf32, #tpu.memory_space<hbm>>) dst(%arg11 : memref<10112xf32, #tpu.memory_space<vmem_shared>>)
        tpu.yield
      }) : () -> ()
    } else {
    }
    %barrier3A = arith.constant 0 : index
    tpu.barrier barrier_id(%barrier3A)
    %add3A_29 = arith.constant 0 : i32
    %add3A_30 = arith.addi %mul3A_4, %add3A_29 : i32
    "tpu.region"() ({
      %run_scoped3A = tpu.sem_alloc : memref<!tpu.dma_semaphore, #tpu.memory_space<semaphore_mem>>
      %dma_start3A_113 = arith.constant 0 : i32
      %dma_start3A_114 = tpu.memref_slice %arg3[%add3A_30, %dma_start3A_113] : memref<5120x64xi32, #tpu.memory_space<hbm>> -> memref<80x64xi32, #tpu.memory_space<hbm>>
      %dma_start3A_115 = arith.constant 0 : i32
      %dma_start3A_116 = tpu.memref_slice %arg3[%add3A_30, %dma_start3A_115] : memref<5120x64xi32, #tpu.memory_space<hbm>> -> memref<80x64xi32, #tpu.memory_space<hbm>>
      tpu.enqueue_dma source(%dma_start3A_116 : memref<80x64xi32, #tpu.memory_space<hbm>>) target(%arg12 : memref<80x64xi32, #tpu.memory_space<vmem>>) target_semaphore(%run_scoped3A : memref<!tpu.dma_semaphore, #tpu.memory_space<semaphore_mem>>)
      %dma_wait3A_117 = arith.constant 0 : i32
      %dma_wait3A_118 = tpu.memref_slice %arg3[%add3A_30, %dma_wait3A_117] : memref<5120x64xi32, #tpu.memory_space<hbm>> -> memref<80x64xi32, #tpu.memory_space<hbm>>
      %dma_wait3A_119 = arith.constant 0 : i32
      %dma_wait3A_120 = tpu.memref_slice %arg3[%add3A_30, %dma_wait3A_119] : memref<5120x64xi32, #tpu.memory_space<hbm>> -> memref<80x64xi32, #tpu.memory_space<hbm>>
      tpu.wait_dma2 semaphore(%run_scoped3A : memref<!tpu.dma_semaphore, #tpu.memory_space<semaphore_mem>>) src(%dma_wait3A_120 : memref<80x64xi32, #tpu.memory_space<hbm>>) dst(%arg12 : memref<80x64xi32, #tpu.memory_space<vmem>>)
      tpu.yield
    }) : () -> ()
    "tpu.region"() ({
      %run_scoped3A = tpu.sem_alloc : memref<!tpu.dma_semaphore, #tpu.memory_space<semaphore_mem>>
      %dma_start3A_113 = arith.constant 0 : i32
      %dma_start3A_114 = tpu.memref_slice %arg4[%add3A_30, %dma_start3A_113] : memref<5120x64xi32, #tpu.memory_space<hbm>> -> memref<80x64xi32, #tpu.memory_space<hbm>>
      %dma_start3A_115 = arith.constant 0 : i32
      %dma_start3A_116 = tpu.memref_slice %arg4[%add3A_30, %dma_start3A_115] : memref<5120x64xi32, #tpu.memory_space<hbm>> -> memref<80x64xi32, #tpu.memory_space<hbm>>
      tpu.enqueue_dma source(%dma_start3A_116 : memref<80x64xi32, #tpu.memory_space<hbm>>) target(%arg13 : memref<80x64xi32, #tpu.memory_space<vmem>>) target_semaphore(%run_scoped3A : memref<!tpu.dma_semaphore, #tpu.memory_space<semaphore_mem>>)
      %dma_wait3A_117 = arith.constant 0 : i32
      %dma_wait3A_118 = tpu.memref_slice %arg4[%add3A_30, %dma_wait3A_117] : memref<5120x64xi32, #tpu.memory_space<hbm>> -> memref<80x64xi32, #tpu.memory_space<hbm>>
      %dma_wait3A_119 = arith.constant 0 : i32
      %dma_wait3A_120 = tpu.memref_slice %arg4[%add3A_30, %dma_wait3A_119] : memref<5120x64xi32, #tpu.memory_space<hbm>> -> memref<80x64xi32, #tpu.memory_space<hbm>>
      tpu.wait_dma2 semaphore(%run_scoped3A : memref<!tpu.dma_semaphore, #tpu.memory_space<semaphore_mem>>) src(%dma_wait3A_120 : memref<80x64xi32, #tpu.memory_space<hbm>>) dst(%arg13 : memref<80x64xi32, #tpu.memory_space<vmem>>)
      tpu.yield
    }) : () -> ()
    %dma_start3A = arith.constant 0 : i32
    %dma_start3A_31 = arith.constant 0 : i32
    %dma_start3A_32 = tpu.memref_slice %arg13[%dma_start3A, %dma_start3A_31] : memref<80x64xi32, #tpu.memory_space<vmem>> -> memref<1x64xi32, #tpu.memory_space<vmem>>
    %dma_start3A_33 = tpu.memref_squeeze %dma_start3A_32 : memref<1x64xi32, #tpu.memory_space<vmem>> -> memref<64xi32, #tpu.memory_space<vmem>>
    %dma_start3A_34 = arith.constant 0 : i32
    %dma_start3A_35 = arith.constant 0 : i32
    %dma_start3A_36 = tpu.memref_slice %arg2[%dma_start3A_34, %dma_start3A_35] : memref<10240x128xf32, #tpu.memory_space<hbm>> -> memref<10240x128xf32, #tpu.memory_space<hbm>>
    tpu.enqueue_indirect_dma source(%dma_start3A_36 : memref<10240x128xf32, #tpu.memory_space<hbm>>) target(%arg14 : memref<64x128xf32, #tpu.memory_space<vmem>>) offsets(%dma_start3A_33 : memref<64xi32, #tpu.memory_space<vmem>>) semaphore(%arg17 : memref<!tpu.dma_semaphore, #tpu.memory_space<semaphore_mem>>)
    %scan3A = arith.constant 0 : i32
    %scan3A_37 = arith.constant 0 : i32
    %scan3A_38 = arith.constant 40 : i32
    %scan3A_39 = arith.addi %scan3A_37, %scan3A_38 : i32
    %scan3A_40 = arith.constant 1 : i32
    scf.for %scan3A_113 = %scan3A_37 to %scan3A_39 step %scan3A_40  : i32 {
      %mul3A_114 = arith.constant 2 : i32
      %mul3A_115 = arith.muli %mul3A_114, %scan3A_113 : i32
      %add3A_116 = arith.constant 0 : i32
      %add3A_117 = arith.addi %mul3A_115, %add3A_116 : i32
      %dma_wait3A_118 = arith.constant 0 : i32
      %dma_wait3A_119 = tpu.memref_slice %arg13[%add3A_117, %dma_wait3A_118] : memref<80x64xi32, #tpu.memory_space<vmem>> -> memref<1x64xi32, #tpu.memory_space<vmem>>
      %dma_wait3A_120 = tpu.memref_squeeze %dma_wait3A_119 : memref<1x64xi32, #tpu.memory_space<vmem>> -> memref<64xi32, #tpu.memory_space<vmem>>
      %dma_wait3A_121 = arith.constant 0 : i32
      %dma_wait3A_122 = arith.constant 0 : i32
      %dma_wait3A_123 = tpu.memref_slice %arg2[%dma_wait3A_121, %dma_wait3A_122] : memref<10240x128xf32, #tpu.memory_space<hbm>> -> memref<10240x128xf32, #tpu.memory_space<hbm>>
      tpu.wait_indirect_dma semaphore(%arg17 : memref<!tpu.dma_semaphore, #tpu.memory_space<semaphore_mem>>) src(%dma_wait3A_123 : memref<10240x128xf32, #tpu.memory_space<hbm>>) dst(%arg14 : memref<64x128xf32, #tpu.memory_space<vmem>>)
      %ge3A = arith.constant 1 : i32
      %ge3A_124 = arith.cmpi sge, %add3A_117, %ge3A : i32
      %convert_element_type3A_125 = arith.extui %ge3A_124 : i1 to i32
      %cond3A_126 = arith.constant 0 : i32
      %cond3A_127 = arith.cmpi ne, %convert_element_type3A_125, %cond3A_126 : i32
      scf.if %cond3A_127 {
        %sub3A_187 = arith.constant 1 : i32
        %sub3A_188 = arith.subi %add3A_117, %sub3A_187 : i32
        %dma_wait3A_189 = arith.constant 0 : i32
        %dma_wait3A_190 = tpu.memref_slice %arg12[%sub3A_188, %dma_wait3A_189] : memref<80x64xi32, #tpu.memory_space<vmem>> -> memref<1x64xi32, #tpu.memory_space<vmem>>
        %dma_wait3A_191 = tpu.memref_squeeze %dma_wait3A_190 : memref<1x64xi32, #tpu.memory_space<vmem>> -> memref<64xi32, #tpu.memory_space<vmem>>
        %dma_wait3A_192 = arith.constant 0 : i32
        %dma_wait3A_193 = arith.constant 0 : i32
        %dma_wait3A_194 = tpu.memref_slice %arg10[%dma_wait3A_192, %dma_wait3A_193] : memref<10112x128xf32, #tpu.memory_space<vmem_shared>> -> memref<10112x128xf32, #tpu.memory_space<vmem_shared>>
        tpu.wait_indirect_dma semaphore(%arg20 : memref<!tpu.dma_semaphore, #tpu.memory_space<semaphore_mem>>) src(%arg15 : memref<64x128xf32, #tpu.memory_space<vmem>>) dst(%dma_wait3A_194 : memref<10112x128xf32, #tpu.memory_space<vmem_shared>>)
        %dma_wait3A_195 = arith.constant 0 : i32
        %dma_wait3A_196 = tpu.memref_slice %arg12[%sub3A_188, %dma_wait3A_195] : memref<80x64xi32, #tpu.memory_space<vmem>> -> memref<1x64xi32, #tpu.memory_space<vmem>>
        %dma_wait3A_197 = tpu.memref_squeeze %dma_wait3A_196 : memref<1x64xi32, #tpu.memory_space<vmem>> -> memref<64xi32, #tpu.memory_space<vmem>>
        %dma_wait3A_198 = arith.constant 0 : i32
        %dma_wait3A_199 = tpu.memref_slice %arg11[%dma_wait3A_198] : memref<10112xf32, #tpu.memory_space<vmem_shared>> -> memref<10112xf32, #tpu.memory_space<vmem_shared>>
        tpu.wait_indirect_dma semaphore(%arg22 : memref<!tpu.dma_semaphore, #tpu.memory_space<semaphore_mem>>) src(%arg16 : memref<64xf32, #tpu.memory_space<vmem>>) dst(%dma_wait3A_199 : memref<10112xf32, #tpu.memory_space<vmem_shared>>)
      } else {
      }
      %add3A_128 = arith.constant 1 : i32
      %add3A_129 = arith.addi %add3A_117, %add3A_128 : i32
      %dma_start3A_130 = arith.constant 0 : i32
      %dma_start3A_131 = tpu.memref_slice %arg13[%add3A_129, %dma_start3A_130] : memref<80x64xi32, #tpu.memory_space<vmem>> -> memref<1x64xi32, #tpu.memory_space<vmem>>
      %dma_start3A_132 = tpu.memref_squeeze %dma_start3A_131 : memref<1x64xi32, #tpu.memory_space<vmem>> -> memref<64xi32, #tpu.memory_space<vmem>>
      %dma_start3A_133 = arith.constant 0 : i32
      %dma_start3A_134 = arith.constant 0 : i32
      %dma_start3A_135 = tpu.memref_slice %arg2[%dma_start3A_133, %dma_start3A_134] : memref<10240x128xf32, #tpu.memory_space<hbm>> -> memref<10240x128xf32, #tpu.memory_space<hbm>>
      tpu.enqueue_indirect_dma source(%dma_start3A_135 : memref<10240x128xf32, #tpu.memory_space<hbm>>) target(%arg15 : memref<64x128xf32, #tpu.memory_space<vmem>>) offsets(%dma_start3A_132 : memref<64xi32, #tpu.memory_space<vmem>>) semaphore(%arg18 : memref<!tpu.dma_semaphore, #tpu.memory_space<semaphore_mem>>)
      %dma_start3A_136 = arith.constant 0 : i32
      %dma_start3A_137 = tpu.memref_slice %arg12[%add3A_117, %dma_start3A_136] : memref<80x64xi32, #tpu.memory_space<vmem>> -> memref<1x64xi32, #tpu.memory_space<vmem>>
      %dma_start3A_138 = tpu.memref_squeeze %dma_start3A_137 : memref<1x64xi32, #tpu.memory_space<vmem>> -> memref<64xi32, #tpu.memory_space<vmem>>
      %dma_start3A_139 = arith.constant 0 : i32
      %dma_start3A_140 = arith.constant 0 : i32
      %dma_start3A_141 = tpu.memref_slice %arg10[%dma_start3A_139, %dma_start3A_140] : memref<10112x128xf32, #tpu.memory_space<vmem_shared>> -> memref<10112x128xf32, #tpu.memory_space<vmem_shared>>
      tpu.enqueue_indirect_dma source(%arg14 : memref<64x128xf32, #tpu.memory_space<vmem>>) target(%dma_start3A_141 : memref<10112x128xf32, #tpu.memory_space<vmem_shared>>) offsets(%dma_start3A_138 : memref<64xi32, #tpu.memory_space<vmem>>) semaphore(%arg19 : memref<!tpu.dma_semaphore, #tpu.memory_space<semaphore_mem>>) {add = true}
      %dma_start3A_142 = arith.constant 0 : i32
      %dma_start3A_143 = tpu.memref_slice %arg12[%add3A_117, %dma_start3A_142] : memref<80x64xi32, #tpu.memory_space<vmem>> -> memref<1x64xi32, #tpu.memory_space<vmem>>
      %dma_start3A_144 = tpu.memref_squeeze %dma_start3A_143 : memref<1x64xi32, #tpu.memory_space<vmem>> -> memref<64xi32, #tpu.memory_space<vmem>>
      %dma_start3A_145 = arith.constant 0 : i32
      %dma_start3A_146 = tpu.memref_slice %arg11[%dma_start3A_145] : memref<10112xf32, #tpu.memory_space<vmem_shared>> -> memref<10112xf32, #tpu.memory_space<vmem_shared>>
      tpu.enqueue_indirect_dma source(%arg16 : memref<64xf32, #tpu.memory_space<vmem>>) target(%dma_start3A_146 : memref<10112xf32, #tpu.memory_space<vmem_shared>>) offsets(%dma_start3A_144 : memref<64xi32, #tpu.memory_space<vmem>>) semaphore(%arg21 : memref<!tpu.dma_semaphore, #tpu.memory_space<semaphore_mem>>) {add = true}
      %mul3A_147 = arith.constant 2 : i32
      %mul3A_148 = arith.muli %mul3A_147, %scan3A_113 : i32
      %add3A_149 = arith.constant 1 : i32
      %add3A_150 = arith.addi %mul3A_148, %add3A_149 : i32
      %dma_wait3A_151 = arith.constant 0 : i32
      %dma_wait3A_152 = tpu.memref_slice %arg13[%add3A_150, %dma_wait3A_151] : memref<80x64xi32, #tpu.memory_space<vmem>> -> memref<1x64xi32, #tpu.memory_space<vmem>>
      %dma_wait3A_153 = tpu.memref_squeeze %dma_wait3A_152 : memref<1x64xi32, #tpu.memory_space<vmem>> -> memref<64xi32, #tpu.memory_space<vmem>>
      %dma_wait3A_154 = arith.constant 0 : i32
      %dma_wait3A_155 = arith.constant 0 : i32
      %dma_wait3A_156 = tpu.memref_slice %arg2[%dma_wait3A_154, %dma_wait3A_155] : memref<10240x128xf32, #tpu.memory_space<hbm>> -> memref<10240x128xf32, #tpu.memory_space<hbm>>
      tpu.wait_indirect_dma semaphore(%arg18 : memref<!tpu.dma_semaphore, #tpu.memory_space<semaphore_mem>>) src(%dma_wait3A_156 : memref<10240x128xf32, #tpu.memory_space<hbm>>) dst(%arg15 : memref<64x128xf32, #tpu.memory_space<vmem>>)
      %sub3A = arith.constant 1 : i32
      %sub3A_157 = arith.subi %add3A_150, %sub3A : i32
      %dma_wait3A_158 = arith.constant 0 : i32
      %dma_wait3A_159 = tpu.memref_slice %arg12[%sub3A_157, %dma_wait3A_158] : memref<80x64xi32, #tpu.memory_space<vmem>> -> memref<1x64xi32, #tpu.memory_space<vmem>>
      %dma_wait3A_160 = tpu.memref_squeeze %dma_wait3A_159 : memref<1x64xi32, #tpu.memory_space<vmem>> -> memref<64xi32, #tpu.memory_space<vmem>>
      %dma_wait3A_161 = arith.constant 0 : i32
      %dma_wait3A_162 = arith.constant 0 : i32
      %dma_wait3A_163 = tpu.memref_slice %arg10[%dma_wait3A_161, %dma_wait3A_162] : memref<10112x128xf32, #tpu.memory_space<vmem_shared>> -> memref<10112x128xf32, #tpu.memory_space<vmem_shared>>
      tpu.wait_indirect_dma semaphore(%arg19 : memref<!tpu.dma_semaphore, #tpu.memory_space<semaphore_mem>>) src(%arg14 : memref<64x128xf32, #tpu.memory_space<vmem>>) dst(%dma_wait3A_163 : memref<10112x128xf32, #tpu.memory_space<vmem_shared>>)
      %dma_wait3A_164 = arith.constant 0 : i32
      %dma_wait3A_165 = tpu.memref_slice %arg12[%sub3A_157, %dma_wait3A_164] : memref<80x64xi32, #tpu.memory_space<vmem>> -> memref<1x64xi32, #tpu.memory_space<vmem>>
      %dma_wait3A_166 = tpu.memref_squeeze %dma_wait3A_165 : memref<1x64xi32, #tpu.memory_space<vmem>> -> memref<64xi32, #tpu.memory_space<vmem>>
      %dma_wait3A_167 = arith.constant 0 : i32
      %dma_wait3A_168 = tpu.memref_slice %arg11[%dma_wait3A_167] : memref<10112xf32, #tpu.memory_space<vmem_shared>> -> memref<10112xf32, #tpu.memory_space<vmem_shared>>
      tpu.wait_indirect_dma semaphore(%arg21 : memref<!tpu.dma_semaphore, #tpu.memory_space<semaphore_mem>>) src(%arg16 : memref<64xf32, #tpu.memory_space<vmem>>) dst(%dma_wait3A_168 : memref<10112xf32, #tpu.memory_space<vmem_shared>>)
      %add3A_169 = arith.constant 1 : i32
      %add3A_170 = arith.addi %add3A_150, %add3A_169 : i32
      %lt3A_171 = arith.constant 80 : i32
      %lt3A_172 = arith.cmpi slt, %add3A_170, %lt3A_171 : i32
      %convert_element_type3A_173 = arith.extui %lt3A_172 : i1 to i32
      %cond3A_174 = arith.constant 0 : i32
      %cond3A_175 = arith.cmpi ne, %convert_element_type3A_173, %cond3A_174 : i32
      scf.if %cond3A_175 {
        %add3A_187 = arith.constant 1 : i32
        %add3A_188 = arith.addi %add3A_150, %add3A_187 : i32
        %dma_start3A_189 = arith.constant 0 : i32
        %dma_start3A_190 = tpu.memref_slice %arg13[%add3A_188, %dma_start3A_189] : memref<80x64xi32, #tpu.memory_space<vmem>> -> memref<1x64xi32, #tpu.memory_space<vmem>>
        %dma_start3A_191 = tpu.memref_squeeze %dma_start3A_190 : memref<1x64xi32, #tpu.memory_space<vmem>> -> memref<64xi32, #tpu.memory_space<vmem>>
        %dma_start3A_192 = arith.constant 0 : i32
        %dma_start3A_193 = arith.constant 0 : i32
        %dma_start3A_194 = tpu.memref_slice %arg2[%dma_start3A_192, %dma_start3A_193] : memref<10240x128xf32, #tpu.memory_space<hbm>> -> memref<10240x128xf32, #tpu.memory_space<hbm>>
        tpu.enqueue_indirect_dma source(%dma_start3A_194 : memref<10240x128xf32, #tpu.memory_space<hbm>>) target(%arg14 : memref<64x128xf32, #tpu.memory_space<vmem>>) offsets(%dma_start3A_191 : memref<64xi32, #tpu.memory_space<vmem>>) semaphore(%arg17 : memref<!tpu.dma_semaphore, #tpu.memory_space<semaphore_mem>>)
      } else {
      }
      %dma_start3A_176 = arith.constant 0 : i32
      %dma_start3A_177 = tpu.memref_slice %arg12[%add3A_150, %dma_start3A_176] : memref<80x64xi32, #tpu.memory_space<vmem>> -> memref<1x64xi32, #tpu.memory_space<vmem>>
      %dma_start3A_178 = tpu.memref_squeeze %dma_start3A_177 : memref<1x64xi32, #tpu.memory_space<vmem>> -> memref<64xi32, #tpu.memory_space<vmem>>
      %dma_start3A_179 = arith.constant 0 : i32
      %dma_start3A_180 = arith.constant 0 : i32
      %dma_start3A_181 = tpu.memref_slice %arg10[%dma_start3A_179, %dma_start3A_180] : memref<10112x128xf32, #tpu.memory_space<vmem_shared>> -> memref<10112x128xf32, #tpu.memory_space<vmem_shared>>
      tpu.enqueue_indirect_dma source(%arg15 : memref<64x128xf32, #tpu.memory_space<vmem>>) target(%dma_start3A_181 : memref<10112x128xf32, #tpu.memory_space<vmem_shared>>) offsets(%dma_start3A_178 : memref<64xi32, #tpu.memory_space<vmem>>) semaphore(%arg20 : memref<!tpu.dma_semaphore, #tpu.memory_space<semaphore_mem>>) {add = true}
      %dma_start3A_182 = arith.constant 0 : i32
      %dma_start3A_183 = tpu.memref_slice %arg12[%add3A_150, %dma_start3A_182] : memref<80x64xi32, #tpu.memory_space<vmem>> -> memref<1x64xi32, #tpu.memory_space<vmem>>
      %dma_start3A_184 = tpu.memref_squeeze %dma_start3A_183 : memref<1x64xi32, #tpu.memory_space<vmem>> -> memref<64xi32, #tpu.memory_space<vmem>>
      %dma_start3A_185 = arith.constant 0 : i32
      %dma_start3A_186 = tpu.memref_slice %arg11[%dma_start3A_185] : memref<10112xf32, #tpu.memory_space<vmem_shared>> -> memref<10112xf32, #tpu.memory_space<vmem_shared>>
      tpu.enqueue_indirect_dma source(%arg16 : memref<64xf32, #tpu.memory_space<vmem>>) target(%dma_start3A_186 : memref<10112xf32, #tpu.memory_space<vmem_shared>>) offsets(%dma_start3A_184 : memref<64xi32, #tpu.memory_space<vmem>>) semaphore(%arg22 : memref<!tpu.dma_semaphore, #tpu.memory_space<semaphore_mem>>) {add = true}
    }
    %scan3A_41 = arith.constant 40 : i32
    %dma_wait3A = arith.constant 79 : i32
    %dma_wait3A_42 = arith.constant 0 : i32
    %dma_wait3A_43 = tpu.memref_slice %arg12[%dma_wait3A, %dma_wait3A_42] : memref<80x64xi32, #tpu.memory_space<vmem>> -> memref<1x64xi32, #tpu.memory_space<vmem>>
    %dma_wait3A_44 = tpu.memref_squeeze %dma_wait3A_43 : memref<1x64xi32, #tpu.memory_space<vmem>> -> memref<64xi32, #tpu.memory_space<vmem>>
    %dma_wait3A_45 = arith.constant 0 : i32
    %dma_wait3A_46 = arith.constant 0 : i32
    %dma_wait3A_47 = tpu.memref_slice %arg10[%dma_wait3A_45, %dma_wait3A_46] : memref<10112x128xf32, #tpu.memory_space<vmem_shared>> -> memref<10112x128xf32, #tpu.memory_space<vmem_shared>>
    tpu.wait_indirect_dma semaphore(%arg20 : memref<!tpu.dma_semaphore, #tpu.memory_space<semaphore_mem>>) src(%arg15 : memref<64x128xf32, #tpu.memory_space<vmem>>) dst(%dma_wait3A_47 : memref<10112x128xf32, #tpu.memory_space<vmem_shared>>)
    %dma_wait3A_48 = arith.constant 79 : i32
    %dma_wait3A_49 = arith.constant 0 : i32
    %dma_wait3A_50 = tpu.memref_slice %arg12[%dma_wait3A_48, %dma_wait3A_49] : memref<80x64xi32, #tpu.memory_space<vmem>> -> memref<1x64xi32, #tpu.memory_space<vmem>>
    %dma_wait3A_51 = tpu.memref_squeeze %dma_wait3A_50 : memref<1x64xi32, #tpu.memory_space<vmem>> -> memref<64xi32, #tpu.memory_space<vmem>>
    %dma_wait3A_52 = arith.constant 0 : i32
    %dma_wait3A_53 = tpu.memref_slice %arg11[%dma_wait3A_52] : memref<10112xf32, #tpu.memory_space<vmem_shared>> -> memref<10112xf32, #tpu.memory_space<vmem_shared>>
    tpu.wait_indirect_dma semaphore(%arg22 : memref<!tpu.dma_semaphore, #tpu.memory_space<semaphore_mem>>) src(%arg16 : memref<64xf32, #tpu.memory_space<vmem>>) dst(%dma_wait3A_53 : memref<10112xf32, #tpu.memory_space<vmem_shared>>)
    %add3A_54 = arith.constant 80 : i32
    %add3A_55 = arith.addi %mul3A_4, %add3A_54 : i32
    "tpu.region"() ({
      %run_scoped3A = tpu.sem_alloc : memref<!tpu.dma_semaphore, #tpu.memory_space<semaphore_mem>>
      %dma_start3A_113 = arith.constant 0 : i32
      %dma_start3A_114 = tpu.memref_slice %arg3[%add3A_55, %dma_start3A_113] : memref<5120x64xi32, #tpu.memory_space<hbm>> -> memref<80x64xi32, #tpu.memory_space<hbm>>
      %dma_start3A_115 = arith.constant 0 : i32
      %dma_start3A_116 = tpu.memref_slice %arg3[%add3A_55, %dma_start3A_115] : memref<5120x64xi32, #tpu.memory_space<hbm>> -> memref<80x64xi32, #tpu.memory_space<hbm>>
      tpu.enqueue_dma source(%dma_start3A_116 : memref<80x64xi32, #tpu.memory_space<hbm>>) target(%arg12 : memref<80x64xi32, #tpu.memory_space<vmem>>) target_semaphore(%run_scoped3A : memref<!tpu.dma_semaphore, #tpu.memory_space<semaphore_mem>>)
      %dma_wait3A_117 = arith.constant 0 : i32
      %dma_wait3A_118 = tpu.memref_slice %arg3[%add3A_55, %dma_wait3A_117] : memref<5120x64xi32, #tpu.memory_space<hbm>> -> memref<80x64xi32, #tpu.memory_space<hbm>>
      %dma_wait3A_119 = arith.constant 0 : i32
      %dma_wait3A_120 = tpu.memref_slice %arg3[%add3A_55, %dma_wait3A_119] : memref<5120x64xi32, #tpu.memory_space<hbm>> -> memref<80x64xi32, #tpu.memory_space<hbm>>
      tpu.wait_dma2 semaphore(%run_scoped3A : memref<!tpu.dma_semaphore, #tpu.memory_space<semaphore_mem>>) src(%dma_wait3A_120 : memref<80x64xi32, #tpu.memory_space<hbm>>) dst(%arg12 : memref<80x64xi32, #tpu.memory_space<vmem>>)
      tpu.yield
    }) : () -> ()
    "tpu.region"() ({
      %run_scoped3A = tpu.sem_alloc : memref<!tpu.dma_semaphore, #tpu.memory_space<semaphore_mem>>
      %dma_start3A_113 = arith.constant 0 : i32
      %dma_start3A_114 = tpu.memref_slice %arg4[%add3A_55, %dma_start3A_113] : memref<5120x64xi32, #tpu.memory_space<hbm>> -> memref<80x64xi32, #tpu.memory_space<hbm>>
      %dma_start3A_115 = arith.constant 0 : i32
      %dma_start3A_116 = tpu.memref_slice %arg4[%add3A_55, %dma_start3A_115] : memref<5120x64xi32, #tpu.memory_space<hbm>> -> memref<80x64xi32, #tpu.memory_space<hbm>>
      tpu.enqueue_dma source(%dma_start3A_116 : memref<80x64xi32, #tpu.memory_space<hbm>>) target(%arg13 : memref<80x64xi32, #tpu.memory_space<vmem>>) target_semaphore(%run_scoped3A : memref<!tpu.dma_semaphore, #tpu.memory_space<semaphore_mem>>)
      %dma_wait3A_117 = arith.constant 0 : i32
      %dma_wait3A_118 = tpu.memref_slice %arg4[%add3A_55, %dma_wait3A_117] : memref<5120x64xi32, #tpu.memory_space<hbm>> -> memref<80x64xi32, #tpu.memory_space<hbm>>
      %dma_wait3A_119 = arith.constant 0 : i32
      %dma_wait3A_120 = tpu.memref_slice %arg4[%add3A_55, %dma_wait3A_119] : memref<5120x64xi32, #tpu.memory_space<hbm>> -> memref<80x64xi32, #tpu.memory_space<hbm>>
      tpu.wait_dma2 semaphore(%run_scoped3A : memref<!tpu.dma_semaphore, #tpu.memory_space<semaphore_mem>>) src(%dma_wait3A_120 : memref<80x64xi32, #tpu.memory_space<hbm>>) dst(%arg13 : memref<80x64xi32, #tpu.memory_space<vmem>>)
      tpu.yield
    }) : () -> ()
    %dma_start3A_56 = arith.constant 0 : i32
    %dma_start3A_57 = arith.constant 0 : i32
    %dma_start3A_58 = tpu.memref_slice %arg13[%dma_start3A_56, %dma_start3A_57] : memref<80x64xi32, #tpu.memory_space<vmem>> -> memref<1x64xi32, #tpu.memory_space<vmem>>
    %dma_start3A_59 = tpu.memref_squeeze %dma_start3A_58 : memref<1x64xi32, #tpu.memory_space<vmem>> -> memref<64xi32, #tpu.memory_space<vmem>>
    %dma_start3A_60 = arith.constant 0 : i32
    %dma_start3A_61 = arith.constant 0 : i32
    %dma_start3A_62 = tpu.memref_slice %arg2[%dma_start3A_60, %dma_start3A_61] : memref<10240x128xf32, #tpu.memory_space<hbm>> -> memref<10240x128xf32, #tpu.memory_space<hbm>>
    tpu.enqueue_indirect_dma source(%dma_start3A_62 : memref<10240x128xf32, #tpu.memory_space<hbm>>) target(%arg14 : memref<64x128xf32, #tpu.memory_space<vmem>>) offsets(%dma_start3A_59 : memref<64xi32, #tpu.memory_space<vmem>>) semaphore(%arg17 : memref<!tpu.dma_semaphore, #tpu.memory_space<semaphore_mem>>)
    %scan3A_63 = arith.constant 0 : i32
    %scan3A_64 = arith.constant 0 : i32
    %scan3A_65 = arith.constant 40 : i32
    %scan3A_66 = arith.addi %scan3A_64, %scan3A_65 : i32
    %scan3A_67 = arith.constant 1 : i32
    scf.for %scan3A_113 = %scan3A_64 to %scan3A_66 step %scan3A_67  : i32 {
      %mul3A_114 = arith.constant 2 : i32
      %mul3A_115 = arith.muli %mul3A_114, %scan3A_113 : i32
      %add3A_116 = arith.constant 0 : i32
      %add3A_117 = arith.addi %mul3A_115, %add3A_116 : i32
      %dma_wait3A_118 = arith.constant 0 : i32
      %dma_wait3A_119 = tpu.memref_slice %arg13[%add3A_117, %dma_wait3A_118] : memref<80x64xi32, #tpu.memory_space<vmem>> -> memref<1x64xi32, #tpu.memory_space<vmem>>
      %dma_wait3A_120 = tpu.memref_squeeze %dma_wait3A_119 : memref<1x64xi32, #tpu.memory_space<vmem>> -> memref<64xi32, #tpu.memory_space<vmem>>
      %dma_wait3A_121 = arith.constant 0 : i32
      %dma_wait3A_122 = arith.constant 0 : i32
      %dma_wait3A_123 = tpu.memref_slice %arg2[%dma_wait3A_121, %dma_wait3A_122] : memref<10240x128xf32, #tpu.memory_space<hbm>> -> memref<10240x128xf32, #tpu.memory_space<hbm>>
      tpu.wait_indirect_dma semaphore(%arg17 : memref<!tpu.dma_semaphore, #tpu.memory_space<semaphore_mem>>) src(%dma_wait3A_123 : memref<10240x128xf32, #tpu.memory_space<hbm>>) dst(%arg14 : memref<64x128xf32, #tpu.memory_space<vmem>>)
      %ge3A = arith.constant 1 : i32
      %ge3A_124 = arith.cmpi sge, %add3A_117, %ge3A : i32
      %convert_element_type3A_125 = arith.extui %ge3A_124 : i1 to i32
      %cond3A_126 = arith.constant 0 : i32
      %cond3A_127 = arith.cmpi ne, %convert_element_type3A_125, %cond3A_126 : i32
      scf.if %cond3A_127 {
        %sub3A_187 = arith.constant 1 : i32
        %sub3A_188 = arith.subi %add3A_117, %sub3A_187 : i32
        %dma_wait3A_189 = arith.constant 0 : i32
        %dma_wait3A_190 = tpu.memref_slice %arg12[%sub3A_188, %dma_wait3A_189] : memref<80x64xi32, #tpu.memory_space<vmem>> -> memref<1x64xi32, #tpu.memory_space<vmem>>
        %dma_wait3A_191 = tpu.memref_squeeze %dma_wait3A_190 : memref<1x64xi32, #tpu.memory_space<vmem>> -> memref<64xi32, #tpu.memory_space<vmem>>
        %dma_wait3A_192 = arith.constant 0 : i32
        %dma_wait3A_193 = arith.constant 0 : i32
        %dma_wait3A_194 = tpu.memref_slice %arg10[%dma_wait3A_192, %dma_wait3A_193] : memref<10112x128xf32, #tpu.memory_space<vmem_shared>> -> memref<10112x128xf32, #tpu.memory_space<vmem_shared>>
        tpu.wait_indirect_dma semaphore(%arg20 : memref<!tpu.dma_semaphore, #tpu.memory_space<semaphore_mem>>) src(%arg15 : memref<64x128xf32, #tpu.memory_space<vmem>>) dst(%dma_wait3A_194 : memref<10112x128xf32, #tpu.memory_space<vmem_shared>>)
        %dma_wait3A_195 = arith.constant 0 : i32
        %dma_wait3A_196 = tpu.memref_slice %arg12[%sub3A_188, %dma_wait3A_195] : memref<80x64xi32, #tpu.memory_space<vmem>> -> memref<1x64xi32, #tpu.memory_space<vmem>>
        %dma_wait3A_197 = tpu.memref_squeeze %dma_wait3A_196 : memref<1x64xi32, #tpu.memory_space<vmem>> -> memref<64xi32, #tpu.memory_space<vmem>>
        %dma_wait3A_198 = arith.constant 0 : i32
        %dma_wait3A_199 = tpu.memref_slice %arg11[%dma_wait3A_198] : memref<10112xf32, #tpu.memory_space<vmem_shared>> -> memref<10112xf32, #tpu.memory_space<vmem_shared>>
        tpu.wait_indirect_dma semaphore(%arg22 : memref<!tpu.dma_semaphore, #tpu.memory_space<semaphore_mem>>) src(%arg16 : memref<64xf32, #tpu.memory_space<vmem>>) dst(%dma_wait3A_199 : memref<10112xf32, #tpu.memory_space<vmem_shared>>)
      } else {
      }
      %add3A_128 = arith.constant 1 : i32
      %add3A_129 = arith.addi %add3A_117, %add3A_128 : i32
      %dma_start3A_130 = arith.constant 0 : i32
      %dma_start3A_131 = tpu.memref_slice %arg13[%add3A_129, %dma_start3A_130] : memref<80x64xi32, #tpu.memory_space<vmem>> -> memref<1x64xi32, #tpu.memory_space<vmem>>
      %dma_start3A_132 = tpu.memref_squeeze %dma_start3A_131 : memref<1x64xi32, #tpu.memory_space<vmem>> -> memref<64xi32, #tpu.memory_space<vmem>>
      %dma_start3A_133 = arith.constant 0 : i32
      %dma_start3A_134 = arith.constant 0 : i32
      %dma_start3A_135 = tpu.memref_slice %arg2[%dma_start3A_133, %dma_start3A_134] : memref<10240x128xf32, #tpu.memory_space<hbm>> -> memref<10240x128xf32, #tpu.memory_space<hbm>>
      tpu.enqueue_indirect_dma source(%dma_start3A_135 : memref<10240x128xf32, #tpu.memory_space<hbm>>) target(%arg15 : memref<64x128xf32, #tpu.memory_space<vmem>>) offsets(%dma_start3A_132 : memref<64xi32, #tpu.memory_space<vmem>>) semaphore(%arg18 : memref<!tpu.dma_semaphore, #tpu.memory_space<semaphore_mem>>)
      %dma_start3A_136 = arith.constant 0 : i32
      %dma_start3A_137 = tpu.memref_slice %arg12[%add3A_117, %dma_start3A_136] : memref<80x64xi32, #tpu.memory_space<vmem>> -> memref<1x64xi32, #tpu.memory_space<vmem>>
      %dma_start3A_138 = tpu.memref_squeeze %dma_start3A_137 : memref<1x64xi32, #tpu.memory_space<vmem>> -> memref<64xi32, #tpu.memory_space<vmem>>
      %dma_start3A_139 = arith.constant 0 : i32
      %dma_start3A_140 = arith.constant 0 : i32
      %dma_start3A_141 = tpu.memref_slice %arg10[%dma_start3A_139, %dma_start3A_140] : memref<10112x128xf32, #tpu.memory_space<vmem_shared>> -> memref<10112x128xf32, #tpu.memory_space<vmem_shared>>
      tpu.enqueue_indirect_dma source(%arg14 : memref<64x128xf32, #tpu.memory_space<vmem>>) target(%dma_start3A_141 : memref<10112x128xf32, #tpu.memory_space<vmem_shared>>) offsets(%dma_start3A_138 : memref<64xi32, #tpu.memory_space<vmem>>) semaphore(%arg19 : memref<!tpu.dma_semaphore, #tpu.memory_space<semaphore_mem>>) {add = true}
      %dma_start3A_142 = arith.constant 0 : i32
      %dma_start3A_143 = tpu.memref_slice %arg12[%add3A_117, %dma_start3A_142] : memref<80x64xi32, #tpu.memory_space<vmem>> -> memref<1x64xi32, #tpu.memory_space<vmem>>
      %dma_start3A_144 = tpu.memref_squeeze %dma_start3A_143 : memref<1x64xi32, #tpu.memory_space<vmem>> -> memref<64xi32, #tpu.memory_space<vmem>>
      %dma_start3A_145 = arith.constant 0 : i32
      %dma_start3A_146 = tpu.memref_slice %arg11[%dma_start3A_145] : memref<10112xf32, #tpu.memory_space<vmem_shared>> -> memref<10112xf32, #tpu.memory_space<vmem_shared>>
      tpu.enqueue_indirect_dma source(%arg16 : memref<64xf32, #tpu.memory_space<vmem>>) target(%dma_start3A_146 : memref<10112xf32, #tpu.memory_space<vmem_shared>>) offsets(%dma_start3A_144 : memref<64xi32, #tpu.memory_space<vmem>>) semaphore(%arg21 : memref<!tpu.dma_semaphore, #tpu.memory_space<semaphore_mem>>) {add = true}
      %mul3A_147 = arith.constant 2 : i32
      %mul3A_148 = arith.muli %mul3A_147, %scan3A_113 : i32
      %add3A_149 = arith.constant 1 : i32
      %add3A_150 = arith.addi %mul3A_148, %add3A_149 : i32
      %dma_wait3A_151 = arith.constant 0 : i32
      %dma_wait3A_152 = tpu.memref_slice %arg13[%add3A_150, %dma_wait3A_151] : memref<80x64xi32, #tpu.memory_space<vmem>> -> memref<1x64xi32, #tpu.memory_space<vmem>>
      %dma_wait3A_153 = tpu.memref_squeeze %dma_wait3A_152 : memref<1x64xi32, #tpu.memory_space<vmem>> -> memref<64xi32, #tpu.memory_space<vmem>>
      %dma_wait3A_154 = arith.constant 0 : i32
      %dma_wait3A_155 = arith.constant 0 : i32
      %dma_wait3A_156 = tpu.memref_slice %arg2[%dma_wait3A_154, %dma_wait3A_155] : memref<10240x128xf32, #tpu.memory_space<hbm>> -> memref<10240x128xf32, #tpu.memory_space<hbm>>
      tpu.wait_indirect_dma semaphore(%arg18 : memref<!tpu.dma_semaphore, #tpu.memory_space<semaphore_mem>>) src(%dma_wait3A_156 : memref<10240x128xf32, #tpu.memory_space<hbm>>) dst(%arg15 : memref<64x128xf32, #tpu.memory_space<vmem>>)
      %sub3A = arith.constant 1 : i32
      %sub3A_157 = arith.subi %add3A_150, %sub3A : i32
      %dma_wait3A_158 = arith.constant 0 : i32
      %dma_wait3A_159 = tpu.memref_slice %arg12[%sub3A_157, %dma_wait3A_158] : memref<80x64xi32, #tpu.memory_space<vmem>> -> memref<1x64xi32, #tpu.memory_space<vmem>>
      %dma_wait3A_160 = tpu.memref_squeeze %dma_wait3A_159 : memref<1x64xi32, #tpu.memory_space<vmem>> -> memref<64xi32, #tpu.memory_space<vmem>>
      %dma_wait3A_161 = arith.constant 0 : i32
      %dma_wait3A_162 = arith.constant 0 : i32
      %dma_wait3A_163 = tpu.memref_slice %arg10[%dma_wait3A_161, %dma_wait3A_162] : memref<10112x128xf32, #tpu.memory_space<vmem_shared>> -> memref<10112x128xf32, #tpu.memory_space<vmem_shared>>
      tpu.wait_indirect_dma semaphore(%arg19 : memref<!tpu.dma_semaphore, #tpu.memory_space<semaphore_mem>>) src(%arg14 : memref<64x128xf32, #tpu.memory_space<vmem>>) dst(%dma_wait3A_163 : memref<10112x128xf32, #tpu.memory_space<vmem_shared>>)
      %dma_wait3A_164 = arith.constant 0 : i32
      %dma_wait3A_165 = tpu.memref_slice %arg12[%sub3A_157, %dma_wait3A_164] : memref<80x64xi32, #tpu.memory_space<vmem>> -> memref<1x64xi32, #tpu.memory_space<vmem>>
      %dma_wait3A_166 = tpu.memref_squeeze %dma_wait3A_165 : memref<1x64xi32, #tpu.memory_space<vmem>> -> memref<64xi32, #tpu.memory_space<vmem>>
      %dma_wait3A_167 = arith.constant 0 : i32
      %dma_wait3A_168 = tpu.memref_slice %arg11[%dma_wait3A_167] : memref<10112xf32, #tpu.memory_space<vmem_shared>> -> memref<10112xf32, #tpu.memory_space<vmem_shared>>
      tpu.wait_indirect_dma semaphore(%arg21 : memref<!tpu.dma_semaphore, #tpu.memory_space<semaphore_mem>>) src(%arg16 : memref<64xf32, #tpu.memory_space<vmem>>) dst(%dma_wait3A_168 : memref<10112xf32, #tpu.memory_space<vmem_shared>>)
      %add3A_169 = arith.constant 1 : i32
      %add3A_170 = arith.addi %add3A_150, %add3A_169 : i32
      %lt3A_171 = arith.constant 80 : i32
      %lt3A_172 = arith.cmpi slt, %add3A_170, %lt3A_171 : i32
      %convert_element_type3A_173 = arith.extui %lt3A_172 : i1 to i32
      %cond3A_174 = arith.constant 0 : i32
      %cond3A_175 = arith.cmpi ne, %convert_element_type3A_173, %cond3A_174 : i32
      scf.if %cond3A_175 {
        %add3A_187 = arith.constant 1 : i32
        %add3A_188 = arith.addi %add3A_150, %add3A_187 : i32
        %dma_start3A_189 = arith.constant 0 : i32
        %dma_start3A_190 = tpu.memref_slice %arg13[%add3A_188, %dma_start3A_189] : memref<80x64xi32, #tpu.memory_space<vmem>> -> memref<1x64xi32, #tpu.memory_space<vmem>>
        %dma_start3A_191 = tpu.memref_squeeze %dma_start3A_190 : memref<1x64xi32, #tpu.memory_space<vmem>> -> memref<64xi32, #tpu.memory_space<vmem>>
        %dma_start3A_192 = arith.constant 0 : i32
        %dma_start3A_193 = arith.constant 0 : i32
        %dma_start3A_194 = tpu.memref_slice %arg2[%dma_start3A_192, %dma_start3A_193] : memref<10240x128xf32, #tpu.memory_space<hbm>> -> memref<10240x128xf32, #tpu.memory_space<hbm>>
        tpu.enqueue_indirect_dma source(%dma_start3A_194 : memref<10240x128xf32, #tpu.memory_space<hbm>>) target(%arg14 : memref<64x128xf32, #tpu.memory_space<vmem>>) offsets(%dma_start3A_191 : memref<64xi32, #tpu.memory_space<vmem>>) semaphore(%arg17 : memref<!tpu.dma_semaphore, #tpu.memory_space<semaphore_mem>>)
      } else {
      }
      %dma_start3A_176 = arith.constant 0 : i32
      %dma_start3A_177 = tpu.memref_slice %arg12[%add3A_150, %dma_start3A_176] : memref<80x64xi32, #tpu.memory_space<vmem>> -> memref<1x64xi32, #tpu.memory_space<vmem>>
      %dma_start3A_178 = tpu.memref_squeeze %dma_start3A_177 : memref<1x64xi32, #tpu.memory_space<vmem>> -> memref<64xi32, #tpu.memory_space<vmem>>
      %dma_start3A_179 = arith.constant 0 : i32
      %dma_start3A_180 = arith.constant 0 : i32
      %dma_start3A_181 = tpu.memref_slice %arg10[%dma_start3A_179, %dma_start3A_180] : memref<10112x128xf32, #tpu.memory_space<vmem_shared>> -> memref<10112x128xf32, #tpu.memory_space<vmem_shared>>
      tpu.enqueue_indirect_dma source(%arg15 : memref<64x128xf32, #tpu.memory_space<vmem>>) target(%dma_start3A_181 : memref<10112x128xf32, #tpu.memory_space<vmem_shared>>) offsets(%dma_start3A_178 : memref<64xi32, #tpu.memory_space<vmem>>) semaphore(%arg20 : memref<!tpu.dma_semaphore, #tpu.memory_space<semaphore_mem>>) {add = true}
      %dma_start3A_182 = arith.constant 0 : i32
      %dma_start3A_183 = tpu.memref_slice %arg12[%add3A_150, %dma_start3A_182] : memref<80x64xi32, #tpu.memory_space<vmem>> -> memref<1x64xi32, #tpu.memory_space<vmem>>
      %dma_start3A_184 = tpu.memref_squeeze %dma_start3A_183 : memref<1x64xi32, #tpu.memory_space<vmem>> -> memref<64xi32, #tpu.memory_space<vmem>>
      %dma_start3A_185 = arith.constant 0 : i32
      %dma_start3A_186 = tpu.memref_slice %arg11[%dma_start3A_185] : memref<10112xf32, #tpu.memory_space<vmem_shared>> -> memref<10112xf32, #tpu.memory_space<vmem_shared>>
      tpu.enqueue_indirect_dma source(%arg16 : memref<64xf32, #tpu.memory_space<vmem>>) target(%dma_start3A_186 : memref<10112xf32, #tpu.memory_space<vmem_shared>>) offsets(%dma_start3A_184 : memref<64xi32, #tpu.memory_space<vmem>>) semaphore(%arg22 : memref<!tpu.dma_semaphore, #tpu.memory_space<semaphore_mem>>) {add = true}
    }
    %scan3A_68 = arith.constant 40 : i32
    %dma_wait3A_69 = arith.constant 79 : i32
    %dma_wait3A_70 = arith.constant 0 : i32
    %dma_wait3A_71 = tpu.memref_slice %arg12[%dma_wait3A_69, %dma_wait3A_70] : memref<80x64xi32, #tpu.memory_space<vmem>> -> memref<1x64xi32, #tpu.memory_space<vmem>>
    %dma_wait3A_72 = tpu.memref_squeeze %dma_wait3A_71 : memref<1x64xi32, #tpu.memory_space<vmem>> -> memref<64xi32, #tpu.memory_space<vmem>>
    %dma_wait3A_73 = arith.constant 0 : i32
    %dma_wait3A_74 = arith.constant 0 : i32
    %dma_wait3A_75 = tpu.memref_slice %arg10[%dma_wait3A_73, %dma_wait3A_74] : memref<10112x128xf32, #tpu.memory_space<vmem_shared>> -> memref<10112x128xf32, #tpu.memory_space<vmem_shared>>
    tpu.wait_indirect_dma semaphore(%arg20 : memref<!tpu.dma_semaphore, #tpu.memory_space<semaphore_mem>>) src(%arg15 : memref<64x128xf32, #tpu.memory_space<vmem>>) dst(%dma_wait3A_75 : memref<10112x128xf32, #tpu.memory_space<vmem_shared>>)
    %dma_wait3A_76 = arith.constant 79 : i32
    %dma_wait3A_77 = arith.constant 0 : i32
    %dma_wait3A_78 = tpu.memref_slice %arg12[%dma_wait3A_76, %dma_wait3A_77] : memref<80x64xi32, #tpu.memory_space<vmem>> -> memref<1x64xi32, #tpu.memory_space<vmem>>
    %dma_wait3A_79 = tpu.memref_squeeze %dma_wait3A_78 : memref<1x64xi32, #tpu.memory_space<vmem>> -> memref<64xi32, #tpu.memory_space<vmem>>
    %dma_wait3A_80 = arith.constant 0 : i32
    %dma_wait3A_81 = tpu.memref_slice %arg11[%dma_wait3A_80] : memref<10112xf32, #tpu.memory_space<vmem_shared>> -> memref<10112xf32, #tpu.memory_space<vmem_shared>>
    tpu.wait_indirect_dma semaphore(%arg22 : memref<!tpu.dma_semaphore, #tpu.memory_space<semaphore_mem>>) src(%arg16 : memref<64xf32, #tpu.memory_space<vmem>>) dst(%dma_wait3A_81 : memref<10112xf32, #tpu.memory_space<vmem_shared>>)
    %barrier3A_82 = arith.constant 0 : index
    tpu.barrier barrier_id(%barrier3A_82)
    "tpu.region"() ({
      %run_scoped3A = tpu.sem_alloc : memref<!tpu.dma_semaphore, #tpu.memory_space<semaphore_mem>>
      %dma_start3A_113 = arith.constant 0 : i32
      %dma_start3A_114 = tpu.memref_slice %arg7[%arg0, %mul3A_0, %dma_start3A_113] : memref<2x10240x128xf32, #tpu.memory_space<hbm>> -> memref<1x632x128xf32, #tpu.memory_space<hbm>>
      %dma_start3A_115 = tpu.memref_squeeze %dma_start3A_114 : memref<1x632x128xf32, #tpu.memory_space<hbm>> -> memref<632x128xf32, #tpu.memory_space<hbm>>
      %dma_start3A_116 = arith.constant 0 : i32
      %dma_start3A_117 = tpu.memref_slice %arg10[%mul3A_0, %dma_start3A_116] : memref<10112x128xf32, #tpu.memory_space<vmem_shared>> -> memref<632x128xf32, #tpu.memory_space<vmem_shared>>
      tpu.enqueue_dma source(%dma_start3A_117 : memref<632x128xf32, #tpu.memory_space<vmem_shared>>) target(%dma_start3A_115 : memref<632x128xf32, #tpu.memory_space<hbm>>) target_semaphore(%run_scoped3A : memref<!tpu.dma_semaphore, #tpu.memory_space<semaphore_mem>>)
      %dma_wait3A_118 = arith.constant 0 : i32
      %dma_wait3A_119 = tpu.memref_slice %arg7[%arg0, %mul3A_0, %dma_wait3A_118] : memref<2x10240x128xf32, #tpu.memory_space<hbm>> -> memref<1x632x128xf32, #tpu.memory_space<hbm>>
      %dma_wait3A_120 = tpu.memref_squeeze %dma_wait3A_119 : memref<1x632x128xf32, #tpu.memory_space<hbm>> -> memref<632x128xf32, #tpu.memory_space<hbm>>
      %dma_wait3A_121 = arith.constant 0 : i32
      %dma_wait3A_122 = tpu.memref_slice %arg10[%mul3A_0, %dma_wait3A_121] : memref<10112x128xf32, #tpu.memory_space<vmem_shared>> -> memref<632x128xf32, #tpu.memory_space<vmem_shared>>
      tpu.wait_dma2 semaphore(%run_scoped3A : memref<!tpu.dma_semaphore, #tpu.memory_space<semaphore_mem>>) src(%dma_wait3A_122 : memref<632x128xf32, #tpu.memory_space<vmem_shared>>) dst(%dma_wait3A_120 : memref<632x128xf32, #tpu.memory_space<hbm>>)
      tpu.yield
    }) : () -> ()
    %eq3A_83 = arith.constant 0 : i32
    %eq3A_84 = arith.cmpi eq, %arg0, %eq3A_83 : i32
    %lt3A = arith.constant 15 : i32
    %lt3A_85 = arith.cmpi slt, %arg1, %lt3A : i32
    %and3A = arith.andi %eq3A_84, %lt3A_85 : i1
    %convert_element_type3A_86 = arith.extui %and3A : i1 to i32
    %cond3A_87 = arith.constant 0 : i32
    %cond3A_88 = arith.cmpi ne, %convert_element_type3A_86, %cond3A_87 : i32
    scf.if %cond3A_88 {
      %mul3A_113 = arith.constant 640 : i32
      %mul3A_114 = arith.muli %mul3A_113, %arg1 : i32
      "tpu.region"() ({
        %run_scoped3A = tpu.sem_alloc : memref<!tpu.dma_semaphore, #tpu.memory_space<semaphore_mem>>
        %dma_start3A_115 = tpu.memref_slice %arg8[%mul3A_114] : memref<10240xf32, #tpu.memory_space<hbm>> -> memref<640xf32, #tpu.memory_space<hbm>>
        %dma_start3A_116 = tpu.memref_slice %arg11[%mul3A_114] : memref<10112xf32, #tpu.memory_space<vmem_shared>> -> memref<640xf32, #tpu.memory_space<vmem_shared>>
        tpu.enqueue_dma source(%dma_start3A_116 : memref<640xf32, #tpu.memory_space<vmem_shared>>) target(%dma_start3A_115 : memref<640xf32, #tpu.memory_space<hbm>>) target_semaphore(%run_scoped3A : memref<!tpu.dma_semaphore, #tpu.memory_space<semaphore_mem>>)
        %dma_wait3A_117 = tpu.memref_slice %arg8[%mul3A_114] : memref<10240xf32, #tpu.memory_space<hbm>> -> memref<640xf32, #tpu.memory_space<hbm>>
        %dma_wait3A_118 = tpu.memref_slice %arg11[%mul3A_114] : memref<10112xf32, #tpu.memory_space<vmem_shared>> -> memref<640xf32, #tpu.memory_space<vmem_shared>>
        tpu.wait_dma2 semaphore(%run_scoped3A : memref<!tpu.dma_semaphore, #tpu.memory_space<semaphore_mem>>) src(%dma_wait3A_118 : memref<640xf32, #tpu.memory_space<vmem_shared>>) dst(%dma_wait3A_117 : memref<640xf32, #tpu.memory_space<hbm>>)
        tpu.yield
      }) : () -> ()
    } else {
    }
    %eq3A_89 = arith.constant 0 : i32
    %eq3A_90 = arith.cmpi eq, %arg0, %eq3A_89 : i32
    %eq3A_91 = arith.constant 15 : i32
    %eq3A_92 = arith.cmpi eq, %arg1, %eq3A_91 : i32
    %and3A_93 = arith.andi %eq3A_90, %eq3A_92 : i1
    %convert_element_type3A_94 = arith.extui %and3A_93 : i1 to i32
    %cond3A_95 = arith.constant 0 : i32
    %cond3A_96 = arith.cmpi ne, %convert_element_type3A_94, %cond3A_95 : i32
    scf.if %cond3A_96 {
      "tpu.region"() ({
        %run_scoped3A = tpu.sem_alloc : memref<!tpu.dma_semaphore, #tpu.memory_space<semaphore_mem>>
        %dma_start3A_113 = arith.constant 9600 : i32
        %dma_start3A_114 = tpu.memref_slice %arg8[%dma_start3A_113] : memref<10240xf32, #tpu.memory_space<hbm>> -> memref<512xf32, #tpu.memory_space<hbm>>
        %dma_start3A_115 = arith.constant 9600 : i32
        %dma_start3A_116 = tpu.memref_slice %arg11[%dma_start3A_115] : memref<10112xf32, #tpu.memory_space<vmem_shared>> -> memref<512xf32, #tpu.memory_space<vmem_shared>>
        tpu.enqueue_dma source(%dma_start3A_116 : memref<512xf32, #tpu.memory_space<vmem_shared>>) target(%dma_start3A_114 : memref<512xf32, #tpu.memory_space<hbm>>) target_semaphore(%run_scoped3A : memref<!tpu.dma_semaphore, #tpu.memory_space<semaphore_mem>>)
        %dma_wait3A_117 = arith.constant 9600 : i32
        %dma_wait3A_118 = tpu.memref_slice %arg8[%dma_wait3A_117] : memref<10240xf32, #tpu.memory_space<hbm>> -> memref<512xf32, #tpu.memory_space<hbm>>
        %dma_wait3A_119 = arith.constant 9600 : i32
        %dma_wait3A_120 = tpu.memref_slice %arg11[%dma_wait3A_119] : memref<10112xf32, #tpu.memory_space<vmem_shared>> -> memref<512xf32, #tpu.memory_space<vmem_shared>>
        tpu.wait_dma2 semaphore(%run_scoped3A : memref<!tpu.dma_semaphore, #tpu.memory_space<semaphore_mem>>) src(%dma_wait3A_120 : memref<512xf32, #tpu.memory_space<vmem_shared>>) dst(%dma_wait3A_118 : memref<512xf32, #tpu.memory_space<hbm>>)
        tpu.yield
      }) : () -> ()
    } else {
    }
    %eq3A_97 = arith.constant 1 : i32
    %eq3A_98 = arith.cmpi eq, %arg0, %eq3A_97 : i32
    %lt3A_99 = arith.constant 15 : i32
    %lt3A_100 = arith.cmpi slt, %arg1, %lt3A_99 : i32
    %and3A_101 = arith.andi %eq3A_98, %lt3A_100 : i1
    %convert_element_type3A_102 = arith.extui %and3A_101 : i1 to i32
    %cond3A_103 = arith.constant 0 : i32
    %cond3A_104 = arith.cmpi ne, %convert_element_type3A_102, %cond3A_103 : i32
    scf.if %cond3A_104 {
      %mul3A_113 = arith.constant 640 : i32
      %mul3A_114 = arith.muli %mul3A_113, %arg1 : i32
      "tpu.region"() ({
        %run_scoped3A = tpu.sem_alloc : memref<!tpu.dma_semaphore, #tpu.memory_space<semaphore_mem>>
        %dma_start3A_115 = tpu.memref_slice %arg9[%mul3A_114] : memref<10240xf32, #tpu.memory_space<hbm>> -> memref<640xf32, #tpu.memory_space<hbm>>
        %dma_start3A_116 = tpu.memref_slice %arg11[%mul3A_114] : memref<10112xf32, #tpu.memory_space<vmem_shared>> -> memref<640xf32, #tpu.memory_space<vmem_shared>>
        tpu.enqueue_dma source(%dma_start3A_116 : memref<640xf32, #tpu.memory_space<vmem_shared>>) target(%dma_start3A_115 : memref<640xf32, #tpu.memory_space<hbm>>) target_semaphore(%run_scoped3A : memref<!tpu.dma_semaphore, #tpu.memory_space<semaphore_mem>>)
        %dma_wait3A_117 = tpu.memref_slice %arg9[%mul3A_114] : memref<10240xf32, #tpu.memory_space<hbm>> -> memref<640xf32, #tpu.memory_space<hbm>>
        %dma_wait3A_118 = tpu.memref_slice %arg11[%mul3A_114] : memref<10112xf32, #tpu.memory_space<vmem_shared>> -> memref<640xf32, #tpu.memory_space<vmem_shared>>
        tpu.wait_dma2 semaphore(%run_scoped3A : memref<!tpu.dma_semaphore, #tpu.memory_space<semaphore_mem>>) src(%dma_wait3A_118 : memref<640xf32, #tpu.memory_space<vmem_shared>>) dst(%dma_wait3A_117 : memref<640xf32, #tpu.memory_space<hbm>>)
        tpu.yield
      }) : () -> ()
    } else {
    }
    %eq3A_105 = arith.constant 1 : i32
    %eq3A_106 = arith.cmpi eq, %arg0, %eq3A_105 : i32
    %eq3A_107 = arith.constant 15 : i32
    %eq3A_108 = arith.cmpi eq, %arg1, %eq3A_107 : i32
    %and3A_109 = arith.andi %eq3A_106, %eq3A_108 : i1
    %convert_element_type3A_110 = arith.extui %and3A_109 : i1 to i32
    %cond3A_111 = arith.constant 0 : i32
    %cond3A_112 = arith.cmpi ne, %convert_element_type3A_110, %cond3A_111 : i32
    scf.if %cond3A_112 {
      "tpu.region"() ({
        %run_scoped3A = tpu.sem_alloc : memref<!tpu.dma_semaphore, #tpu.memory_space<semaphore_mem>>
        %dma_start3A_113 = arith.constant 9600 : i32
        %dma_start3A_114 = tpu.memref_slice %arg9[%dma_start3A_113] : memref<10240xf32, #tpu.memory_space<hbm>> -> memref<512xf32, #tpu.memory_space<hbm>>
        %dma_start3A_115 = arith.constant 9600 : i32
        %dma_start3A_116 = tpu.memref_slice %arg11[%dma_start3A_115] : memref<10112xf32, #tpu.memory_space<vmem_shared>> -> memref<512xf32, #tpu.memory_space<vmem_shared>>
        tpu.enqueue_dma source(%dma_start3A_116 : memref<512xf32, #tpu.memory_space<vmem_shared>>) target(%dma_start3A_114 : memref<512xf32, #tpu.memory_space<hbm>>) target_semaphore(%run_scoped3A : memref<!tpu.dma_semaphore, #tpu.memory_space<semaphore_mem>>)
        %dma_wait3A_117 = arith.constant 9600 : i32
        %dma_wait3A_118 = tpu.memref_slice %arg9[%dma_wait3A_117] : memref<10240xf32, #tpu.memory_space<hbm>> -> memref<512xf32, #tpu.memory_space<hbm>>
        %dma_wait3A_119 = arith.constant 9600 : i32
        %dma_wait3A_120 = tpu.memref_slice %arg11[%dma_wait3A_119] : memref<10112xf32, #tpu.memory_space<vmem_shared>> -> memref<512xf32, #tpu.memory_space<vmem_shared>>
        tpu.wait_dma2 semaphore(%run_scoped3A : memref<!tpu.dma_semaphore, #tpu.memory_space<semaphore_mem>>) src(%dma_wait3A_120 : memref<512xf32, #tpu.memory_space<vmem_shared>>) dst(%dma_wait3A_118 : memref<512xf32, #tpu.memory_space<hbm>>)
        tpu.yield
      }) : () -> ()
    } else {
    }
    return
  }
}

module attributes {stable_mosaic.version = 14 : i64} {
  func.func @_t0_body(%arg0: i32, %arg1: memref<2560x128xf32, #tpu.memory_space<vmem>>, %arg2: memref<2560x1xi32, #tpu.memory_space<vmem>>, %arg3: memref<2560x1xi32, #tpu.memory_space<vmem>>, %arg4: memref<2560x1xi32, #tpu.memory_space<vmem>>, %arg5: memref<32x32xf32, #tpu.memory_space<vmem>>, %arg6: memref<128x16xf32, #tpu.memory_space<vmem>>, %arg7: memref<16x16xf32, #tpu.memory_space<vmem>>, %arg8: memref<2560x128xf32, #tpu.memory_space<vmem>>) attributes {dimension_semantics = [#tpu.dimension_semantics<arbitrary>], iteration_bounds = array<i64: 4>, scalar_prefetch = 0 : i64, scratch_operands = 0 : i64, tpu.core_type = #tpu.core_type<tc>, window_params = [{transform_indices = @transform_0, window_bounds = array<i64: 2560, 128>}, {transform_indices = @transform_1, window_bounds = array<i64: 2560, 1>}, {transform_indices = @transform_2, window_bounds = array<i64: 2560, 1>}, {transform_indices = @transform_3, window_bounds = array<i64: 2560, 1>}, {pipeline_mode = #tpu.pipeline_mode<synchronous>, transform_indices = @transform_4, window_bounds = array<i64: 32, 32>}, {pipeline_mode = #tpu.pipeline_mode<synchronous>, transform_indices = @transform_5, window_bounds = array<i64: 128, 16>}, {pipeline_mode = #tpu.pipeline_mode<synchronous>, transform_indices = @transform_6, window_bounds = array<i64: 16, 16>}, {transform_indices = @transform_7, window_bounds = array<i64: 2560, 128>}]} {
    %get3A = arith.constant 0 : index
    %get3A_0 = arith.constant 0 : index
    %get3A_1 = vector.load %arg1[%get3A, %get3A_0] : memref<2560x128xf32, #tpu.memory_space<vmem>>, vector<2560x64xf32>
    %get3A_2 = arith.constant 0 : index
    %get3A_3 = arith.constant 0 : index
    %get3A_4 = vector.load %arg2[%get3A_2, %get3A_3] : memref<2560x1xi32, #tpu.memory_space<vmem>>, vector<2560x1xi32>
    %iota3A = tpu.iota {dimensions = array<i32: 1>} : vector<2560x32xi32>
    %eq3A = vector.broadcast %get3A_4 : vector<2560x1xi32> to vector<2560x32xi32>
    %eq3A_5 = arith.cmpi eq, %eq3A, %iota3A : vector<2560x32xi32>
    %convert_element_type3A = arith.extui %eq3A_5 : vector<2560x32xi1> to vector<2560x32xi32>
    %convert_element_type3A_6 = arith.sitofp %convert_element_type3A : vector<2560x32xi32> to vector<2560x32xf32>
    %get3A_7 = arith.constant 0 : index
    %get3A_8 = arith.constant 0 : index
    %get3A_9 = vector.load %arg5[%get3A_7, %get3A_8] : memref<32x32xf32, #tpu.memory_space<vmem>>, vector<32x32xf32>
    %dot_general3A = arith.constant dense<0.000000e+00> : vector<2560x32xf32>
    %dot_general3A_10 = tpu.matmul %convert_element_type3A_6, %get3A_9, %dot_general3A {dimension_numbers = #tpu.dot_dimension_numbers<[1], [0], [0], [1], [0, 0, 1, 1], [], []>, transpose_lhs_hint = false} : vector<2560x32xf32>, vector<32x32xf32>, vector<2560x32xf32> -> vector<2560x32xf32>
    %get3A_11 = arith.constant 0 : index
    %get3A_12 = arith.constant 0 : index
    %get3A_13 = vector.load %arg3[%get3A_11, %get3A_12] : memref<2560x1xi32, #tpu.memory_space<vmem>>, vector<2560x1xi32>
    %iota3A_14 = tpu.iota {dimensions = array<i32: 1>} : vector<2560x128xi32>
    %eq3A_15 = vector.broadcast %get3A_13 : vector<2560x1xi32> to vector<2560x128xi32>
    %eq3A_16 = arith.cmpi eq, %eq3A_15, %iota3A_14 : vector<2560x128xi32>
    %convert_element_type3A_17 = arith.extui %eq3A_16 : vector<2560x128xi1> to vector<2560x128xi32>
    %convert_element_type3A_18 = arith.sitofp %convert_element_type3A_17 : vector<2560x128xi32> to vector<2560x128xf32>
    %get3A_19 = arith.constant 0 : index
    %get3A_20 = arith.constant 0 : index
    %get3A_21 = vector.load %arg6[%get3A_19, %get3A_20] : memref<128x16xf32, #tpu.memory_space<vmem>>, vector<128x16xf32>
    %dot_general3A_22 = arith.constant dense<0.000000e+00> : vector<2560x16xf32>
    %dot_general3A_23 = tpu.matmul %convert_element_type3A_18, %get3A_21, %dot_general3A_22 {dimension_numbers = #tpu.dot_dimension_numbers<[1], [0], [0], [1], [0, 0, 1, 1], [], []>, transpose_lhs_hint = false} : vector<2560x128xf32>, vector<128x16xf32>, vector<2560x16xf32> -> vector<2560x16xf32>
    %get3A_24 = arith.constant 0 : index
    %get3A_25 = arith.constant 0 : index
    %get3A_26 = vector.load %arg4[%get3A_24, %get3A_25] : memref<2560x1xi32, #tpu.memory_space<vmem>>, vector<2560x1xi32>
    %iota3A_27 = tpu.iota {dimensions = array<i32: 1>} : vector<2560x16xi32>
    %eq3A_28 = vector.broadcast %get3A_26 : vector<2560x1xi32> to vector<2560x16xi32>
    %eq3A_29 = arith.cmpi eq, %eq3A_28, %iota3A_27 : vector<2560x16xi32>
    %convert_element_type3A_30 = arith.extui %eq3A_29 : vector<2560x16xi1> to vector<2560x16xi32>
    %convert_element_type3A_31 = arith.sitofp %convert_element_type3A_30 : vector<2560x16xi32> to vector<2560x16xf32>
    %get3A_32 = arith.constant 0 : index
    %get3A_33 = arith.constant 0 : index
    %get3A_34 = vector.load %arg7[%get3A_32, %get3A_33] : memref<16x16xf32, #tpu.memory_space<vmem>>, vector<16x16xf32>
    %dot_general3A_35 = arith.constant dense<0.000000e+00> : vector<2560x16xf32>
    %dot_general3A_36 = tpu.matmul %convert_element_type3A_31, %get3A_34, %dot_general3A_35 {dimension_numbers = #tpu.dot_dimension_numbers<[1], [0], [0], [1], [0, 0, 1, 1], [], []>, transpose_lhs_hint = false} : vector<2560x16xf32>, vector<16x16xf32>, vector<2560x16xf32> -> vector<2560x16xf32>
    %concatenate3A = tpu.concatenate %get3A_1, %dot_general3A_10, %dot_general3A_23, %dot_general3A_36 in 1 : vector<2560x64xf32>, vector<2560x32xf32>, vector<2560x16xf32>, vector<2560x16xf32> -> vector<2560x128xf32>
    %swap3A = arith.constant 0 : index
    %swap3A_37 = arith.constant 0 : index
    %swap3A_38 = vector.load %arg8[%swap3A, %swap3A_37] : memref<2560x128xf32, #tpu.memory_space<vmem>>, vector<2560x128xf32>
    tpu.vector_store %arg8[%swap3A, %swap3A_37], %concatenate3A {strides = array<i32>} : memref<2560x128xf32, #tpu.memory_space<vmem>>, vector<2560x128xf32>,
    return
  }
  func.func @transform_0(%arg0: i32) -> (i32, i32) {
    %c0_i32 = arith.constant 0 : i32
    %c0_i32_0 = arith.constant 0 : i32
    return %arg0, %c0_i32 : i32, i32
  }
  func.func @transform_1(%arg0: i32) -> (i32, i32) {
    %c0_i32 = arith.constant 0 : i32
    %c0_i32_0 = arith.constant 0 : i32
    return %arg0, %c0_i32 : i32, i32
  }
  func.func @transform_2(%arg0: i32) -> (i32, i32) {
    %c0_i32 = arith.constant 0 : i32
    %c0_i32_0 = arith.constant 0 : i32
    return %arg0, %c0_i32 : i32, i32
  }
  func.func @transform_3(%arg0: i32) -> (i32, i32) {
    %c0_i32 = arith.constant 0 : i32
    %c0_i32_0 = arith.constant 0 : i32
    return %arg0, %c0_i32 : i32, i32
  }
  func.func @transform_4(%arg0: i32) -> (i32, i32) {
    %c0_i32 = arith.constant 0 : i32
    %c0_i32_0 = arith.constant 0 : i32
    %c0_i32_1 = arith.constant 0 : i32
    return %c0_i32, %c0_i32_0 : i32, i32
  }
  func.func @transform_5(%arg0: i32) -> (i32, i32) {
    %c0_i32 = arith.constant 0 : i32
    %c0_i32_0 = arith.constant 0 : i32
    %c0_i32_1 = arith.constant 0 : i32
    return %c0_i32, %c0_i32_0 : i32, i32
  }
  func.func @transform_6(%arg0: i32) -> (i32, i32) {
    %c0_i32 = arith.constant 0 : i32
    %c0_i32_0 = arith.constant 0 : i32
    %c0_i32_1 = arith.constant 0 : i32
    return %c0_i32, %c0_i32_0 : i32, i32
  }
  func.func @transform_7(%arg0: i32) -> (i32, i32) {
    %c0_i32 = arith.constant 0 : i32
    %c0_i32_0 = arith.constant 0 : i32
    return %arg0, %c0_i32 : i32, i32
  }
}

module attributes {stable_mosaic.version = 14 : i64} {
  func.func @_t2_body(%arg0: i32, %arg1: memref<2x2560x128xf32, #tpu.memory_space<vmem>>, %arg2: memref<2560x1xf32, #tpu.memory_space<vmem>>, %arg3: memref<128x128xf32, #tpu.memory_space<vmem>>, %arg4: memref<2560x128xf32, #tpu.memory_space<vmem>>) attributes {dimension_semantics = [#tpu.dimension_semantics<arbitrary>], iteration_bounds = array<i64: 4>, scalar_prefetch = 0 : i64, scratch_operands = 0 : i64, tpu.core_type = #tpu.core_type<tc>, window_params = [{transform_indices = @transform_0, window_bounds = array<i64: 2, 2560, 128>}, {transform_indices = @transform_1, window_bounds = array<i64: 2560, 1>}, {pipeline_mode = #tpu.pipeline_mode<synchronous>, transform_indices = @transform_2, window_bounds = array<i64: 128, 128>}, {transform_indices = @transform_3, window_bounds = array<i64: 2560, 128>}]} {
    %get3A = arith.constant 0 : index
    %get3A_0 = arith.constant 0 : index
    %get3A_1 = arith.constant 0 : index
    %get3A_2 = vector.load %arg1[%get3A, %get3A_0, %get3A_1] : memref<2x2560x128xf32, #tpu.memory_space<vmem>>, vector<1x2560x128xf32>
    %get3A_3 = vector.shape_cast %get3A_2 : vector<1x2560x128xf32> to vector<2560x128xf32>
    %get3A_4 = arith.constant 1 : index
    %get3A_5 = arith.constant 0 : index
    %get3A_6 = arith.constant 0 : index
    %get3A_7 = vector.load %arg1[%get3A_4, %get3A_5, %get3A_6] : memref<2x2560x128xf32, #tpu.memory_space<vmem>>, vector<1x2560x128xf32>
    %get3A_8 = vector.shape_cast %get3A_7 : vector<1x2560x128xf32> to vector<2560x128xf32>
    %add3A = arith.addf %get3A_3, %get3A_8 : vector<2560x128xf32>
    %get3A_9 = arith.constant 0 : index
    %get3A_10 = arith.constant 0 : index
    %get3A_11 = vector.load %arg3[%get3A_9, %get3A_10] : memref<128x128xf32, #tpu.memory_space<vmem>>, vector<128x128xf32>
    %dot_general3A = arith.constant dense<0.000000e+00> : vector<2560x128xf32>
    %dot_general3A_12 = tpu.matmul %add3A, %get3A_11, %dot_general3A {dimension_numbers = #tpu.dot_dimension_numbers<[1], [0], [0], [1], [0, 0, 1, 1], [], []>, transpose_lhs_hint = false} : vector<2560x128xf32>, vector<128x128xf32>, vector<2560x128xf32> -> vector<2560x128xf32>
    %get3A_13 = arith.constant 0 : index
    %get3A_14 = arith.constant 0 : index
    %get3A_15 = vector.load %arg2[%get3A_13, %get3A_14] : memref<2560x1xf32, #tpu.memory_space<vmem>>, vector<2560x1xf32>
    %div3A = vector.broadcast %get3A_15 : vector<2560x1xf32> to vector<2560x128xf32>
    %div3A_16 = arith.divf %dot_general3A_12, %div3A : vector<2560x128xf32>
    %gt3A = arith.constant 0.000000e+00 : f32
    %gt3A_17 = vector.broadcast %gt3A : f32 to vector<2560x128xf32>
    %gt3A_18 = arith.cmpf ogt, %div3A_16, %gt3A_17 : vector<2560x128xf32>
    %exp3A = math.exp %div3A_16 : vector<2560x128xf32>
    %sub3A = arith.constant 1.000000e+00 : f32
    %sub3A_19 = vector.broadcast %sub3A : f32 to vector<2560x128xf32>
    %sub3A_20 = arith.subf %exp3A, %sub3A_19 : vector<2560x128xf32>
    %select_n3A = arith.select %gt3A_18, %div3A_16, %sub3A_20 : vector<2560x128xi1>, vector<2560x128xf32>
    %swap3A = arith.constant 0 : index
    %swap3A_21 = arith.constant 0 : index
    %swap3A_22 = vector.load %arg4[%swap3A, %swap3A_21] : memref<2560x128xf32, #tpu.memory_space<vmem>>, vector<2560x128xf32>
    tpu.vector_store %arg4[%swap3A, %swap3A_21], %select_n3A {strides = array<i32>} : memref<2560x128xf32, #tpu.memory_space<vmem>>, vector<2560x128xf32>,
    return
  }
  func.func @transform_0(%arg0: i32) -> (i32, i32, i32) {
    %c0_i32 = arith.constant 0 : i32
    %c0_i32_0 = arith.constant 0 : i32
    %c0_i32_1 = arith.constant 0 : i32
    return %c0_i32, %arg0, %c0_i32_0 : i32, i32, i32
  }
  func.func @transform_1(%arg0: i32) -> (i32, i32) {
    %c0_i32 = arith.constant 0 : i32
    %c0_i32_0 = arith.constant 0 : i32
    return %arg0, %c0_i32 : i32, i32
  }
  func.func @transform_2(%arg0: i32) -> (i32, i32) {
    %c0_i32 = arith.constant 0 : i32
    %c0_i32_0 = arith.constant 0 : i32
    %c0_i32_1 = arith.constant 0 : i32
    return %c0_i32, %c0_i32_0 : i32, i32
  }
  func.func @transform_3(%arg0: i32) -> (i32, i32) {
    %c0_i32 = arith.constant 0 : i32
    %c0_i32_0 = arith.constant 0 : i32
    return %arg0, %c0_i32 : i32, i32
  }
}

module attributes {stable_mosaic.version = 14 : i64} {
  func.func @_t2_body(%arg0: i32, %arg1: memref<2x2000x128xf32, #tpu.memory_space<vmem>>, %arg2: memref<2000x1xf32, #tpu.memory_space<vmem>>, %arg3: memref<128x128xf32, #tpu.memory_space<vmem>>, %arg4: memref<2000x128xf32, #tpu.memory_space<vmem>>) attributes {dimension_semantics = [#tpu.dimension_semantics<arbitrary>], iteration_bounds = array<i64: 5>, scalar_prefetch = 0 : i64, scratch_operands = 0 : i64, tpu.core_type = #tpu.core_type<tc>, window_params = [{transform_indices = @transform_0, window_bounds = array<i64: 2, 2000, 128>}, {transform_indices = @transform_1, window_bounds = array<i64: 2000, 1>}, {pipeline_mode = #tpu.pipeline_mode<synchronous>, transform_indices = @transform_2, window_bounds = array<i64: 128, 128>}, {transform_indices = @transform_3, window_bounds = array<i64: 2000, 128>}]} {
    %get3A = arith.constant 0 : index
    %get3A_0 = arith.constant 0 : index
    %get3A_1 = arith.constant 0 : index
    %get3A_2 = vector.load %arg1[%get3A, %get3A_0, %get3A_1] : memref<2x2000x128xf32, #tpu.memory_space<vmem>>, vector<1x2000x128xf32>
    %get3A_3 = vector.shape_cast %get3A_2 : vector<1x2000x128xf32> to vector<2000x128xf32>
    %get3A_4 = arith.constant 1 : index
    %get3A_5 = arith.constant 0 : index
    %get3A_6 = arith.constant 0 : index
    %get3A_7 = vector.load %arg1[%get3A_4, %get3A_5, %get3A_6] : memref<2x2000x128xf32, #tpu.memory_space<vmem>>, vector<1x2000x128xf32>
    %get3A_8 = vector.shape_cast %get3A_7 : vector<1x2000x128xf32> to vector<2000x128xf32>
    %add3A = arith.addf %get3A_3, %get3A_8 : vector<2000x128xf32>
    %get3A_9 = arith.constant 0 : index
    %get3A_10 = arith.constant 0 : index
    %get3A_11 = vector.load %arg3[%get3A_9, %get3A_10] : memref<128x128xf32, #tpu.memory_space<vmem>>, vector<128x128xf32>
    %dot_general3A = arith.constant dense<0.000000e+00> : vector<2000x128xf32>
    %dot_general3A_12 = tpu.matmul %add3A, %get3A_11, %dot_general3A {dimension_numbers = #tpu.dot_dimension_numbers<[1], [0], [0], [1], [0, 0, 1, 1], [], []>, transpose_lhs_hint = false} : vector<2000x128xf32>, vector<128x128xf32>, vector<2000x128xf32> -> vector<2000x128xf32>
    %get3A_13 = arith.constant 0 : index
    %get3A_14 = arith.constant 0 : index
    %get3A_15 = vector.load %arg2[%get3A_13, %get3A_14] : memref<2000x1xf32, #tpu.memory_space<vmem>>, vector<2000x1xf32>
    %div3A = vector.broadcast %get3A_15 : vector<2000x1xf32> to vector<2000x128xf32>
    %div3A_16 = arith.divf %dot_general3A_12, %div3A : vector<2000x128xf32>
    %gt3A = arith.constant 0.000000e+00 : f32
    %gt3A_17 = vector.broadcast %gt3A : f32 to vector<2000x128xf32>
    %gt3A_18 = arith.cmpf ogt, %div3A_16, %gt3A_17 : vector<2000x128xf32>
    %exp3A = math.exp %div3A_16 : vector<2000x128xf32>
    %sub3A = arith.constant 1.000000e+00 : f32
    %sub3A_19 = vector.broadcast %sub3A : f32 to vector<2000x128xf32>
    %sub3A_20 = arith.subf %exp3A, %sub3A_19 : vector<2000x128xf32>
    %select_n3A = arith.select %gt3A_18, %div3A_16, %sub3A_20 : vector<2000x128xi1>, vector<2000x128xf32>
    %swap3A = arith.constant 0 : index
    %swap3A_21 = arith.constant 0 : index
    %swap3A_22 = vector.load %arg4[%swap3A, %swap3A_21] : memref<2000x128xf32, #tpu.memory_space<vmem>>, vector<2000x128xf32>
    tpu.vector_store %arg4[%swap3A, %swap3A_21], %select_n3A {strides = array<i32>} : memref<2000x128xf32, #tpu.memory_space<vmem>>, vector<2000x128xf32>,
    return
  }
  func.func @transform_0(%arg0: i32) -> (i32, i32, i32) {
    %c0_i32 = arith.constant 0 : i32
    %c0_i32_0 = arith.constant 0 : i32
    %c0_i32_1 = arith.constant 0 : i32
    return %c0_i32, %arg0, %c0_i32_0 : i32, i32, i32
  }
  func.func @transform_1(%arg0: i32) -> (i32, i32) {
    %c0_i32 = arith.constant 0 : i32
    %c0_i32_0 = arith.constant 0 : i32
    return %arg0, %c0_i32 : i32, i32
  }
  func.func @transform_2(%arg0: i32) -> (i32, i32) {
    %c0_i32 = arith.constant 0 : i32
    %c0_i32_0 = arith.constant 0 : i32
    %c0_i32_1 = arith.constant 0 : i32
    return %c0_i32, %c0_i32_0 : i32, i32
  }
  func.func @transform_3(%arg0: i32) -> (i32, i32) {
    %c0_i32 = arith.constant 0 : i32
    %c0_i32_0 = arith.constant 0 : i32
    return %arg0, %c0_i32 : i32, i32
  }
}

</mosaic_0001>

<sc_bundles>
// kernel: kernel.10.cloned.1.call-start
scs
__scs_entry_jumppad:
0x0: {  	(pc) =	sbr.rel $0x88, $3  }
0x1: {  	(tag) =	ssettag $0x0;
	lr =	simm.s32 $0x1  }
0x2: {  	[smem:$0x3F95] =	sst lr;
	_ =	strace $0xD0000000  }
0x3: {  	_ = 	snop  }
0x4: {  	_ = 	snop  }
0x5: {  	_ = 	snop  }
0x6: {  	_ = 	snop  }
0x7: {  	_ = 	snop  }
__scs_overlays_trampoline_lowered:
0x8: {  	[smem:$0x3FA4] =	sst s0  }
0x9: {  	[smem:$0x3FA5] =	sst s1  }
0xa: {  	[smem:$0x3FA6] =	sst s2  }
0xb: {  	[smem:$0x3FA7] =	sst s3  }
0xc: {  	[smem:$0x3FA8] =	sst s4  }
0xd: {  	[smem:$0x3FA9] =	sst s5  }
0xe: {  	[smem:$0x3FAA] =	sst s6  }
0xf: {  	[smem:$0x3FAB] =	sst s7  }
0x10: {  	[smem:$0x3FAC] =	sst s8  }
0x11: {  	[smem:$0x3FAD] =	sst s9;
	s0 =	simm.s32 @!p0 $0x0  }
0x12: {  	s1 =	sld [smem:$0x3F93];
	s0 =	simm.s32 @p0 $0x1  }
0x13: {  	[smem:$0x3FAE] =	sst s0;
	s0 =	simm.s32 @!p1 $0x0  }
0x14: {  	s2 =	sld [smem:$0x3F92];
	s0 =	simm.s32 @p1 $0x1  }
0x15: {  	[smem:$0x3FAF] =	sst s0;
	s0 =	simm.s32 @!p2 $0x0  }
0x16: {  	s3 =	sld [smem:$0x3FDB];
	s0 =	simm.s32 @p2 $0x1  }
0x17: {  	s4 =	simm.s32 $0x1BF5;
	[smem:$0x3FB1] =	sst s0  }
0x18: {  	s0 =	sld [smem:$0x3F94];
	_ =	swait.ge [sflag:s4], $0x0  }
0x19: {  	s7 =	sld [smem:$0x3F95]  }
0x1a: {  	s8 =	sadd.s32 $0xFFFFE003, lr  }
0x1b: {  	s9 =	sadd.s32 $0xFFFFFEF7, lr;
	s5 =	simm.s32 $0xFFFFFFFF;
	p2 =	slt.u32 s8, $0xFFFFF086  }
0x1c: {  	p1 =	slt.u32 s9, $0xF7A;
	s5 =	simm.s32 @!p2 $0x0  }
0x1d: {  	s5 =	simm.s32 @p1 $0x1;
	p0 =	seq.s32 s7, s2  }
0x1e: {  	s7 =	smul.u32 @!p0 $0xF7A, s2;
	p2 =	seq.s32 @!p0 s5, $0x0  }
0x1f: {  	s9 =	smul.u32 $0xF7A, s1;
	s8 =	simm.s32 @!p0 $0x1BF5;
	p2 =	por !p2, p0  }
0x20: {  	[sflag:s8] =	ssyncset.s32 @!p0 $0xFFFFF086;
	s6 =	sadd.s32 @!p0 s3, s7;
	s7 =	simm.s32 @!p0 $0x108  }
0x21: {  	s3 =	sadd.s32 s3, s9;
	s6 =	sadd.s32 @!p0 $0x88, s6;
	s7 =	simm.s32 @p2 $0x1082  }
0x22: {  	[simem:s7], [sflag:s8] =	dma.local @!p0 [hbm:s6], $0xF7A  }
0x23: {  	s9 =	sor.u32 $0xD0000000, s2;
	s6 =	simm.s32 $0x108;
	_ =	swait.ge @!p0 [sflag:s8], $0x0  }
0x24: {  	s3 =	sadd.s32 $0x88, s3;
	s6 =	simm.s32 @!p1 $0x1082;
	[sflag:s4] =	ssyncset.s32 $0xFFFFF086  }
0x25: {  	[simem:s6], [sflag:s4] =	dma.local [hbm:s3], $0xF7A  }
0x26: {  	[smem:$0x3F95] =	sst s1;
	(tag) =	ssettag s2;
	_ =	strace s9  }
0x27: {  	s1 =	sld [smem:$0x3FA5]  }
0x28: {  	s2 =	sld [smem:$0x3FA6]  }
0x29: {  	s4 =	sld [smem:$0x3FA8]  }
0x2a: {  	p0 =	seq.s32 s5, $0x0;
	s5 =	sld [smem:$0x3FA9]  }
0x2b: {  	s6 =	sld [smem:$0x3FAA]  }
0x2c: {  	s7 =	sld [smem:$0x3FAB]  }
0x2d: {  	s3 =	simm.s32 $0x108;
	s8 =	sld [smem:$0x3FAC]  }
0x2e: {  	s3 =	simm.s32 @!p0 $0x1082;
	s9 =	sld [smem:$0x3FAD]  }
0x2f: {  	lr =	sadd.s32 s0, s3;
	s0 =	sld [smem:$0x3FA4]  }
0x30: {  	s3 =	sld [smem:$0x3FA7]  }
0x31: {  	[smem:$0x3FB0] =	sst s10  }
0x32: {  	s10 =	sld [smem:$0x3FAE];
	_ =	sdelay $0x3  }
0x33: {  	p0 =	seq.s32 s10, $0x1;
	s10 =	sld [smem:$0x3FB0];
	_ =	sdelay $0x3  }
0x34: {  	[smem:$0x3FB0] =	sst s10  }
0x35: {  	s10 =	sld [smem:$0x3FAF];
	_ =	sdelay $0x3  }
0x36: {  	p1 =	seq.s32 s10, $0x1;
	s10 =	sld [smem:$0x3FB0];
	_ =	sdelay $0x3  }
0x37: {  	[smem:$0x3FB0] =	sst s10  }
0x38: {  	s10 =	sld [smem:$0x3FB1]  }
0x39: {  	_ = 	snop;
	(pc) =	sbr.ind lr, $3  }
0x3a: {  	_ = 	snop  }
0x3b: {  	_ = 	snop  }
0x3c: {  	p2 =	seq.s32 s10, $0x1;
	s10 =	sld [smem:$0x3FB0]  }
0x3d: {  	_ =	shalt  }
0x3e: {  	_ =	shalt  }
0x3f: {  	_ =	shalt  }
0x40: {  	_ =	shalt  }
0x41: {  	_ =	shalt  }
0x42: {  	_ =	shalt  }
0x43: {  	_ =	shalt  }
0x44: {  	_ =	shalt  }
0x45: {  	_ =	shalt  }
0x46: {  	_ =	shalt  }
0x47: {  	_ =	shalt  }
0x48: {  	_ =	shalt  }
0x49: {  	_ =	shalt  }
0x4a: {  	_ =	shalt  }
0x4b: {  	_ =	shalt  }
0x4c: {  	_ =	shalt  }
0x4d: {  	_ =	shalt  }
0x4e: {  	_ =	shalt  }
0x4f: {  	_ =	shalt  }
0x50: {  	_ =	shalt  }
0x51: {  	_ =	shalt  }
0x52: {  	_ =	shalt  }
0x53: {  	_ =	shalt  }
0x54: {  	_ =	shalt  }
0x55: {  	_ =	shalt  }
0x56: {  	_ =	shalt  }
0x57: {  	_ =	shalt  }
0x58: {  	_ =	shalt  }
0x59: {  	_ =	shalt  }
0x5a: {  	_ =	shalt  }
0x5b: {  	_ =	shalt  }
0x5c: {  	_ =	shalt  }
0x5d: {  	_ =	shalt  }
0x5e: {  	_ =	shalt  }
0x5f: {  	_ =	shalt  }
0x60: {  	_ =	shalt  }
0x61: {  	_ =	shalt  }
0x62: {  	_ =	shalt  }
0x63: {  	_ =	shalt  }
0x64: {  	_ =	shalt  }
0x65: {  	_ =	shalt  }
0x66: {  	_ =	shalt  }
0x67: {  	_ =	shalt  }
0x68: {  	_ =	shalt  }
0x69: {  	_ =	shalt  }
0x6a: {  	_ =	shalt  }
0x6b: {  	_ =	shalt  }
0x6c: {  	_ =	shalt  }
0x6d: {  	_ =	shalt  }
0x6e: {  	_ =	shalt  }
0x6f: {  	_ =	shalt  }
0x70: {  	_ =	shalt  }
0x71: {  	_ =	shalt  }
0x72: {  	_ =	shalt  }
0x73: {  	_ =	shalt  }
0x74: {  	_ =	shalt  }
0x75: {  	_ =	shalt  }
0x76: {  	_ =	shalt  }
0x77: {  	_ =	shalt  }
0x78: {  	_ =	shalt  }
0x79: {  	_ =	shalt  }
0x7a: {  	_ =	shalt  }
0x7b: {  	_ =	shalt  }
0x7c: {  	_ =	shalt  }
0x7d: {  	_ =	shalt  }
0x7e: {  	_ =	shalt  }
0x7f: {  	_ =	shalt  }
0x80: {  	_ =	shalt  }
0x81: {  	_ =	shalt  }
0x82: {  	_ =	shalt  }
0x83: {  	_ =	shalt  }
0x84: {  	_ =	shalt  }
0x85: {  	_ =	shalt  }
0x86: {  	_ =	shalt  }
0x87: {  	_ =	shalt  }
.Lfunc_end0:
.L_simem_size_0:
called_computation_lowered:
.L_overlay_start_0:
0x88: {  	s2 =	sld [smem:$0x3FD9]  }
0x89: {  	s3 =	sld [smem:$0x3FFE];
	_ =	sdelay $0x1  }
0x8a: {  	s1 =	srdreg.scid  }
0x8b: {  	s0 =	sand.u32 $0x1, s1  }
0x8c: {  	s17 =	sshll.u32 s0, $0xA;
	s2 =	sadd.s32 s3, s2  }
0x8d: {  	s2 =	sadd.s32 s2, s17  }
0x8e: {  	[smem:$0x3FBC] =	sst s2  }
0x8f: {  	_ = 	snop  }
0x90: {  	s2 =	sld [smem:$0x3FD0];
	(tm) =	ssettm $0x1  }
0x91: {  	s18 =	sld [smem:$0x3FFB];
	_ =	sdelay $0x3  }
0x92: {  	_ =	strace s18  }
0x93: {  	s3 =	sld [smem:$0x3FFC];
	_ =	sdelay $0x3  }
0x94: {  	_ =	strace s3  }
0x95: {  	s3 =	sld [smem:$0x3FFD];
	_ =	sdelay $0x3  }
0x96: {  	_ =	strace s3  }
0x97: {  	_ =	strace $0x8FFFFFFF  }
0x98: {  	s19 =	sld [smem:$0x3FDB];
	_ =	sdelay $0x1  }
0x99: {  	s4 =	simm.s32 $_scs_section_size  }
0x9a: {  	s5 =	simm.s32 $_size__tile_overlayer_lowered;
	s6 =	simm.s32 $_tile_overlayer_lowered  }
0x9b: {  	s22 =	simm.s32 $0x1BFF;
	s21 =	sshll.u32 s6, $0x1;
	s3 =	sadd.s32 s4, s19  }
0x9c: {  	s7 =	simm.s32 $0x0;
	s20 =	sshll.u32 s5, $0x1;
	s5 =	sadd.s32 s21, s3  }
0x9d: {  	[timem:s7], [sflag:s22] =	dma.local [hbm:s5], s20  }
0x9e: {  	_ =	swait.ge [sflag:s22], s20  }
0x9f: {  	s4 =	ssub.s32 $0x0, s20;
	[sflag:s22] =	ssyncset.done $0x0  }
0xa0: {  	[sflag:s22] =	ssyncadd.s32 s4;
	_ =	sdelay $0x1  }
0xa1: {  	s23 =	simm.s32 $0x1B8B  }
0xa2: {  	_ =	swait.ge [sflag:s23], $0x1  }
0xa3: {  	[sflag:s23] =	ssyncset.done $0x0  }
0xa4: {  	s25 =	simm.s32 $0x1B8E;
	s24 =	sld [smem:$0x3FFE];
	[sflag:s23] =	ssyncadd.s32 $0xFFFFFFFF  }
0xa5: {  	s26 =	simm.s32 $execute0_lowered;
	[smem:$0x3FD2] =	sst s25  }
0xa6: {  	s5 =	sshll.u32 s26, $0x1;
	_ =	strace $0x80000046;
	[dreg:$0x1] =	wrdreg $0xFFFFFFFF  }
0xa7: {  	s28 =	simm.s32 $_size_execute0_lowered;
	s3 =	sadd.s32 s3, s5;
	[dreg:$0x0] =	wrdreg $0x0  }
0xa8: {  	s5 =	sshll.u32 s28, $0x1;
	[dreg:$0x2] =	wrdreg s3  }
0xa9: {  	[dreg:$0x3] =	wrdreg s5  }
0xaa: {  	[dreg:$0x4] =	wrdreg $0xC0  }
0xab: {  	_ =	task [dreg:s7], $0x5FFFF  }
0xac: {  	[dreg:$0x1] =	wrdreg $0xFFFFFFFF  }
0xad: {  	[dreg:$0x0] =	wrdreg $0x60  }
0xae: {  	[dreg:$0x2] =	wrdreg s24  }
0xaf: {  	[dreg:$0x3] =	wrdreg s2  }
0xb0: {  	[dreg:$0x4] =	wrdreg $0x9  }
0xb1: {  	_ =	task.clear_ibuf [dreg:s7], $0x5FFFF;
	_ =	strace $0x90000046  }
0xb2: {  	s29 =	simm.s32 $0x9;
	_ =	strace $0x80000048  }
0xb3: {  	_ =	swait.ge [sflag:s29], $0x1  }
0xb4: {  	[sflag:s29] =	ssyncadd.s32 $0xFFFFFFFF  }
0xb5: {  	_ =	strace $0x90000048  }
0xb6: {  	_ =	sfence  }
0xb7: {  	s30 =	sld [smem:$0x0];
	_ =	sdelay $0x2  }
0xb8: {  	s31 =	sshll.u32 s1, $0xD;
	s1 =	sshrl.u32 s1, $0x2  }
0xb9: {  	s3 =	sand.u32 $0x4000, s31;
	s1 =	sadd.s32 s1, s30  }
0xba: {  	s0 =	sor.u32 s3, s0;
	s1 =	sshll.u32 s1, $0x11  }
0xbb: {  	s0 =	sor.u32 s1, s0  }
0xbc: {  	s0 =	sadd.s32 $0x8F2B, s0  }
0xbd: {  	[sflag:s0] =	ssyncadd.remote.s32 $0x1  }
0xbe: {  	_ =	sfence.sel $0xFFFF  }
0xbf: {  	[dreg:$0x0] =	wrdreg $0xFFFFFFFF;
	(pc) =	sbr.abs _section_cstart, $3  }
0xc0: {  	[dreg:$0x1] =	wrdreg $0xFFFFFFFF  }
0xc1: {  	_ =	task.clear_ibuf [dreg:s7], $0x2FFFF;
	_ =	strace $0x9FFFFFFF  }
0xc2: {  	(tm) =	ssettm $0x7FFFFFFF  }
0xc3: {  	_ =	shalt  }
tec
execute0_lowered:
.L_overlay_start_1:
0x0: {  	(tag) =	ssettag $0x1  }
0x1: {  	s1 =	srdreg.scid;
	s0 =	stileid.u32  }
0x2: {  	s21 =	sand.u32 $0x1, s1;
	s30 =	sshll.u32 s0, $0x1  }
0x3: {  	s13 =	sor.u32 s21, s30  }
0x4: {  	s9 =	rddreg [dreg:$0x0];
	s4 =	smul.u32 $0x50, s13  }
0x5: {  	s2 =	rddreg [dreg:$0x1];
	s3 =	simm.s32 $0x0  }
0x6: {  	s5 =	simm.s32 $0x5;
	[smem:$0x7FF] =	sst s3;
	s4 =	sadd.s32 s4, s9  }
0x7: {  	s1 =	rddreg [dreg:$0x2];
	_ =	strace $0x80000047;
	s4 =	sadd.s32 $0x3000, s4  }
0x8: {  	[tilespmem:s3], [sflag:$0x5] =	stream.linear.gather [hbm4b:s4+s3], $0x280, $0x38;
	[tilespmem:$0x4280] =	vst v63  }
0x9: {  	_ =	swait.ge [sflag:s5], $0x280  }
0xa: {  	s6 =	simm.s32 $0x40;
	[sflag:s5] =	ssyncset.done $0x0  }
0xb: {  	s7 =	simm.s32 $0x280;
	s8 =	simm.s32 $0x1;
	[sflag:s5] =	ssyncadd.s32 $0xFFFFFD80  }
0xc: {  	[tilespmem:s7], [sflag:$0x1] =	stream.indirect.gather [hbm4b:s2+s6], $0x80, s3, s6, $0xb8;
	[tilespmem:$0x4280] =	vst v63  }
0xd: {  	_ =	swait.ge [sflag:s8], $0x2000  }
0xe: {  	s10 =	simm.s32 $0x2280;
	s14 =	sadd.s32 $0x3A00, s9;
	[sflag:s8] =	ssyncset.done $0x0  }
0xf: {  	s11 =	smul.u32 $0x1400, s13;
	s9 =	simm.s32 $0x80;
	[sflag:s8] =	ssyncadd.s32 $0xFFFFE000  }
0x10: {  	[tilespmem:s10], [sflag:$0x2] =	stream.indirect.gather [hbm4b:s2+s6], $0x80, s9, s6, $0xb8;
	[tilespmem:$0x4280] =	vst v63  }
0x11: {  	s12 =	simm.s32 $0x2;
	s11 =	sadd.s32 s14, s11  }
0x12: {  	[hbm4b:s11+s3] =	stream.linear.scatter [tilespmem:s7], [sflag:$0x3], $0x2000, $0x38;
	[tilespmem:$0x4280] =	vst v63  }
0x13: {  	_ =	swait.ge [sflag:s12], $0x2000  }
0x14: {  	[sflag:s12] =	ssyncset.done $0x0  }
0x15: {  	s15 =	smul.u32 $0xA000, s13;
	s13 =	simm.s32 $0x3;
	[sflag:s12] =	ssyncadd.s32 $0xFFFFE000  }
0x16: {  	_ =	swait.ge [sflag:s13], $0x2000  }
0x17: {  	s15 =	sshrl.u32 s15, $0x3;
	[sflag:s13] =	ssyncset.done $0x0  }
0x18: {  	s22 =	sadd.s32 s14, s15;
	s14 =	simm.s32 $0x100;
	[sflag:s13] =	ssyncadd.s32 $0xFFFFE000  }
0x19: {  	[tilespmem:s7], [sflag:$0x1] =	stream.indirect.gather [hbm4b:s2+s6], $0x80, s14, s6, $0xb8;
	[tilespmem:$0x4280] =	vst v63  }
0x1a: {  	s15 =	sadd.s32 $0x400, s22  }
0x1b: {  	[hbm4b:s15+s3] =	stream.linear.scatter [tilespmem:s10], [sflag:$0x4], $0x2000, $0x38;
	[tilespmem:$0x4280] =	vst v63  }
0x1c: {  	_ =	swait.ge [sflag:s8], $0x2000  }
0x1d: {  	[sflag:s8] =	ssyncset.done $0x0  }
0x1e: {  	s16 =	simm.s32 $0x4;
	[sflag:s8] =	ssyncadd.s32 $0xFFFFE000  }
0x1f: {  	_ =	swait.ge [sflag:s16], $0x2000  }
0x20: {  	[sflag:s16] =	ssyncset.done $0x0  }
0x21: {  	s17 =	simm.s32 $0x180;
	[sflag:s16] =	ssyncadd.s32 $0xFFFFE000  }
0x22: {  	[tilespmem:s10], [sflag:$0x2] =	stream.indirect.gather [hbm4b:s2+s6], $0x80, s17, s6, $0xb8;
	[tilespmem:$0x4280] =	vst v63  }
0x23: {  	s18 =	sadd.s32 $0x800, s22  }
0x24: {  	[hbm4b:s18+s3] =	stream.linear.scatter [tilespmem:s7], [sflag:$0x3], $0x2000, $0x38;
	[tilespmem:$0x4280] =	vst v63  }
0x25: {  	_ =	swait.ge [sflag:s12], $0x2000  }
0x26: {  	[sflag:s12] =	ssyncset.done $0x0  }
0x27: {  	[sflag:s12] =	ssyncadd.s32 $0xFFFFE000  }
0x28: {  	_ =	swait.ge [sflag:s13], $0x2000  }
0x29: {  	[sflag:s13] =	ssyncset.done $0x0  }
0x2a: {  	s19 =	simm.s32 $0x200;
	s23 =	ssub.s32 $0x2, s21;
	[sflag:s13] =	ssyncadd.s32 $0xFFFFE000  }
0x2b: {  	[tilespmem:s7], [sflag:$0x1] =	stream.indirect.gather [hbm4b:s2+s6], $0x80, s19, s6, $0xb8;
	[tilespmem:$0x4280] =	vst v63  }
0x2c: {  	s31 =	sshrl.u32 s23, $0x1;
	s20 =	sadd.s32 $0xC00, s22  }
0x2d: {  	[hbm4b:s20+s3] =	stream.linear.scatter [tilespmem:s10], [sflag:$0x4], $0x2000, $0x38;
	[tilespmem:$0x4280] =	vst v63  }
0x2e: {  	s21 =	sadd.s32 $0x1000, s22;
	s22 =	ssub.s32 s23, s31;
	_ =	swait.ge [sflag:s8], $0x2000  }
0x2f: {  	s22 =	smax.u32 s22, $0x1;
	[sflag:s8] =	ssyncset.done $0x0  }
0x30: {  	p0 =	sne.s32 s22, $0x1;
	[sflag:s8] =	ssyncadd.s32 $0xFFFFE000  }
0x31: {  	[hbm4b:s21+s3] =	stream.linear.scatter [tilespmem:s7], [sflag:$0x3], $0x2000, $0x38;
	[tilespmem:$0x4280] =	vst v63  }
.Ltmp0:
0x32: {  	_ =	swait.ge [sflag:s16], $0x2000;
	(pc) =	sbr.rel @!p0 .LBB2_2-.Ltmp0, $4  }
0x33: {  	[sflag:s16] =	ssyncset.done $0x0  }
0x34: {  	[sflag:s16] =	ssyncadd.s32 $0xFFFFE000  }
0x35: {  	_ =	swait.ge [sflag:s13], $0x2000  }
0x36: {  	s22 =	sadd.s32 $0xFFFFFFFF, s22;
	[sflag:s13] =	ssyncset.done $0x0  }
.LBB2_1:
0x37: {  	p0 =	sne.s32 s22, $0x1;
	s22 =	sadd.s32 $0xFFFFFFFF, s22;
	[sflag:s13] =	ssyncadd.s32 $0xFFFFE000  }
0x38: {  	[tilespmem:s3], [sflag:$0x5] =	stream.linear.gather [hbm4b:s4+s3], $0x280, $0x38;
	[tilespmem:$0x4280] =	vst v63  }
0x39: {  	_ =	swait.ge [sflag:s5], $0x280  }
0x3a: {  	[sflag:s5] =	ssyncset.done $0x0  }
0x3b: {  	[sflag:s5] =	ssyncadd.s32 $0xFFFFFD80  }
0x3c: {  	[tilespmem:s7], [sflag:$0x1] =	stream.indirect.gather [hbm4b:s2+s6], $0x80, s3, s6, $0xb8;
	[tilespmem:$0x4280] =	vst v63  }
0x3d: {  	_ =	swait.ge [sflag:s8], $0x2000  }
0x3e: {  	[sflag:s8] =	ssyncset.done $0x0  }
0x3f: {  	[sflag:s8] =	ssyncadd.s32 $0xFFFFE000  }
0x40: {  	[tilespmem:s10], [sflag:$0x2] =	stream.indirect.gather [hbm4b:s2+s6], $0x80, s9, s6, $0xb8;
	[tilespmem:$0x4280] =	vst v63  }
0x41: {  	_ = 	snop  }
0x42: {  	[hbm4b:s11+s3] =	stream.linear.scatter [tilespmem:s7], [sflag:$0x3], $0x2000, $0x38;
	[tilespmem:$0x4280] =	vst v63  }
0x43: {  	_ =	swait.ge [sflag:s12], $0x2000  }
0x44: {  	[sflag:s12] =	ssyncset.done $0x0  }
0x45: {  	[sflag:s12] =	ssyncadd.s32 $0xFFFFE000  }
0x46: {  	_ =	swait.ge [sflag:s13], $0x2000  }
0x47: {  	[sflag:s13] =	ssyncset.done $0x0  }
0x48: {  	[sflag:s13] =	ssyncadd.s32 $0xFFFFE000  }
0x49: {  	[tilespmem:s7], [sflag:$0x1] =	stream.indirect.gather [hbm4b:s2+s6], $0x80, s14, s6, $0xb8;
	[tilespmem:$0x4280] =	vst v63  }
0x4a: {  	_ = 	snop  }
0x4b: {  	[hbm4b:s15+s3] =	stream.linear.scatter [tilespmem:s10], [sflag:$0x4], $0x2000, $0x38;
	[tilespmem:$0x4280] =	vst v63  }
0x4c: {  	_ =	swait.ge [sflag:s8], $0x2000  }
0x4d: {  	[sflag:s8] =	ssyncset.done $0x0  }
0x4e: {  	[sflag:s8] =	ssyncadd.s32 $0xFFFFE000  }
0x4f: {  	_ =	swait.ge [sflag:s16], $0x2000  }
0x50: {  	[sflag:s16] =	ssyncset.done $0x0  }
0x51: {  	[sflag:s16] =	ssyncadd.s32 $0xFFFFE000  }
0x52: {  	[tilespmem:s10], [sflag:$0x2] =	stream.indirect.gather [hbm4b:s2+s6], $0x80, s17, s6, $0xb8;
	[tilespmem:$0x4280] =	vst v63  }
0x53: {  	_ = 	snop  }
0x54: {  	[hbm4b:s18+s3] =	stream.linear.scatter [tilespmem:s7], [sflag:$0x3], $0x2000, $0x38;
	[tilespmem:$0x4280] =	vst v63  }
0x55: {  	_ =	swait.ge [sflag:s12], $0x2000  }
0x56: {  	[sflag:s12] =	ssyncset.done $0x0  }
0x57: {  	[sflag:s12] =	ssyncadd.s32 $0xFFFFE000  }
0x58: {  	_ =	swait.ge [sflag:s13], $0x2000  }
0x59: {  	[sflag:s13] =	ssyncset.done $0x0  }
0x5a: {  	[sflag:s13] =	ssyncadd.s32 $0xFFFFE000  }
0x5b: {  	[tilespmem:s7], [sflag:$0x1] =	stream.indirect.gather [hbm4b:s2+s6], $0x80, s19, s6, $0xb8;
	[tilespmem:$0x4280] =	vst v63  }
0x5c: {  	_ = 	snop  }
0x5d: {  	[hbm4b:s20+s3] =	stream.linear.scatter [tilespmem:s10], [sflag:$0x4], $0x2000, $0x38;
	[tilespmem:$0x4280] =	vst v63  }
0x5e: {  	_ =	swait.ge [sflag:s8], $0x2000  }
0x5f: {  	[sflag:s8] =	ssyncset.done $0x0  }
0x60: {  	[sflag:s8] =	ssyncadd.s32 $0xFFFFE000  }
0x61: {  	[hbm4b:s21+s3] =	stream.linear.scatter [tilespmem:s7], [sflag:$0x3], $0x2000, $0x38;
	[tilespmem:$0x4280] =	vst v63  }
.Ltmp1:
0x62: {  	_ =	swait.ge [sflag:s16], $0x2000;
	(pc) =	sbr.rel @p0 .LBB2_1-.Ltmp1, $4  }
0x63: {  	[sflag:s16] =	ssyncset.done $0x0  }
0x64: {  	[sflag:s16] =	ssyncadd.s32 $0xFFFFE000  }
0x65: {  	_ =	swait.ge [sflag:s13], $0x2000  }
0x66: {  	[sflag:s13] =	ssyncset.done $0x0  }
.LBB2_2:
0x67: {  	[sflag:s13] =	ssyncadd.s32 $0xFFFFE000  }
0x68: {  	_ =	sfence.sel $0x180000  }
0x69: {  	[bflag:$0x0] =	sbarrier.arrive $0xFFFF  }
0x6a: {  	p0 =	sne.s32 s0, $0x0;
	_ =	strace $0x90000047  }
0x6b: {  	s0 =	sadd.s32 @!p0 $0x100000, s1;
	[bflag:$0x2] =	sbarrier.arrive $0xFFFF  }
0x6c: {  	[sflag:s0] =	ssyncadd.tile.s32 @!p0 $0x1;
	_ =	shalt  }
.Lfunc_end2:
_tile_overlayer_lowered:
.L_overlay_start_2:
0x6d: {  	(tag) =	ssettag $0x2  }
0x6e: {  	s0 =	rddreg [dreg:$0x0];
	s2 =	stileid.u32  }
0x6f: {  	s1 =	rddreg [dreg:$0x1];
	p0 =	sne.s32 s2, $0x0  }
0x70: {  	s3 =	rddreg [dreg:$0x2];
	[bflag:$0x3] =	sbarrier.arrive $0xFFFF;
	s2 =	simm.s32 @!p0 $0x1C05  }
0x71: {  	[timem:s3], [sflag:s2] =	dma.local @!p0 [hbm:s0], s1  }
0x72: {  	s0 =	simm.s32 @!p0 $0x5  }
0x73: {  	_ =	swait.ge @!p0 [sflag:s0], s1  }
0x74: {  	s1 =	ssub.s32 @!p0 $0x0, s1;
	[sflag:s0] =	ssyncset.done @!p0 $0x0  }
0x75: {  	[sflag:s0] =	ssyncadd.s32 @!p0 s1  }
0x76: {  	[bflag:$0x3] =	sbarrier.arrive $0xFFFF  }
0x77: {  	_ =	shalt  }

// kernel: kernel.13.cloned.1.call-start
scs
__scs_entry_jumppad:
0x0: {  	(pc) =	sbr.rel $0x88, $3  }
0x1: {  	(tag) =	ssettag $0x0;
	lr =	simm.s32 $0x1  }
0x2: {  	[smem:$0x3F95] =	sst lr;
	_ =	strace $0xD0000000  }
0x3: {  	_ = 	snop  }
0x4: {  	_ = 	snop  }
0x5: {  	_ = 	snop  }
0x6: {  	_ = 	snop  }
0x7: {  	_ = 	snop  }
__scs_overlays_trampoline_lowered:
0x8: {  	[smem:$0x3FA4] =	sst s0  }
0x9: {  	[smem:$0x3FA5] =	sst s1  }
0xa: {  	[smem:$0x3FA6] =	sst s2  }
0xb: {  	[smem:$0x3FA7] =	sst s3  }
0xc: {  	[smem:$0x3FA8] =	sst s4  }
0xd: {  	[smem:$0x3FA9] =	sst s5  }
0xe: {  	[smem:$0x3FAA] =	sst s6  }
0xf: {  	[smem:$0x3FAB] =	sst s7  }
0x10: {  	[smem:$0x3FAC] =	sst s8  }
0x11: {  	[smem:$0x3FAD] =	sst s9;
	s0 =	simm.s32 @!p0 $0x0  }
0x12: {  	s1 =	sld [smem:$0x3F93];
	s0 =	simm.s32 @p0 $0x1  }
0x13: {  	[smem:$0x3FAE] =	sst s0;
	s0 =	simm.s32 @!p1 $0x0  }
0x14: {  	s2 =	sld [smem:$0x3F92];
	s0 =	simm.s32 @p1 $0x1  }
0x15: {  	[smem:$0x3FAF] =	sst s0;
	s0 =	simm.s32 @!p2 $0x0  }
0x16: {  	s3 =	sld [smem:$0x3FDB];
	s0 =	simm.s32 @p2 $0x1  }
0x17: {  	s4 =	simm.s32 $0x1BF5;
	[smem:$0x3FB1] =	sst s0  }
0x18: {  	s0 =	sld [smem:$0x3F94];
	_ =	swait.ge [sflag:s4], $0x0  }
0x19: {  	s7 =	sld [smem:$0x3F95]  }
0x1a: {  	s8 =	sadd.s32 $0xFFFFE003, lr  }
0x1b: {  	s9 =	sadd.s32 $0xFFFFFEF7, lr;
	s5 =	simm.s32 $0xFFFFFFFF;
	p2 =	slt.u32 s8, $0xFFFFF086  }
0x1c: {  	p1 =	slt.u32 s9, $0xF7A;
	s5 =	simm.s32 @!p2 $0x0  }
0x1d: {  	s5 =	simm.s32 @p1 $0x1;
	p0 =	seq.s32 s7, s2  }
0x1e: {  	s7 =	smul.u32 @!p0 $0xF7A, s2;
	p2 =	seq.s32 @!p0 s5, $0x0  }
0x1f: {  	s9 =	smul.u32 $0xF7A, s1;
	s8 =	simm.s32 @!p0 $0x1BF5;
	p2 =	por !p2, p0  }
0x20: {  	[sflag:s8] =	ssyncset.s32 @!p0 $0xFFFFF086;
	s6 =	sadd.s32 @!p0 s3, s7;
	s7 =	simm.s32 @!p0 $0x108  }
0x21: {  	s3 =	sadd.s32 s3, s9;
	s6 =	sadd.s32 @!p0 $0x88, s6;
	s7 =	simm.s32 @p2 $0x1082  }
0x22: {  	[simem:s7], [sflag:s8] =	dma.local @!p0 [hbm:s6], $0xF7A  }
0x23: {  	s9 =	sor.u32 $0xD0000000, s2;
	s6 =	simm.s32 $0x108;
	_ =	swait.ge @!p0 [sflag:s8], $0x0  }
0x24: {  	s3 =	sadd.s32 $0x88, s3;
	s6 =	simm.s32 @!p1 $0x1082;
	[sflag:s4] =	ssyncset.s32 $0xFFFFF086  }
0x25: {  	[simem:s6], [sflag:s4] =	dma.local [hbm:s3], $0xF7A  }
0x26: {  	[smem:$0x3F95] =	sst s1;
	(tag) =	ssettag s2;
	_ =	strace s9  }
0x27: {  	s1 =	sld [smem:$0x3FA5]  }
0x28: {  	s2 =	sld [smem:$0x3FA6]  }
0x29: {  	s4 =	sld [smem:$0x3FA8]  }
0x2a: {  	p0 =	seq.s32 s5, $0x0;
	s5 =	sld [smem:$0x3FA9]  }
0x2b: {  	s6 =	sld [smem:$0x3FAA]  }
0x2c: {  	s7 =	sld [smem:$0x3FAB]  }
0x2d: {  	s3 =	simm.s32 $0x108;
	s8 =	sld [smem:$0x3FAC]  }
0x2e: {  	s3 =	simm.s32 @!p0 $0x1082;
	s9 =	sld [smem:$0x3FAD]  }
0x2f: {  	lr =	sadd.s32 s0, s3;
	s0 =	sld [smem:$0x3FA4]  }
0x30: {  	s3 =	sld [smem:$0x3FA7]  }
0x31: {  	[smem:$0x3FB0] =	sst s10  }
0x32: {  	s10 =	sld [smem:$0x3FAE];
	_ =	sdelay $0x3  }
0x33: {  	p0 =	seq.s32 s10, $0x1;
	s10 =	sld [smem:$0x3FB0];
	_ =	sdelay $0x3  }
0x34: {  	[smem:$0x3FB0] =	sst s10  }
0x35: {  	s10 =	sld [smem:$0x3FAF];
	_ =	sdelay $0x3  }
0x36: {  	p1 =	seq.s32 s10, $0x1;
	s10 =	sld [smem:$0x3FB0];
	_ =	sdelay $0x3  }
0x37: {  	[smem:$0x3FB0] =	sst s10  }
0x38: {  	s10 =	sld [smem:$0x3FB1]  }
0x39: {  	_ = 	snop;
	(pc) =	sbr.ind lr, $3  }
0x3a: {  	_ = 	snop  }
0x3b: {  	_ = 	snop  }
0x3c: {  	p2 =	seq.s32 s10, $0x1;
	s10 =	sld [smem:$0x3FB0]  }
0x3d: {  	_ =	shalt  }
0x3e: {  	_ =	shalt  }
0x3f: {  	_ =	shalt  }
0x40: {  	_ =	shalt  }
0x41: {  	_ =	shalt  }
0x42: {  	_ =	shalt  }
0x43: {  	_ =	shalt  }
0x44: {  	_ =	shalt  }
0x45: {  	_ =	shalt  }
0x46: {  	_ =	shalt  }
0x47: {  	_ =	shalt  }
0x48: {  	_ =	shalt  }
0x49: {  	_ =	shalt  }
0x4a: {  	_ =	shalt  }
0x4b: {  	_ =	shalt  }
0x4c: {  	_ =	shalt  }
0x4d: {  	_ =	shalt  }
0x4e: {  	_ =	shalt  }
0x4f: {  	_ =	shalt  }
0x50: {  	_ =	shalt  }
0x51: {  	_ =	shalt  }
0x52: {  	_ =	shalt  }
0x53: {  	_ =	shalt  }
0x54: {  	_ =	shalt  }
0x55: {  	_ =	shalt  }
0x56: {  	_ =	shalt  }
0x57: {  	_ =	shalt  }
0x58: {  	_ =	shalt  }
0x59: {  	_ =	shalt  }
0x5a: {  	_ =	shalt  }
0x5b: {  	_ =	shalt  }
0x5c: {  	_ =	shalt  }
0x5d: {  	_ =	shalt  }
0x5e: {  	_ =	shalt  }
0x5f: {  	_ =	shalt  }
0x60: {  	_ =	shalt  }
0x61: {  	_ =	shalt  }
0x62: {  	_ =	shalt  }
0x63: {  	_ =	shalt  }
0x64: {  	_ =	shalt  }
0x65: {  	_ =	shalt  }
0x66: {  	_ =	shalt  }
0x67: {  	_ =	shalt  }
0x68: {  	_ =	shalt  }
0x69: {  	_ =	shalt  }
0x6a: {  	_ =	shalt  }
0x6b: {  	_ =	shalt  }
0x6c: {  	_ =	shalt  }
0x6d: {  	_ =	shalt  }
0x6e: {  	_ =	shalt  }
0x6f: {  	_ =	shalt  }
0x70: {  	_ =	shalt  }
0x71: {  	_ =	shalt  }
0x72: {  	_ =	shalt  }
0x73: {  	_ =	shalt  }
0x74: {  	_ =	shalt  }
0x75: {  	_ =	shalt  }
0x76: {  	_ =	shalt  }
0x77: {  	_ =	shalt  }
0x78: {  	_ =	shalt  }
0x79: {  	_ =	shalt  }
0x7a: {  	_ =	shalt  }
0x7b: {  	_ =	shalt  }
0x7c: {  	_ =	shalt  }
0x7d: {  	_ =	shalt  }
0x7e: {  	_ =	shalt  }
0x7f: {  	_ =	shalt  }
0x80: {  	_ =	shalt  }
0x81: {  	_ =	shalt  }
0x82: {  	_ =	shalt  }
0x83: {  	_ =	shalt  }
0x84: {  	_ =	shalt  }
0x85: {  	_ =	shalt  }
0x86: {  	_ =	shalt  }
0x87: {  	_ =	shalt  }
.Lfunc_end0:
.L_simem_size_0:
called_computation.1_lowered:
.L_overlay_start_0:
0x88: {  	s2 =	sld [smem:$0x3FD9]  }
0x89: {  	s3 =	sld [smem:$0x3FFE];
	_ =	sdelay $0x1  }
0x8a: {  	s1 =	srdreg.scid  }
0x8b: {  	s0 =	sand.u32 $0x1, s1  }
0x8c: {  	s17 =	sshll.u32 s0, $0xA;
	s2 =	sadd.s32 s3, s2  }
0x8d: {  	s2 =	sadd.s32 s2, s17  }
0x8e: {  	[smem:$0x3FBC] =	sst s2  }
0x8f: {  	_ = 	snop  }
0x90: {  	s2 =	sld [smem:$0x3FD0];
	(tm) =	ssettm $0x1  }
0x91: {  	s18 =	sld [smem:$0x3FFB];
	_ =	sdelay $0x3  }
0x92: {  	_ =	strace s18  }
0x93: {  	s3 =	sld [smem:$0x3FFC];
	_ =	sdelay $0x3  }
0x94: {  	_ =	strace s3  }
0x95: {  	s3 =	sld [smem:$0x3FFD];
	_ =	sdelay $0x3  }
0x96: {  	_ =	strace s3  }
0x97: {  	_ =	strace $0x8FFFFFFF  }
0x98: {  	s19 =	sld [smem:$0x3FDB];
	_ =	sdelay $0x1  }
0x99: {  	s4 =	simm.s32 $_scs_section_size  }
0x9a: {  	s5 =	simm.s32 $_size__tile_overlayer_lowered;
	s6 =	simm.s32 $_tile_overlayer_lowered  }
0x9b: {  	s22 =	simm.s32 $0x1BFF;
	s21 =	sshll.u32 s6, $0x1;
	s3 =	sadd.s32 s4, s19  }
0x9c: {  	s7 =	simm.s32 $0x0;
	s20 =	sshll.u32 s5, $0x1;
	s5 =	sadd.s32 s21, s3  }
0x9d: {  	[timem:s7], [sflag:s22] =	dma.local [hbm:s5], s20  }
0x9e: {  	_ =	swait.ge [sflag:s22], s20  }
0x9f: {  	s4 =	ssub.s32 $0x0, s20;
	[sflag:s22] =	ssyncset.done $0x0  }
0xa0: {  	[sflag:s22] =	ssyncadd.s32 s4;
	_ =	sdelay $0x1  }
0xa1: {  	s23 =	simm.s32 $0x1B8B  }
0xa2: {  	_ =	swait.ge [sflag:s23], $0x1  }
0xa3: {  	[sflag:s23] =	ssyncset.done $0x0  }
0xa4: {  	s25 =	simm.s32 $0x1B8E;
	s24 =	sld [smem:$0x3FFE];
	[sflag:s23] =	ssyncadd.s32 $0xFFFFFFFF  }
0xa5: {  	s26 =	simm.s32 $execute0_lowered;
	[smem:$0x3FD2] =	sst s25  }
0xa6: {  	s5 =	sshll.u32 s26, $0x1;
	_ =	strace $0x80000049;
	[dreg:$0x1] =	wrdreg $0xFFFFFFFF  }
0xa7: {  	s28 =	simm.s32 $_size_execute0_lowered;
	s3 =	sadd.s32 s3, s5;
	[dreg:$0x0] =	wrdreg $0x0  }
0xa8: {  	s5 =	sshll.u32 s28, $0x1;
	[dreg:$0x2] =	wrdreg s3  }
0xa9: {  	[dreg:$0x3] =	wrdreg s5  }
0xaa: {  	[dreg:$0x4] =	wrdreg $0xC0  }
0xab: {  	_ =	task [dreg:s7], $0x5FFFF  }
0xac: {  	[dreg:$0x1] =	wrdreg $0xFFFFFFFF  }
0xad: {  	[dreg:$0x0] =	wrdreg $0x60  }
0xae: {  	[dreg:$0x2] =	wrdreg s24  }
0xaf: {  	[dreg:$0x3] =	wrdreg s2  }
0xb0: {  	[dreg:$0x4] =	wrdreg $0x0  }
0xb1: {  	[dreg:$0x5] =	wrdreg $0x13C000  }
0xb2: {  	[dreg:$0x6] =	wrdreg $0x9  }
0xb3: {  	_ =	task.clear_ibuf [dreg:s7], $0x7FFFF;
	_ =	strace $0x90000049  }
0xb4: {  	s29 =	simm.s32 $0x9;
	_ =	strace $0x8000004B  }
0xb5: {  	_ =	swait.ge [sflag:s29], $0x1  }
0xb6: {  	[sflag:s29] =	ssyncadd.s32 $0xFFFFFFFF  }
0xb7: {  	_ =	strace $0x9000004B  }
0xb8: {  	_ =	sfence  }
0xb9: {  	s30 =	sld [smem:$0x0];
	_ =	sdelay $0x2  }
0xba: {  	s31 =	sshll.u32 s1, $0xD;
	s1 =	sshrl.u32 s1, $0x2  }
0xbb: {  	s3 =	sand.u32 $0x4000, s31;
	s1 =	sadd.s32 s1, s30  }
0xbc: {  	s0 =	sor.u32 s3, s0;
	s1 =	sshll.u32 s1, $0x11  }
0xbd: {  	s0 =	sor.u32 s1, s0  }
0xbe: {  	s0 =	sadd.s32 $0x8F2B, s0  }
0xbf: {  	[sflag:s0] =	ssyncadd.remote.s32 $0x1  }
0xc0: {  	_ =	sfence.sel $0xFFFF  }
0xc1: {  	[dreg:$0x0] =	wrdreg $0xFFFFFFFF;
	(pc) =	sbr.abs _section_cstart, $3  }
0xc2: {  	[dreg:$0x1] =	wrdreg $0xFFFFFFFF  }
0xc3: {  	_ =	task.clear_ibuf [dreg:s7], $0x2FFFF;
	_ =	strace $0x9FFFFFFF  }
0xc4: {  	(tm) =	ssettm $0x7FFFFFFF  }
0xc5: {  	_ =	shalt  }
tec
execute0_lowered:
.L_overlay_start_1:
0x0: {  	(tag) =	ssettag $0x1  }
0x1: {  	s0 =	rddreg [dreg:$0x0]  }
0x2: {  	s2 =	rddreg [dreg:$0x2]  }
0x3: {  	s3 =	rddreg [dreg:$0x3]  }
0x4: {  	s1 =	stileid.u32;
	s5 =	srdreg.scid;
	s4 =	simm.s32 $0x0  }
0x5: {  	s20 =	simm.s32 $0x7;
	s28 =	simm.s32 $0x166F8;
	s29 =	simm.s32 $0x1AE78  }
0x6: {  	s30 =	simm.s32 $0x1CE78;
	s31 =	simm.s32 $0x2;
	s6 =	smul.u32 $0x13C00, s1  }
0x7: {  	s7 =	sand.u32 $0x1, s5;
	[smem:$0x7FF] =	sst s4;
	s5 =	sadd.s32 $0x3000, s0  }
0x8: {  	s9 =	sadd.s32 $0x53A00, s0;
	s11 =	sadd.s32 $0x67A00, s0;
	s14 =	sadd.s32 $0x53000, s0  }
0x9: {  	s13 =	smul.u32 $0x4F000, s1;
	s15 =	sadd.s32 $0x7BA00, s0;
	s24 =	sshll.u32 s1, $0x6  }
0xa: {  	p4 =	sne.s32 s1, $0xF;
	p0 =	seq.s32 s1, $0xF;
	s17 =	smul.u32 $0x280, s1  }
0xb: {  	s18 =	sadd.s32 $0x2580, s3;
	s8 =	smul.u32 $0x140000, s7;
	_ =	strace $0x8000004A  }
0xc: {  	s10 =	ssub.s32 $0x2, s7;
	s12 =	sshll.u32 s7, $0x4;
	[dreg:$0x5] =	wrdreg s14  }
0xd: {  	p1 =	seq.s32 s7, $0x0;
	[dreg:$0x6] =	wrdreg s15;
	s21 =	sshrl.u32 s10, $0x1  }
0xe: {  	s12 =	sor.u32 s1, s12;
	s22 =	sshrl.u32 s13, $0x2;
	p2 =	por !p1, !p4  }
0xf: {  	p3 =	por !p1, !p0;
	s8 =	sadd.s32 s6, s8;
	s23 =	smul.u32 $0x5000, s12  }
0x10: {  	s6 =	sshrl.u32 s6, $0x3;
	s12 =	smul.u32 $0xA00, s12;
	p1 =	por !p2, !p2  }
0x11: {  	p2 =	por !p3, !p3;
	p3 =	seq.s32 s7, $0x1;
	s7 =	simm.s32 $0x6  }
0x12: {  	s8 =	sshrl.u32 s8, $0x3;
	s6 =	sadd.s32 s6, s0;
	p4 =	por !p4, !p3  }
0x13: {  	s8 =	sadd.s32 s8, s0;
	s0 =	ssub.s32 s10, s21;
	s10 =	sadd.s32 s22, s2  }
0x14: {  	s6 =	sadd.s32 $0x2B000, s6;
	s25 =	sshrl.u32 s23, $0x3;
	s26 =	sadd.s32 s9, s12  }
0x15: {  	s12 =	sadd.s32 s11, s12;
	s23 =	sshrl.u32 s17, $0x3;
	s17 =	sadd.s32 s17, s3  }
0x16: {  	p5 =	por !p4, !p4;
	p4 =	sne.s32 s1, $0x0;
	[dreg:$0x7] =	wrdreg s10  }
0x17: {  	s21 =	simm.s32 $0x13E78;
	s22 =	simm.s32 $0x16678;
	[dreg:$0x8] =	wrdreg s6  }
0x18: {  	s1 =	simm.s32 $0x5;
	s10 =	sor.u32 $0x1C07, s24;
	[dreg:$0x9] =	wrdreg s26  }
0x19: {  	[dreg:$0xa] =	wrdreg s12;
	s6 =	sadd.s32 $0x500, s25;
	s16 =	sadd.s32 $0x7C000, s8  }
0x1a: {  	s8 =	simm.s32 @!p2 $0x0;
	s24 =	sadd.s32 s14, s23;
	s25 =	sadd.s32 s15, s23  }
0x1b: {  	s19 =	smax.u32 s0, $0x1;
	s23 =	simm.s32 $0x40;
	[dreg:$0xd] =	wrdreg s16  }
0x1c: {  	s26 =	sshrl.u32 s18, $0x3;
	s0 =	simm.s32 $0x3;
	[dreg:$0xe] =	wrdreg s24  }
0x1d: {  	s18 =	simm.s32 $0x18DF8;
	s9 =	sadd.s32 s9, s6;
	[dreg:$0xf] =	wrdreg s25  }
.Ltmp0:
0x1e: {  	s6 =	sadd.s32 s11, s6;
	[dreg:$0x10] =	wrdreg s26;
	(pc) =	sbr.rel .LBB2_1-.Ltmp0, $4  }
0x1f: {  	s8 =	simm.s32 @p2 $0x1;
	s24 =	simm.s32 $0x18E78;
	[dreg:$0xb] =	wrdreg s9  }
0x20: {  	s26 =	simm.s32 $0x1;
	s16 =	simm.s32 $0x13EF8;
	[dreg:$0xc] =	wrdreg s6  }
0x21: {  	s25 =	simm.s32 $0x4;
	s11 =	simm.s32 $0x0;
	[smem:$0x7FD] =	sst s8  }
0x22: {  	v0 =	vimm.f32 $1.000000000e+00;
	s6 =	simm.s32 $0x16778;
	s8 =	simm.s32 $0x16578;
	s9 =	simm.s32 $0x165F8  }
.LBB2_9:
0x23: {  	s12 =	sadd.s32 $0x4B0, s12;
	s13 =	rddreg [dreg:$0x10]  }
0x24: {  	[hbm:s12], [sflag:s10] =	dma.local [spmem:s13], $0x40  }
0x25: {  	_ =	swait.ge [sflag:s20], $0x40  }
0x26: {  	[sflag:s20] =	ssyncset.done $0x0  }
0x27: {  	[sflag:s20] =	ssyncadd.s32 $0xFFFFFFC0  }
.LBB2_10:
0x28: {  	s11 =	sadd.s32 $0x1, s11  }
0x29: {  	p2 =	sne.s32 s11, s19  }
.Ltmp1:
0x2a: {  	_ = 	snop;
	(pc) =	sbr.rel @!p2 .LBB2_11-.Ltmp1, $1  }
0x2b: {  	_ =	sdelay $0x3  }
.LBB2_1:
0x2c: {  	s12 =	rddreg [dreg:$0x7]  }
0x2d: {  	s13 =	rddreg [dreg:$0x8];
	s12 =	sshrl.u32 s12, $0x3  }
0x2e: {  	[spmem:s12], [sflag:s10] =	dma.local [hbm:s13], $0x2780  }
0x2f: {  	_ =	swait.ge [sflag:s20], $0x2780  }
0x30: {  	[sflag:s20] =	ssyncset.done $0x0  }
0x31: {  	[sflag:s20] =	ssyncadd.s32 $0xFFFFD880  }
0x32: {  	[tilespmem:$0x1CE78] =	vst v0  }
0x33: {  	[tilespmem:$0x1CE88] =	vst v0  }
0x34: {  	[tilespmem:$0x1CE98] =	vst v0  }
0x35: {  	s13 =	sshrl.u32 @!p4 s3, $0x3;
	[tilespmem:$0x1CEA8] =	vst v0;
	s14 =	rddreg [dreg:$0x1]  }
0x36: {  	[spmem:s13], [sflag:s10] =	dma.local @!p4 [hbm:s14], $0x4F0  }
0x37: {  	s13 =	simm.s32 @!p4 $0x7  }
0x38: {  	_ =	swait.ge @!p4 [sflag:s13], $0x4F0  }
0x39: {  	[sflag:s13] =	ssyncset.done @!p4 $0x0  }
0x3a: {  	[sflag:s13] =	ssyncadd.s32 @!p4 $0xFFFFFB10  }
0x3b: {  	[bflag:$0x0] =	sbarrier.arrive $0xFFFF  }
0x3c: {  	s15 =	rddreg [dreg:$0x9]  }
0x3d: {  	[tilespmem:s21], [sflag:$0x7] =	stream.linear.gather [hbm4b:s15+s4], $0x2800, $0x38;
	[tilespmem:$0x1CEF8] =	vst v63  }
0x3e: {  	_ =	swait.ge [sflag:s20], $0x2800  }
0x3f: {  	[sflag:s20] =	ssyncset.done $0x0  }
0x40: {  	s14 =	rddreg [dreg:$0xa];
	[sflag:s20] =	ssyncadd.s32 $0xFFFFD800  }
0x41: {  	[tilespmem:s22], [sflag:$0x7] =	stream.linear.gather [hbm4b:s14+s4], $0x2800, $0x38;
	[tilespmem:$0x1CEF8] =	vst v63  }
0x42: {  	_ =	swait.ge [sflag:s20], $0x2800  }
0x43: {  	[sflag:s20] =	ssyncset.done $0x0  }
0x44: {  	[sflag:s20] =	ssyncadd.s32 $0xFFFFD800  }
0x45: {  	[tilespmem:s24], [sflag:$0x1] =	stream.indirect.gather [hbm4b:s5+s23], $0x80, s22, s23, $0xb8;
	[tilespmem:$0x1CEF8] =	vst v63  }
0x46: {  	_ =	swait.ge [sflag:s26], $0x2000  }
0x47: {  	[sflag:s26] =	ssyncset.done $0x0  }
0x48: {  	[sflag:s26] =	ssyncadd.s32 $0xFFFFE000  }
0x49: {  	[tilespmem:s29], [sflag:$0x2] =	stream.indirect.gather [hbm4b:s5+s23], $0x80, s28, s23, $0xb8;
	[tilespmem:$0x1CEF8] =	vst v63  }
0x4a: {  	_ = 	snop  }
0x4b: {  	[spmem:s2] =	stream.indirect.scatter.add.f32 [tilespmem:s24], [sflag:$0x3], $0x80, s21, s23, $0xb8;
	[tilespmem:$0x1CEF8] =	vst v63  }
0x4c: {  	_ = 	snop  }
0x4d: {  	[spmem:s3] =	stream.indirect.scatter.add.f32 [tilespmem:s30], [sflag:$0x5], $0x1, s21, s23, $0xb8;
	[tilespmem:$0x1CEF8] =	vst v63  }
0x4e: {  	_ =	swait.ge [sflag:s31], $0x2000  }
0x4f: {  	[sflag:s31] =	ssyncset.done $0x0  }
0x50: {  	[sflag:s31] =	ssyncadd.s32 $0xFFFFE000  }
0x51: {  	_ =	swait.ge [sflag:s0], $0x2000  }
0x52: {  	[sflag:s0] =	ssyncset.done $0x0  }
0x53: {  	[sflag:s0] =	ssyncadd.s32 $0xFFFFE000  }
0x54: {  	_ =	swait.ge [sflag:s1], $0x40  }
0x55: {  	[sflag:s1] =	ssyncset.done $0x0  }
0x56: {  	[sflag:s1] =	ssyncadd.s32 $0xFFFFFFC0  }
0x57: {  	[tilespmem:s24], [sflag:$0x1] =	stream.indirect.gather [hbm4b:s5+s23], $0x80, s6, s23, $0xb8;
	[tilespmem:$0x1CEF8] =	vst v63  }
0x58: {  	_ = 	snop  }
0x59: {  	[spmem:s2] =	stream.indirect.scatter.add.f32 [tilespmem:s29], [sflag:$0x4], $0x80, s16, s23, $0xb8;
	[tilespmem:$0x1CEF8] =	vst v63  }
0x5a: {  	_ = 	snop  }
0x5b: {  	[spmem:s3] =	stream.indirect.scatter.add.f32 [tilespmem:s30], [sflag:$0x6], $0x1, s16, s23, $0xb8;
	[tilespmem:$0x1CEF8] =	vst v63  }
0x5c: {  	_ =	swait.ge [sflag:s26], $0x2000  }
0x5d: {  	[sflag:s26] =	ssyncset.done $0x0  }
0x5e: {  	[sflag:s26] =	ssyncadd.s32 $0xFFFFE000  }
0x5f: {  	_ =	swait.ge [sflag:s25], $0x2000  }
0x60: {  	[sflag:s25] =	ssyncset.done $0x0  }
0x61: {  	[sflag:s25] =	ssyncadd.s32 $0xFFFFE000  }
0x62: {  	_ =	swait.ge [sflag:s7], $0x40  }
0x63: {  	[sflag:s7] =	ssyncset.done $0x0  }
0x64: {  	s15 =	simm.s32 $0x167F8;
	[sflag:s7] =	ssyncadd.s32 $0xFFFFFFC0  }
0x65: {  	[tilespmem:s29], [sflag:$0x2] =	stream.indirect.gather [hbm4b:s5+s23], $0x80, s15, s23, $0xb8;
	[tilespmem:$0x1CEF8] =	vst v63  }
0x66: {  	s14 =	simm.s32 $0x13F78  }
0x67: {  	[spmem:s2] =	stream.indirect.scatter.add.f32 [tilespmem:s24], [sflag:$0x3], $0x80, s14, s23, $0xb8;
	[tilespmem:$0x1CEF8] =	vst v63  }
0x68: {  	_ = 	snop  }
0x69: {  	[spmem:s3] =	stream.indirect.scatter.add.f32 [tilespmem:s30], [sflag:$0x5], $0x1, s14, s23, $0xb8;
	[tilespmem:$0x1CEF8] =	vst v63  }
0x6a: {  	_ =	swait.ge [sflag:s31], $0x2000  }
0x6b: {  	[sflag:s31] =	ssyncset.done $0x0  }
0x6c: {  	[sflag:s31] =	ssyncadd.s32 $0xFFFFE000  }
0x6d: {  	_ =	swait.ge [sflag:s0], $0x2000  }
0x6e: {  	[sflag:s0] =	ssyncset.done $0x0  }
0x6f: {  	[sflag:s0] =	ssyncadd.s32 $0xFFFFE000  }
0x70: {  	_ =	swait.ge [sflag:s1], $0x40  }
0x71: {  	[sflag:s1] =	ssyncset.done $0x0  }
0x72: {  	s15 =	simm.s32 $0x16878;
	[sflag:s1] =	ssyncadd.s32 $0xFFFFFFC0  }
0x73: {  	[tilespmem:s24], [sflag:$0x1] =	stream.indirect.gather [hbm4b:s5+s23], $0x80, s15, s23, $0xb8;
	[tilespmem:$0x1CEF8] =	vst v63  }
0x74: {  	s13 =	simm.s32 $0xFFFF6C00;
	s14 =	simm.s32 $0x13FF8  }
0x75: {  	[spmem:s2] =	stream.indirect.scatter.add.f32 [tilespmem:s29], [sflag:$0x4], $0x80, s14, s23, $0xb8;
	[tilespmem:$0x1CEF8] =	vst v63  }
.LBB2_2:
0x76: {  	[spmem:s3] =	stream.indirect.scatter.add.f32 [tilespmem:s30], [sflag:$0x6], $0x1, s14, s23, $0xb8;
	[tilespmem:$0x1CEF8] =	vst v63  }
0x77: {  	s14 =	smov.u32 s13  }
0x78: {  	p6 =	sne.s32 s13, $0xFFFFFC00;
	s13 =	sadd.s32 $0x400, s13;
	_ =	swait.ge [sflag:s26], $0x2000  }
0x79: {  	[sflag:s26] =	ssyncset.done $0x0  }
0x7a: {  	[sflag:s26] =	ssyncadd.s32 $0xFFFFE000  }
0x7b: {  	_ =	swait.ge [sflag:s25], $0x2000  }
0x7c: {  	[sflag:s25] =	ssyncset.done $0x0  }
0x7d: {  	[sflag:s25] =	ssyncadd.s32 $0xFFFFE000  }
0x7e: {  	_ =	swait.ge [sflag:s7], $0x40  }
0x7f: {  	s14 =	sshra.s32 s14, $0x2;
	[sflag:s7] =	ssyncset.done $0x0  }
0x80: {  	s15 =	sadd.s32 $0x18DF8, s14;
	[sflag:s7] =	ssyncadd.s32 $0xFFFFFFC0  }
0x81: {  	[tilespmem:s29], [sflag:$0x2] =	stream.indirect.gather [hbm4b:s5+s23], $0x80, s15, s23, $0xb8;
	[tilespmem:$0x1CEF8] =	vst v63  }
0x82: {  	s15 =	sadd.s32 $0x16578, s14  }
0x83: {  	[spmem:s2] =	stream.indirect.scatter.add.f32 [tilespmem:s24], [sflag:$0x3], $0x80, s15, s23, $0xb8;
	[tilespmem:$0x1CEF8] =	vst v63  }
0x84: {  	_ = 	snop  }
0x85: {  	[spmem:s3] =	stream.indirect.scatter.add.f32 [tilespmem:s30], [sflag:$0x5], $0x1, s15, s23, $0xb8;
	[tilespmem:$0x1CEF8] =	vst v63  }
0x86: {  	_ =	swait.ge [sflag:s31], $0x2000  }
0x87: {  	[sflag:s31] =	ssyncset.done $0x0  }
0x88: {  	[sflag:s31] =	ssyncadd.s32 $0xFFFFE000  }
0x89: {  	_ =	swait.ge [sflag:s0], $0x2000  }
0x8a: {  	[sflag:s0] =	ssyncset.done $0x0  }
0x8b: {  	[sflag:s0] =	ssyncadd.s32 $0xFFFFE000  }
0x8c: {  	_ =	swait.ge [sflag:s1], $0x40  }
.Ltmp2:
0x8d: {  	[sflag:s1] =	ssyncset.done $0x0;
	(pc) =	sbr.rel @p6 .LBB2_2-.Ltmp2, $4  }
0x8e: {  	s15 =	sadd.s32 $0x18E78, s14;
	[sflag:s1] =	ssyncadd.s32 $0xFFFFFFC0  }
0x8f: {  	[tilespmem:s24], [sflag:$0x1] =	stream.indirect.gather [hbm4b:s5+s23], $0x80, s15, s23, $0xb8;
	[tilespmem:$0x1CEF8] =	vst v63  }
0x90: {  	s14 =	sadd.s32 $0x165F8, s14  }
0x91: {  	[spmem:s2] =	stream.indirect.scatter.add.f32 [tilespmem:s29], [sflag:$0x4], $0x80, s14, s23, $0xb8;
	[tilespmem:$0x1CEF8] =	vst v63  }
0x92: {  	[spmem:s3] =	stream.indirect.scatter.add.f32 [tilespmem:s30], [sflag:$0x6], $0x1, s14, s23, $0xb8;
	[tilespmem:$0x1CEF8] =	vst v63  }
0x93: {  	_ =	swait.ge [sflag:s26], $0x2000  }
0x94: {  	[sflag:s26] =	ssyncset.done $0x0  }
0x95: {  	[sflag:s26] =	ssyncadd.s32 $0xFFFFE000  }
0x96: {  	_ =	swait.ge [sflag:s25], $0x2000  }
0x97: {  	[sflag:s25] =	ssyncset.done $0x0  }
0x98: {  	[sflag:s25] =	ssyncadd.s32 $0xFFFFE000  }
0x99: {  	_ =	swait.ge [sflag:s7], $0x40  }
0x9a: {  	[sflag:s7] =	ssyncset.done $0x0  }
0x9b: {  	[sflag:s7] =	ssyncadd.s32 $0xFFFFFFC0  }
0x9c: {  	[tilespmem:s29], [sflag:$0x2] =	stream.indirect.gather [hbm4b:s5+s23], $0x80, s18, s23, $0xb8;
	[tilespmem:$0x1CEF8] =	vst v63  }
0x9d: {  	_ = 	snop  }
0x9e: {  	[spmem:s2] =	stream.indirect.scatter.add.f32 [tilespmem:s24], [sflag:$0x3], $0x80, s8, s23, $0xb8;
	[tilespmem:$0x1CEF8] =	vst v63  }
0x9f: {  	_ = 	snop  }
0xa0: {  	[spmem:s3] =	stream.indirect.scatter.add.f32 [tilespmem:s30], [sflag:$0x5], $0x1, s8, s23, $0xb8;
	[tilespmem:$0x1CEF8] =	vst v63  }
0xa1: {  	_ =	swait.ge [sflag:s31], $0x2000  }
0xa2: {  	[sflag:s31] =	ssyncset.done $0x0  }
0xa3: {  	[sflag:s31] =	ssyncadd.s32 $0xFFFFE000  }
0xa4: {  	_ =	swait.ge [sflag:s0], $0x2000  }
0xa5: {  	[sflag:s0] =	ssyncset.done $0x0  }
0xa6: {  	[sflag:s0] =	ssyncadd.s32 $0xFFFFE000  }
0xa7: {  	_ =	swait.ge [sflag:s1], $0x40  }
0xa8: {  	[sflag:s1] =	ssyncset.done $0x0  }
0xa9: {  	[sflag:s1] =	ssyncadd.s32 $0xFFFFFFC0  }
0xaa: {  	[spmem:s2] =	stream.indirect.scatter.add.f32 [tilespmem:s29], [sflag:$0x4], $0x80, s9, s23, $0xb8;
	[tilespmem:$0x1CEF8] =	vst v63  }
0xab: {  	_ = 	snop  }
0xac: {  	[spmem:s3] =	stream.indirect.scatter.add.f32 [tilespmem:s30], [sflag:$0x6], $0x1, s9, s23, $0xb8;
	[tilespmem:$0x1CEF8] =	vst v63  }
0xad: {  	_ =	swait.ge [sflag:s25], $0x2000  }
0xae: {  	[sflag:s25] =	ssyncset.done $0x0  }
0xaf: {  	[sflag:s25] =	ssyncadd.s32 $0xFFFFE000  }
0xb0: {  	_ =	swait.ge [sflag:s7], $0x40  }
0xb1: {  	[sflag:s7] =	ssyncset.done $0x0  }
0xb2: {  	s13 =	rddreg [dreg:$0xb];
	[sflag:s7] =	ssyncadd.s32 $0xFFFFFFC0  }
0xb3: {  	[tilespmem:s21], [sflag:$0x7] =	stream.linear.gather [hbm4b:s13+s4], $0x2800, $0x38;
	[tilespmem:$0x1CEF8] =	vst v63  }
0xb4: {  	_ =	swait.ge [sflag:s20], $0x2800  }
0xb5: {  	[sflag:s20] =	ssyncset.done $0x0  }
0xb6: {  	s14 =	rddreg [dreg:$0xc];
	[sflag:s20] =	ssyncadd.s32 $0xFFFFD800  }
0xb7: {  	[tilespmem:s22], [sflag:$0x7] =	stream.linear.gather [hbm4b:s14+s4], $0x2800, $0x38;
	[tilespmem:$0x1CEF8] =	vst v63  }
0xb8: {  	_ =	swait.ge [sflag:s20], $0x2800  }
0xb9: {  	[sflag:s20] =	ssyncset.done $0x0  }
0xba: {  	[sflag:s20] =	ssyncadd.s32 $0xFFFFD800  }
0xbb: {  	[tilespmem:s24], [sflag:$0x1] =	stream.indirect.gather [hbm4b:s5+s23], $0x80, s22, s23, $0xb8;
	[tilespmem:$0x1CEF8] =	vst v63  }
0xbc: {  	_ =	swait.ge [sflag:s26], $0x2000  }
0xbd: {  	[sflag:s26] =	ssyncset.done $0x0  }
0xbe: {  	[sflag:s26] =	ssyncadd.s32 $0xFFFFE000  }
0xbf: {  	[tilespmem:s29], [sflag:$0x2] =	stream.indirect.gather [hbm4b:s5+s23], $0x80, s28, s23, $0xb8;
	[tilespmem:$0x1CEF8] =	vst v63  }
0xc0: {  	_ = 	snop  }
0xc1: {  	[spmem:s2] =	stream.indirect.scatter.add.f32 [tilespmem:s24], [sflag:$0x3], $0x80, s21, s23, $0xb8;
	[tilespmem:$0x1CEF8] =	vst v63  }
0xc2: {  	_ = 	snop  }
0xc3: {  	[spmem:s3] =	stream.indirect.scatter.add.f32 [tilespmem:s30], [sflag:$0x5], $0x1, s21, s23, $0xb8;
	[tilespmem:$0x1CEF8] =	vst v63  }
0xc4: {  	_ =	swait.ge [sflag:s31], $0x2000  }
0xc5: {  	[sflag:s31] =	ssyncset.done $0x0  }
0xc6: {  	[sflag:s31] =	ssyncadd.s32 $0xFFFFE000  }
0xc7: {  	_ =	swait.ge [sflag:s0], $0x2000  }
0xc8: {  	[sflag:s0] =	ssyncset.done $0x0  }
0xc9: {  	[sflag:s0] =	ssyncadd.s32 $0xFFFFE000  }
0xca: {  	_ =	swait.ge [sflag:s1], $0x40  }
0xcb: {  	[sflag:s1] =	ssyncset.done $0x0  }
0xcc: {  	[sflag:s1] =	ssyncadd.s32 $0xFFFFFFC0  }
0xcd: {  	[tilespmem:s24], [sflag:$0x1] =	stream.indirect.gather [hbm4b:s5+s23], $0x80, s6, s23, $0xb8;
	[tilespmem:$0x1CEF8] =	vst v63  }
0xce: {  	_ = 	snop  }
0xcf: {  	[spmem:s2] =	stream.indirect.scatter.add.f32 [tilespmem:s29], [sflag:$0x4], $0x80, s16, s23, $0xb8;
	[tilespmem:$0x1CEF8] =	vst v63  }
0xd0: {  	_ = 	snop  }
0xd1: {  	[spmem:s3] =	stream.indirect.scatter.add.f32 [tilespmem:s30], [sflag:$0x6], $0x1, s16, s23, $0xb8;
	[tilespmem:$0x1CEF8] =	vst v63  }
0xd2: {  	_ =	swait.ge [sflag:s26], $0x2000  }
0xd3: {  	[sflag:s26] =	ssyncset.done $0x0  }
0xd4: {  	[sflag:s26] =	ssyncadd.s32 $0xFFFFE000  }
0xd5: {  	_ =	swait.ge [sflag:s25], $0x2000  }
0xd6: {  	[sflag:s25] =	ssyncset.done $0x0  }
0xd7: {  	[sflag:s25] =	ssyncadd.s32 $0xFFFFE000  }
0xd8: {  	_ =	swait.ge [sflag:s7], $0x40  }
0xd9: {  	[sflag:s7] =	ssyncset.done $0x0  }
0xda: {  	s15 =	simm.s32 $0x167F8;
	[sflag:s7] =	ssyncadd.s32 $0xFFFFFFC0  }
0xdb: {  	[tilespmem:s29], [sflag:$0x2] =	stream.indirect.gather [hbm4b:s5+s23], $0x80, s15, s23, $0xb8;
	[tilespmem:$0x1CEF8] =	vst v63  }
0xdc: {  	s14 =	simm.s32 $0x13F78  }
0xdd: {  	[spmem:s2] =	stream.indirect.scatter.add.f32 [tilespmem:s24], [sflag:$0x3], $0x80, s14, s23, $0xb8;
	[tilespmem:$0x1CEF8] =	vst v63  }
0xde: {  	_ = 	snop  }
0xdf: {  	[spmem:s3] =	stream.indirect.scatter.add.f32 [tilespmem:s30], [sflag:$0x5], $0x1, s14, s23, $0xb8;
	[tilespmem:$0x1CEF8] =	vst v63  }
0xe0: {  	_ =	swait.ge [sflag:s31], $0x2000  }
0xe1: {  	[sflag:s31] =	ssyncset.done $0x0  }
0xe2: {  	[sflag:s31] =	ssyncadd.s32 $0xFFFFE000  }
0xe3: {  	_ =	swait.ge [sflag:s0], $0x2000  }
0xe4: {  	[sflag:s0] =	ssyncset.done $0x0  }
0xe5: {  	[sflag:s0] =	ssyncadd.s32 $0xFFFFE000  }
0xe6: {  	_ =	swait.ge [sflag:s1], $0x40  }
0xe7: {  	[sflag:s1] =	ssyncset.done $0x0  }
0xe8: {  	s15 =	simm.s32 $0x16878;
	[sflag:s1] =	ssyncadd.s32 $0xFFFFFFC0  }
0xe9: {  	[tilespmem:s24], [sflag:$0x1] =	stream.indirect.gather [hbm4b:s5+s23], $0x80, s15, s23, $0xb8;
	[tilespmem:$0x1CEF8] =	vst v63  }
0xea: {  	s13 =	simm.s32 $0xFFFF6C00;
	s14 =	simm.s32 $0x13FF8  }
0xeb: {  	[spmem:s2] =	stream.indirect.scatter.add.f32 [tilespmem:s29], [sflag:$0x4], $0x80, s14, s23, $0xb8;
	[tilespmem:$0x1CEF8] =	vst v63  }
.LBB2_4:
0xec: {  	[spmem:s3] =	stream.indirect.scatter.add.f32 [tilespmem:s30], [sflag:$0x6], $0x1, s14, s23, $0xb8;
	[tilespmem:$0x1CEF8] =	vst v63  }
0xed: {  	s14 =	smov.u32 s13  }
0xee: {  	p6 =	sne.s32 s13, $0xFFFFFC00;
	s13 =	sadd.s32 $0x400, s13;
	_ =	swait.ge [sflag:s26], $0x2000  }
0xef: {  	[sflag:s26] =	ssyncset.done $0x0  }
0xf0: {  	[sflag:s26] =	ssyncadd.s32 $0xFFFFE000  }
0xf1: {  	_ =	swait.ge [sflag:s25], $0x2000  }
0xf2: {  	[sflag:s25] =	ssyncset.done $0x0  }
0xf3: {  	[sflag:s25] =	ssyncadd.s32 $0xFFFFE000  }
0xf4: {  	_ =	swait.ge [sflag:s7], $0x40  }
0xf5: {  	s14 =	sshra.s32 s14, $0x2;
	[sflag:s7] =	ssyncset.done $0x0  }
0xf6: {  	s15 =	sadd.s32 $0x18DF8, s14;
	[sflag:s7] =	ssyncadd.s32 $0xFFFFFFC0  }
0xf7: {  	[tilespmem:s29], [sflag:$0x2] =	stream.indirect.gather [hbm4b:s5+s23], $0x80, s15, s23, $0xb8;
	[tilespmem:$0x1CEF8] =	vst v63  }
0xf8: {  	s15 =	sadd.s32 $0x16578, s14  }
0xf9: {  	[spmem:s2] =	stream.indirect.scatter.add.f32 [tilespmem:s24], [sflag:$0x3], $0x80, s15, s23, $0xb8;
	[tilespmem:$0x1CEF8] =	vst v63  }
0xfa: {  	_ = 	snop  }
0xfb: {  	[spmem:s3] =	stream.indirect.scatter.add.f32 [tilespmem:s30], [sflag:$0x5], $0x1, s15, s23, $0xb8;
	[tilespmem:$0x1CEF8] =	vst v63  }
0xfc: {  	_ =	swait.ge [sflag:s31], $0x2000  }
0xfd: {  	[sflag:s31] =	ssyncset.done $0x0  }
0xfe: {  	[sflag:s31] =	ssyncadd.s32 $0xFFFFE000  }
0xff: {  	_ =	swait.ge [sflag:s0], $0x2000  }
0x100: {  	[sflag:s0] =	ssyncset.done $0x0  }
0x101: {  	[sflag:s0] =	ssyncadd.s32 $0xFFFFE000  }
0x102: {  	_ =	swait.ge [sflag:s1], $0x40  }
.Ltmp3:
0x103: {  	[sflag:s1] =	ssyncset.done $0x0;
	(pc) =	sbr.rel @p6 .LBB2_4-.Ltmp3, $4  }
0x104: {  	s15 =	sadd.s32 $0x18E78, s14;
	[sflag:s1] =	ssyncadd.s32 $0xFFFFFFC0  }
0x105: {  	[tilespmem:s24], [sflag:$0x1] =	stream.indirect.gather [hbm4b:s5+s23], $0x80, s15, s23, $0xb8;
	[tilespmem:$0x1CEF8] =	vst v63  }
0x106: {  	s14 =	sadd.s32 $0x165F8, s14  }
0x107: {  	[spmem:s2] =	stream.indirect.scatter.add.f32 [tilespmem:s29], [sflag:$0x4], $0x80, s14, s23, $0xb8;
	[tilespmem:$0x1CEF8] =	vst v63  }
0x108: {  	[spmem:s3] =	stream.indirect.scatter.add.f32 [tilespmem:s30], [sflag:$0x6], $0x1, s14, s23, $0xb8;
	[tilespmem:$0x1CEF8] =	vst v63  }
0x109: {  	_ =	swait.ge [sflag:s26], $0x2000  }
0x10a: {  	[sflag:s26] =	ssyncset.done $0x0  }
0x10b: {  	[sflag:s26] =	ssyncadd.s32 $0xFFFFE000  }
0x10c: {  	_ =	swait.ge [sflag:s25], $0x2000  }
0x10d: {  	[sflag:s25] =	ssyncset.done $0x0  }
0x10e: {  	[sflag:s25] =	ssyncadd.s32 $0xFFFFE000  }
0x10f: {  	_ =	swait.ge [sflag:s7], $0x40  }
0x110: {  	[sflag:s7] =	ssyncset.done $0x0  }
0x111: {  	[sflag:s7] =	ssyncadd.s32 $0xFFFFFFC0  }
0x112: {  	[tilespmem:s29], [sflag:$0x2] =	stream.indirect.gather [hbm4b:s5+s23], $0x80, s18, s23, $0xb8;
	[tilespmem:$0x1CEF8] =	vst v63  }
0x113: {  	_ = 	snop  }
0x114: {  	[spmem:s2] =	stream.indirect.scatter.add.f32 [tilespmem:s24], [sflag:$0x3], $0x80, s8, s23, $0xb8;
	[tilespmem:$0x1CEF8] =	vst v63  }
0x115: {  	_ = 	snop  }
0x116: {  	[spmem:s3] =	stream.indirect.scatter.add.f32 [tilespmem:s30], [sflag:$0x5], $0x1, s8, s23, $0xb8;
	[tilespmem:$0x1CEF8] =	vst v63  }
0x117: {  	_ =	swait.ge [sflag:s31], $0x2000  }
0x118: {  	[sflag:s31] =	ssyncset.done $0x0  }
0x119: {  	[sflag:s31] =	ssyncadd.s32 $0xFFFFE000  }
0x11a: {  	_ =	swait.ge [sflag:s0], $0x2000  }
0x11b: {  	[sflag:s0] =	ssyncset.done $0x0  }
0x11c: {  	[sflag:s0] =	ssyncadd.s32 $0xFFFFE000  }
0x11d: {  	_ =	swait.ge [sflag:s1], $0x40  }
0x11e: {  	[sflag:s1] =	ssyncset.done $0x0  }
0x11f: {  	[sflag:s1] =	ssyncadd.s32 $0xFFFFFFC0  }
0x120: {  	[spmem:s2] =	stream.indirect.scatter.add.f32 [tilespmem:s29], [sflag:$0x4], $0x80, s9, s23, $0xb8;
	[tilespmem:$0x1CEF8] =	vst v63  }
0x121: {  	_ = 	snop  }
0x122: {  	[spmem:s3] =	stream.indirect.scatter.add.f32 [tilespmem:s30], [sflag:$0x6], $0x1, s9, s23, $0xb8;
	[tilespmem:$0x1CEF8] =	vst v63  }
0x123: {  	_ =	swait.ge [sflag:s25], $0x2000  }
0x124: {  	[sflag:s25] =	ssyncset.done $0x0  }
0x125: {  	[sflag:s25] =	ssyncadd.s32 $0xFFFFE000  }
0x126: {  	_ =	swait.ge [sflag:s7], $0x40  }
0x127: {  	[sflag:s7] =	ssyncset.done $0x0  }
0x128: {  	[sflag:s7] =	ssyncadd.s32 $0xFFFFFFC0  }
0x129: {  	[bflag:$0x0] =	sbarrier.arrive $0xFFFF  }
.Ltmp4:
0x12a: {  	s13 =	rddreg [dreg:$0xd];
	(pc) =	sbr.rel @!p1 .LBB2_7-.Ltmp4, $4  }
0x12b: {  	[hbm:s13], [sflag:s10] =	dma.local [spmem:s12], $0x2780  }
0x12c: {  	_ =	swait.ge [sflag:s20], $0x2780  }
0x12d: {  	[sflag:s20] =	ssyncset.done $0x0  }
0x12e: {  	[sflag:s20] =	ssyncadd.s32 $0xFFFFD880  }
.Ltmp5:
0x12f: {  	s12 =	sshrl.u32 s17, $0x3;
	s13 =	rddreg [dreg:$0xe];
	(pc) =	sbr.rel .LBB2_8-.Ltmp5, $4  }
0x130: {  	[hbm:s13], [sflag:s10] =	dma.local [spmem:s12], $0x50  }
0x131: {  	_ =	swait.ge [sflag:s20], $0x50  }
0x132: {  	[sflag:s20] =	ssyncset.done $0x0  }
0x133: {  	p6 =	por $0x0, $0x0;
	[sflag:s20] =	ssyncadd.s32 $0xFFFFFFB0  }
.LBB2_7:
0x134: {  	s13 =	sld [smem:$0x7FD];
	_ =	sdelay $0x2  }
0x135: {  	p2 =	seq.s32 s13, $0x1  }
.Ltmp6:
0x136: {  	_ = 	snop;
	(pc) =	sbr.rel @p2 .LBB2_9-.Ltmp6, $2  }
0x137: {  	_ =	sdelay $0x2  }
0x138: {  	p6 =	por p0, p0;
	s12 =	rddreg [dreg:$0x5]  }
.LBB2_8:
0x139: {  	s12 =	sshrl.u32 @p5 s17, $0x3;
	s13 =	rddreg [dreg:$0xf];
	p2 =	por @p5 $0x1, $0x1  }
0x13a: {  	[hbm:s13], [sflag:s10] =	dma.local @p5 [spmem:s12], $0x50  }
0x13b: {  	p2 =	por @!p5 p3, p3  }
0x13c: {  	p2 =	por !p2, !p6  }
0x13d: {  	p2 =	por !p2, !p2  }
.Ltmp7:
0x13e: {  	_ = 	snop;
	(pc) =	sbr.rel @!p2 .LBB2_10-.Ltmp7, $4  }
.Ltmp8:
0x13f: {  	s12 =	simm.s32 @p5 $0x7;
	(pc) =	sbr.rel @p2 .LBB2_9-.Ltmp8, $4  }
0x140: {  	_ =	swait.ge @p5 [sflag:s12], $0x50  }
0x141: {  	[sflag:s12] =	ssyncset.done @p5 $0x0  }
0x142: {  	[sflag:s12] =	ssyncadd.s32 @p5 $0xFFFFFFB0;
	s12 =	rddreg [dreg:$0x6]  }
0x143: {  	_ = 	snop  }
.LBB2_11:
0x144: {  	_ =	sfence.sel $0x180000  }
0x145: {  	[bflag:$0x0] =	sbarrier.arrive $0xFFFF  }
0x146: {  	_ =	strace $0x9000004A  }
0x147: {  	[bflag:$0x2] =	sbarrier.arrive $0xFFFF  }
0x148: {  	s0 =	rddreg [dreg:$0x4]  }
0x149: {  	s0 =	sadd.s32 @!p4 $0x100000, s0  }
0x14a: {  	[sflag:s0] =	ssyncadd.tile.s32 @!p4 $0x1;
	_ =	shalt  }
.Lfunc_end2:
_tile_overlayer_lowered:
.L_overlay_start_2:
0x14b: {  	(tag) =	ssettag $0x2  }
0x14c: {  	s0 =	rddreg [dreg:$0x0];
	s2 =	stileid.u32  }
0x14d: {  	s1 =	rddreg [dreg:$0x1];
	p0 =	sne.s32 s2, $0x0  }
0x14e: {  	s3 =	rddreg [dreg:$0x2];
	[bflag:$0x3] =	sbarrier.arrive $0xFFFF;
	s2 =	simm.s32 @!p0 $0x1C07  }
0x14f: {  	[timem:s3], [sflag:s2] =	dma.local @!p0 [hbm:s0], s1  }
0x150: {  	s0 =	simm.s32 @!p0 $0x7  }
0x151: {  	_ =	swait.ge @!p0 [sflag:s0], s1  }
0x152: {  	s1 =	ssub.s32 @!p0 $0x0, s1;
	[sflag:s0] =	ssyncset.done @!p0 $0x0  }
0x153: {  	[sflag:s0] =	ssyncadd.s32 @!p0 s1  }
0x154: {  	[bflag:$0x3] =	sbarrier.arrive $0xFFFF  }
0x155: {  	_ =	shalt  }

// kernel: kernel.16.cloned.1.call-start
scs
__scs_entry_jumppad:
0x0: {  	(pc) =	sbr.rel $0x88, $3  }
0x1: {  	(tag) =	ssettag $0x0;
	lr =	simm.s32 $0x1  }
0x2: {  	[smem:$0x3F95] =	sst lr;
	_ =	strace $0xD0000000  }
0x3: {  	_ = 	snop  }
0x4: {  	_ = 	snop  }
0x5: {  	_ = 	snop  }
0x6: {  	_ = 	snop  }
0x7: {  	_ = 	snop  }
__scs_overlays_trampoline_lowered:
0x8: {  	[smem:$0x3FA4] =	sst s0  }
0x9: {  	[smem:$0x3FA5] =	sst s1  }
0xa: {  	[smem:$0x3FA6] =	sst s2  }
0xb: {  	[smem:$0x3FA7] =	sst s3  }
0xc: {  	[smem:$0x3FA8] =	sst s4  }
0xd: {  	[smem:$0x3FA9] =	sst s5  }
0xe: {  	[smem:$0x3FAA] =	sst s6  }
0xf: {  	[smem:$0x3FAB] =	sst s7  }
0x10: {  	[smem:$0x3FAC] =	sst s8  }
0x11: {  	[smem:$0x3FAD] =	sst s9;
	s0 =	simm.s32 @!p0 $0x0  }
0x12: {  	s1 =	sld [smem:$0x3F93];
	s0 =	simm.s32 @p0 $0x1  }
0x13: {  	[smem:$0x3FAE] =	sst s0;
	s0 =	simm.s32 @!p1 $0x0  }
0x14: {  	s2 =	sld [smem:$0x3F92];
	s0 =	simm.s32 @p1 $0x1  }
0x15: {  	[smem:$0x3FAF] =	sst s0;
	s0 =	simm.s32 @!p2 $0x0  }
0x16: {  	s3 =	sld [smem:$0x3FDB];
	s0 =	simm.s32 @p2 $0x1  }
0x17: {  	s4 =	simm.s32 $0x1BF5;
	[smem:$0x3FB1] =	sst s0  }
0x18: {  	s0 =	sld [smem:$0x3F94];
	_ =	swait.ge [sflag:s4], $0x0  }
0x19: {  	s7 =	sld [smem:$0x3F95]  }
0x1a: {  	s8 =	sadd.s32 $0xFFFFE003, lr  }
0x1b: {  	s9 =	sadd.s32 $0xFFFFFEF7, lr;
	s5 =	simm.s32 $0xFFFFFFFF;
	p2 =	slt.u32 s8, $0xFFFFF086  }
0x1c: {  	p1 =	slt.u32 s9, $0xF7A;
	s5 =	simm.s32 @!p2 $0x0  }
0x1d: {  	s5 =	simm.s32 @p1 $0x1;
	p0 =	seq.s32 s7, s2  }
0x1e: {  	s7 =	smul.u32 @!p0 $0xF7A, s2;
	p2 =	seq.s32 @!p0 s5, $0x0  }
0x1f: {  	s9 =	smul.u32 $0xF7A, s1;
	s8 =	simm.s32 @!p0 $0x1BF5;
	p2 =	por !p2, p0  }
0x20: {  	[sflag:s8] =	ssyncset.s32 @!p0 $0xFFFFF086;
	s6 =	sadd.s32 @!p0 s3, s7;
	s7 =	simm.s32 @!p0 $0x108  }
0x21: {  	s3 =	sadd.s32 s3, s9;
	s6 =	sadd.s32 @!p0 $0x88, s6;
	s7 =	simm.s32 @p2 $0x1082  }
0x22: {  	[simem:s7], [sflag:s8] =	dma.local @!p0 [hbm:s6], $0xF7A  }
0x23: {  	s9 =	sor.u32 $0xD0000000, s2;
	s6 =	simm.s32 $0x108;
	_ =	swait.ge @!p0 [sflag:s8], $0x0  }
0x24: {  	s3 =	sadd.s32 $0x88, s3;
	s6 =	simm.s32 @!p1 $0x1082;
	[sflag:s4] =	ssyncset.s32 $0xFFFFF086  }
0x25: {  	[simem:s6], [sflag:s4] =	dma.local [hbm:s3], $0xF7A  }
0x26: {  	[smem:$0x3F95] =	sst s1;
	(tag) =	ssettag s2;
	_ =	strace s9  }
0x27: {  	s1 =	sld [smem:$0x3FA5]  }
0x28: {  	s2 =	sld [smem:$0x3FA6]  }
0x29: {  	s4 =	sld [smem:$0x3FA8]  }
0x2a: {  	p0 =	seq.s32 s5, $0x0;
	s5 =	sld [smem:$0x3FA9]  }
0x2b: {  	s6 =	sld [smem:$0x3FAA]  }
0x2c: {  	s7 =	sld [smem:$0x3FAB]  }
0x2d: {  	s3 =	simm.s32 $0x108;
	s8 =	sld [smem:$0x3FAC]  }
0x2e: {  	s3 =	simm.s32 @!p0 $0x1082;
	s9 =	sld [smem:$0x3FAD]  }
0x2f: {  	lr =	sadd.s32 s0, s3;
	s0 =	sld [smem:$0x3FA4]  }
0x30: {  	s3 =	sld [smem:$0x3FA7]  }
0x31: {  	[smem:$0x3FB0] =	sst s10  }
0x32: {  	s10 =	sld [smem:$0x3FAE];
	_ =	sdelay $0x3  }
0x33: {  	p0 =	seq.s32 s10, $0x1;
	s10 =	sld [smem:$0x3FB0];
	_ =	sdelay $0x3  }
0x34: {  	[smem:$0x3FB0] =	sst s10  }
0x35: {  	s10 =	sld [smem:$0x3FAF];
	_ =	sdelay $0x3  }
0x36: {  	p1 =	seq.s32 s10, $0x1;
	s10 =	sld [smem:$0x3FB0];
	_ =	sdelay $0x3  }
0x37: {  	[smem:$0x3FB0] =	sst s10  }
0x38: {  	s10 =	sld [smem:$0x3FB1]  }
0x39: {  	_ = 	snop;
	(pc) =	sbr.ind lr, $3  }
0x3a: {  	_ = 	snop  }
0x3b: {  	_ = 	snop  }
0x3c: {  	p2 =	seq.s32 s10, $0x1;
	s10 =	sld [smem:$0x3FB0]  }
0x3d: {  	_ =	shalt  }
0x3e: {  	_ =	shalt  }
0x3f: {  	_ =	shalt  }
0x40: {  	_ =	shalt  }
0x41: {  	_ =	shalt  }
0x42: {  	_ =	shalt  }
0x43: {  	_ =	shalt  }
0x44: {  	_ =	shalt  }
0x45: {  	_ =	shalt  }
0x46: {  	_ =	shalt  }
0x47: {  	_ =	shalt  }
0x48: {  	_ =	shalt  }
0x49: {  	_ =	shalt  }
0x4a: {  	_ =	shalt  }
0x4b: {  	_ =	shalt  }
0x4c: {  	_ =	shalt  }
0x4d: {  	_ =	shalt  }
0x4e: {  	_ =	shalt  }
0x4f: {  	_ =	shalt  }
0x50: {  	_ =	shalt  }
0x51: {  	_ =	shalt  }
0x52: {  	_ =	shalt  }
0x53: {  	_ =	shalt  }
0x54: {  	_ =	shalt  }
0x55: {  	_ =	shalt  }
0x56: {  	_ =	shalt  }
0x57: {  	_ =	shalt  }
0x58: {  	_ =	shalt  }
0x59: {  	_ =	shalt  }
0x5a: {  	_ =	shalt  }
0x5b: {  	_ =	shalt  }
0x5c: {  	_ =	shalt  }
0x5d: {  	_ =	shalt  }
0x5e: {  	_ =	shalt  }
0x5f: {  	_ =	shalt  }
0x60: {  	_ =	shalt  }
0x61: {  	_ =	shalt  }
0x62: {  	_ =	shalt  }
0x63: {  	_ =	shalt  }
0x64: {  	_ =	shalt  }
0x65: {  	_ =	shalt  }
0x66: {  	_ =	shalt  }
0x67: {  	_ =	shalt  }
0x68: {  	_ =	shalt  }
0x69: {  	_ =	shalt  }
0x6a: {  	_ =	shalt  }
0x6b: {  	_ =	shalt  }
0x6c: {  	_ =	shalt  }
0x6d: {  	_ =	shalt  }
0x6e: {  	_ =	shalt  }
0x6f: {  	_ =	shalt  }
0x70: {  	_ =	shalt  }
0x71: {  	_ =	shalt  }
0x72: {  	_ =	shalt  }
0x73: {  	_ =	shalt  }
0x74: {  	_ =	shalt  }
0x75: {  	_ =	shalt  }
0x76: {  	_ =	shalt  }
0x77: {  	_ =	shalt  }
0x78: {  	_ =	shalt  }
0x79: {  	_ =	shalt  }
0x7a: {  	_ =	shalt  }
0x7b: {  	_ =	shalt  }
0x7c: {  	_ =	shalt  }
0x7d: {  	_ =	shalt  }
0x7e: {  	_ =	shalt  }
0x7f: {  	_ =	shalt  }
0x80: {  	_ =	shalt  }
0x81: {  	_ =	shalt  }
0x82: {  	_ =	shalt  }
0x83: {  	_ =	shalt  }
0x84: {  	_ =	shalt  }
0x85: {  	_ =	shalt  }
0x86: {  	_ =	shalt  }
0x87: {  	_ =	shalt  }
.Lfunc_end0:
.L_simem_size_0:
called_computation.2_lowered:
.L_overlay_start_0:
0x88: {  	s2 =	sld [smem:$0x3FD9]  }
0x89: {  	s3 =	sld [smem:$0x3FFE];
	_ =	sdelay $0x1  }
0x8a: {  	s1 =	srdreg.scid  }
0x8b: {  	s0 =	sand.u32 $0x1, s1  }
0x8c: {  	s16 =	sshll.u32 s0, $0xA;
	s2 =	sadd.s32 s3, s2  }
0x8d: {  	s2 =	sadd.s32 s2, s16  }
0x8e: {  	[smem:$0x3FBC] =	sst s2  }
0x8f: {  	_ = 	snop  }
0x90: {  	(tm) =	ssettm $0x1  }
0x91: {  	s17 =	sld [smem:$0x3FFB];
	_ =	sdelay $0x3  }
0x92: {  	_ =	strace s17  }
0x93: {  	s2 =	sld [smem:$0x3FFC];
	_ =	sdelay $0x3  }
0x94: {  	_ =	strace s2  }
0x95: {  	s2 =	sld [smem:$0x3FFD];
	_ =	sdelay $0x3  }
0x96: {  	_ =	strace s2  }
0x97: {  	_ =	strace $0x8FFFFFFF  }
0x98: {  	s18 =	sld [smem:$0x3FDB];
	_ =	sdelay $0x1  }
0x99: {  	s19 =	simm.s32 $_scs_section_size  }
0x9a: {  	s4 =	simm.s32 $_size__tile_overlayer_lowered;
	s5 =	simm.s32 $_tile_overlayer_lowered  }
0x9b: {  	s22 =	simm.s32 $0x1BFF;
	s21 =	sshll.u32 s5, $0x1;
	s2 =	sadd.s32 s19, s18  }
0x9c: {  	s6 =	simm.s32 $0x0;
	s20 =	sshll.u32 s4, $0x1;
	s4 =	sadd.s32 s21, s2  }
0x9d: {  	[timem:s6], [sflag:s22] =	dma.local [hbm:s4], s20  }
0x9e: {  	_ =	swait.ge [sflag:s22], s20  }
0x9f: {  	s3 =	ssub.s32 $0x0, s20;
	[sflag:s22] =	ssyncset.done $0x0  }
0xa0: {  	[sflag:s22] =	ssyncadd.s32 s3;
	_ =	sdelay $0x1  }
0xa1: {  	s23 =	simm.s32 $0x1B8B  }
0xa2: {  	_ =	swait.ge [sflag:s23], $0x1  }
0xa3: {  	[sflag:s23] =	ssyncset.done $0x0  }
0xa4: {  	s25 =	simm.s32 $0x1B8E;
	s24 =	sld [smem:$0x3FFE];
	[sflag:s23] =	ssyncadd.s32 $0xFFFFFFFF  }
0xa5: {  	s26 =	simm.s32 $execute0_lowered;
	[smem:$0x3FD2] =	sst s25  }
0xa6: {  	s4 =	sshll.u32 s26, $0x1;
	_ =	strace $0x8000004C;
	[dreg:$0x1] =	wrdreg $0xFFFFFFFF  }
0xa7: {  	s28 =	simm.s32 $_size_execute0_lowered;
	s2 =	sadd.s32 s2, s4;
	[dreg:$0x0] =	wrdreg $0x0  }
0xa8: {  	s4 =	sshll.u32 s28, $0x1;
	[dreg:$0x2] =	wrdreg s2  }
0xa9: {  	[dreg:$0x3] =	wrdreg s4  }
0xaa: {  	[dreg:$0x4] =	wrdreg $0xC0  }
0xab: {  	_ =	task [dreg:s6], $0x5FFFF  }
0xac: {  	[dreg:$0x1] =	wrdreg $0xFFFFFFFF  }
0xad: {  	[dreg:$0x0] =	wrdreg $0x60  }
0xae: {  	[dreg:$0x2] =	wrdreg s24  }
0xaf: {  	[dreg:$0x3] =	wrdreg $0x0  }
0xb0: {  	[dreg:$0x4] =	wrdreg $0x9  }
0xb1: {  	_ =	task.clear_ibuf [dreg:s6], $0x5FFFF;
	_ =	strace $0x9000004C  }
0xb2: {  	s29 =	simm.s32 $0x9;
	_ =	strace $0x8000004E  }
0xb3: {  	_ =	swait.ge [sflag:s29], $0x1  }
0xb4: {  	[sflag:s29] =	ssyncadd.s32 $0xFFFFFFFF  }
0xb5: {  	_ =	strace $0x9000004E  }
0xb6: {  	_ =	sfence  }
0xb7: {  	s30 =	sld [smem:$0x0];
	_ =	sdelay $0x2  }
0xb8: {  	s31 =	sshll.u32 s1, $0xD;
	s1 =	sshrl.u32 s1, $0x2  }
0xb9: {  	s3 =	sand.u32 $0x4000, s31;
	s1 =	sadd.s32 s1, s30  }
0xba: {  	s0 =	sor.u32 s3, s0;
	s1 =	sshll.u32 s1, $0x11  }
0xbb: {  	s0 =	sor.u32 s1, s0  }
0xbc: {  	s0 =	sadd.s32 $0x8F2B, s0  }
0xbd: {  	[sflag:s0] =	ssyncadd.remote.s32 $0x1  }
0xbe: {  	_ =	sfence.sel $0xFFFF  }
0xbf: {  	[dreg:$0x0] =	wrdreg $0xFFFFFFFF;
	(pc) =	sbr.abs _section_cstart, $3  }
0xc0: {  	[dreg:$0x1] =	wrdreg $0xFFFFFFFF  }
0xc1: {  	_ =	task.clear_ibuf [dreg:s6], $0x2FFFF;
	_ =	strace $0x9FFFFFFF  }
0xc2: {  	(tm) =	ssettm $0x7FFFFFFF  }
0xc3: {  	_ =	shalt  }
tec
execute0_lowered:
.L_overlay_start_1:
0x0: {  	(tag) =	ssettag $0x1  }
0x1: {  	s5 =	rddreg [dreg:$0x0]  }
0x2: {  	s2 =	rddreg [dreg:$0x1]  }
0x3: {  	s0 =	rddreg [dreg:$0x2];
	s3 =	simm.s32 $0x0;
	s1 =	stileid.u32  }
0x4: {  	s4 =	srdreg.scid;
	s17 =	simm.s32 $0x40;
	s18 =	simm.s32 $0x18C00  }
0x5: {  	s19 =	simm.s32 $0x1;
	s20 =	simm.s32 $0x16480;
	s21 =	simm.s32 $0x1AC00  }
0x6: {  	s22 =	simm.s32 $0x2;
	s23 =	simm.s32 $0x3;
	s24 =	simm.s32 $0x16500  }
0x7: {  	s25 =	simm.s32 $0x13C80;
	s28 =	simm.s32 $0x0;
	[smem:$0x7FF] =	sst s3  }
0x8: {  	s6 =	smul.u32 $0x13C00, s1;
	s7 =	sand.u32 $0x1, s4;
	s4 =	sadd.s32 $0x3000, s5  }
0x9: {  	s10 =	sadd.s32 $0x53A00, s5;
	s11 =	sadd.s32 $0x67A00, s5;
	s12 =	smul.u32 $0x4F000, s1  }
0xa: {  	s29 =	sshll.u32 s1, $0x6;
	_ =	strace $0x8000004D;
	s9 =	smul.u32 $0x140000, s7  }
0xb: {  	s26 =	sshll.u32 s7, $0x4;
	s7 =	ssub.s32 $0x2, s7;
	s8 =	sshrl.u32 s6, $0x3  }
0xc: {  	s13 =	sshrl.u32 s7, $0x1;
	s12 =	sshrl.u32 s12, $0x2;
	s8 =	sadd.s32 s8, s5  }
0xd: {  	s6 =	sadd.s32 s6, s9;
	s9 =	sor.u32 s1, s26;
	s13 =	ssub.s32 s7, s13  }
0xe: {  	s16 =	sadd.s32 s12, s2;
	s26 =	simm.s32 $0x4;
	s14 =	smul.u32 $0x5000, s9  }
0xf: {  	s6 =	sshrl.u32 s6, $0x3;
	s9 =	smul.u32 $0xA00, s9;
	s12 =	smax.u32 s13, $0x1  }
.Ltmp0:
0x10: {  	s13 =	sshrl.u32 s16, $0x3;
	s16 =	simm.s32 $0x16400;
	(pc) =	sbr.rel .LBB2_1-.Ltmp0, $4  }
0x11: {  	s15 =	sadd.s32 s6, s5;
	s5 =	sadd.s32 $0x2B000, s8;
	s30 =	sshrl.u32 s14, $0x3  }
0x12: {  	s6 =	sor.u32 $0x1C05, s29;
	s7 =	sadd.s32 s10, s9;
	s31 =	sadd.s32 $0x500, s30  }
0x13: {  	s8 =	sadd.s32 s11, s9;
	s14 =	simm.s32 $0x5;
	s9 =	sadd.s32 s10, s31  }
0x14: {  	s10 =	sadd.s32 s11, s31;
	s11 =	sadd.s32 $0x7BA00, s15;
	s15 =	simm.s32 $0x13C00  }
.LBB2_7:
0x15: {  	[spmem:s2] =	stream.indirect.scatter.add.f32 [tilespmem:s21], [sflag:$0x4], $0x80, s31, s17, $0xb8;
	[tilespmem:$0x1CC00] =	vst v63  }
0x16: {  	_ =	swait.ge [sflag:s26], $0x2000  }
0x17: {  	s28 =	sadd.s32 $0x1, s28;
	[sflag:s26] =	ssyncset.done $0x0  }
0x18: {  	p0 =	sne.s32 s28, s12;
	[sflag:s26] =	ssyncadd.s32 $0xFFFFE000  }
.Ltmp1:
0x19: {  	[bflag:$0x0] =	sbarrier.arrive $0xFFFF;
	(pc) =	sbr.rel @!p0 .LBB2_8-.Ltmp1, $4  }
0x1a: {  	[hbm:s11], [sflag:s6] =	dma.local [spmem:s13], $0x2780  }
0x1b: {  	_ =	swait.ge [sflag:s14], $0x2780  }
0x1c: {  	[sflag:s14] =	ssyncset.done $0x0  }
0x1d: {  	[sflag:s14] =	ssyncadd.s32 $0xFFFFD880  }
.LBB2_1:
0x1e: {  	[spmem:s13], [sflag:s6] =	dma.local [hbm:s5], $0x2780  }
0x1f: {  	_ =	swait.ge [sflag:s14], $0x2780  }
0x20: {  	[sflag:s14] =	ssyncset.done $0x0  }
0x21: {  	[sflag:s14] =	ssyncadd.s32 $0xFFFFD880  }
0x22: {  	[bflag:$0x0] =	sbarrier.arrive $0xFFFF  }
0x23: {  	[tilespmem:s15], [sflag:$0x5] =	stream.linear.gather [hbm4b:s7+s3], $0x2800, $0x38;
	[tilespmem:$0x1CC00] =	vst v63  }
0x24: {  	_ =	swait.ge [sflag:s14], $0x2800  }
0x25: {  	[sflag:s14] =	ssyncset.done $0x0  }
0x26: {  	[sflag:s14] =	ssyncadd.s32 $0xFFFFD800  }
0x27: {  	[tilespmem:s16], [sflag:$0x5] =	stream.linear.gather [hbm4b:s8+s3], $0x2800, $0x38;
	[tilespmem:$0x1CC00] =	vst v63  }
0x28: {  	_ =	swait.ge [sflag:s14], $0x2800  }
0x29: {  	[sflag:s14] =	ssyncset.done $0x0  }
0x2a: {  	[sflag:s14] =	ssyncadd.s32 $0xFFFFD800  }
0x2b: {  	[tilespmem:s18], [sflag:$0x1] =	stream.indirect.gather [hbm4b:s4+s17], $0x80, s16, s17, $0xb8;
	[tilespmem:$0x1CC00] =	vst v63  }
0x2c: {  	_ =	swait.ge [sflag:s19], $0x2000  }
0x2d: {  	[sflag:s19] =	ssyncset.done $0x0  }
0x2e: {  	[sflag:s19] =	ssyncadd.s32 $0xFFFFE000  }
0x2f: {  	[tilespmem:s21], [sflag:$0x2] =	stream.indirect.gather [hbm4b:s4+s17], $0x80, s20, s17, $0xb8;
	[tilespmem:$0x1CC00] =	vst v63  }
0x30: {  	_ = 	snop  }
0x31: {  	[spmem:s2] =	stream.indirect.scatter.add.f32 [tilespmem:s18], [sflag:$0x3], $0x80, s15, s17, $0xb8;
	[tilespmem:$0x1CC00] =	vst v63  }
0x32: {  	_ =	swait.ge [sflag:s22], $0x2000  }
0x33: {  	[sflag:s22] =	ssyncset.done $0x0  }
0x34: {  	[sflag:s22] =	ssyncadd.s32 $0xFFFFE000  }
0x35: {  	_ =	swait.ge [sflag:s23], $0x2000  }
0x36: {  	[sflag:s23] =	ssyncset.done $0x0  }
0x37: {  	[sflag:s23] =	ssyncadd.s32 $0xFFFFE000  }
0x38: {  	[tilespmem:s18], [sflag:$0x1] =	stream.indirect.gather [hbm4b:s4+s17], $0x80, s24, s17, $0xb8;
	[tilespmem:$0x1CC00] =	vst v63  }
0x39: {  	s29 =	simm.s32 $0xFFFF6800  }
0x3a: {  	[spmem:s2] =	stream.indirect.scatter.add.f32 [tilespmem:s21], [sflag:$0x4], $0x80, s25, s17, $0xb8;
	[tilespmem:$0x1CC00] =	vst v63  }
.LBB2_2:
0x3b: {  	_ =	swait.ge [sflag:s19], $0x2000  }
0x3c: {  	[sflag:s19] =	ssyncset.done $0x0  }
0x3d: {  	[sflag:s19] =	ssyncadd.s32 $0xFFFFE000  }
0x3e: {  	_ =	swait.ge [sflag:s26], $0x2000  }
0x3f: {  	s30 =	sshra.s32 s29, $0x2;
	[sflag:s26] =	ssyncset.done $0x0  }
0x40: {  	s31 =	sadd.s32 $0x18B80, s30;
	[sflag:s26] =	ssyncadd.s32 $0xFFFFE000  }
0x41: {  	[tilespmem:s21], [sflag:$0x2] =	stream.indirect.gather [hbm4b:s4+s17], $0x80, s31, s17, $0xb8;
	[tilespmem:$0x1CC00] =	vst v63  }
0x42: {  	s31 =	sadd.s32 $0x16300, s30  }
0x43: {  	[spmem:s2] =	stream.indirect.scatter.add.f32 [tilespmem:s18], [sflag:$0x3], $0x80, s31, s17, $0xb8;
	[tilespmem:$0x1CC00] =	vst v63  }
0x44: {  	p0 =	seq.s32 s29, $0x0;
	_ =	swait.ge [sflag:s22], $0x2000  }
.Ltmp2:
0x45: {  	[sflag:s22] =	ssyncset.done $0x0;
	(pc) =	sbr.rel @p0 .LBB2_4-.Ltmp2, $4  }
0x46: {  	[sflag:s22] =	ssyncadd.s32 $0xFFFFE000  }
0x47: {  	_ =	swait.ge [sflag:s23], $0x2000  }
0x48: {  	[sflag:s23] =	ssyncset.done $0x0  }
0x49: {  	s31 =	sadd.s32 $0x16380, s30;
	[sflag:s23] =	ssyncadd.s32 $0xFFFFE000  }
.Ltmp3:
0x4a: {  	(pc) =	sbr.rel .LBB2_2-.Ltmp3, $4  }
0x4b: {  	s30 =	sadd.s32 $0x18C00, s30  }
0x4c: {  	[tilespmem:s18], [sflag:$0x1] =	stream.indirect.gather [hbm4b:s4+s17], $0x80, s30, s17, $0xb8;
	[tilespmem:$0x1CC00] =	vst v63  }
0x4d: {  	s29 =	sadd.s32 $0x400, s29  }
0x4e: {  	[spmem:s2] =	stream.indirect.scatter.add.f32 [tilespmem:s21], [sflag:$0x4], $0x80, s31, s17, $0xb8;
	[tilespmem:$0x1CC00] =	vst v63  }
.LBB2_4:
0x4f: {  	[spmem:s2] =	stream.indirect.scatter.add.f32 [tilespmem:s21], [sflag:$0x4], $0x80, s31, s17, $0xb8;
	[tilespmem:$0x1CC00] =	vst v63  }
0x50: {  	_ =	swait.ge [sflag:s26], $0x2000  }
0x51: {  	[sflag:s26] =	ssyncset.done $0x0  }
0x52: {  	[sflag:s26] =	ssyncadd.s32 $0xFFFFE000  }
0x53: {  	[tilespmem:s15], [sflag:$0x5] =	stream.linear.gather [hbm4b:s9+s3], $0x2800, $0x38;
	[tilespmem:$0x1CC00] =	vst v63  }
0x54: {  	_ =	swait.ge [sflag:s14], $0x2800  }
0x55: {  	[sflag:s14] =	ssyncset.done $0x0  }
0x56: {  	[sflag:s14] =	ssyncadd.s32 $0xFFFFD800  }
0x57: {  	[tilespmem:s16], [sflag:$0x5] =	stream.linear.gather [hbm4b:s10+s3], $0x2800, $0x38;
	[tilespmem:$0x1CC00] =	vst v63  }
0x58: {  	_ =	swait.ge [sflag:s14], $0x2800  }
0x59: {  	[sflag:s14] =	ssyncset.done $0x0  }
0x5a: {  	[sflag:s14] =	ssyncadd.s32 $0xFFFFD800  }
0x5b: {  	[tilespmem:s18], [sflag:$0x1] =	stream.indirect.gather [hbm4b:s4+s17], $0x80, s16, s17, $0xb8;
	[tilespmem:$0x1CC00] =	vst v63  }
0x5c: {  	_ =	swait.ge [sflag:s19], $0x2000  }
0x5d: {  	[sflag:s19] =	ssyncset.done $0x0  }
0x5e: {  	[sflag:s19] =	ssyncadd.s32 $0xFFFFE000  }
0x5f: {  	[tilespmem:s21], [sflag:$0x2] =	stream.indirect.gather [hbm4b:s4+s17], $0x80, s20, s17, $0xb8;
	[tilespmem:$0x1CC00] =	vst v63  }
0x60: {  	_ = 	snop  }
0x61: {  	[spmem:s2] =	stream.indirect.scatter.add.f32 [tilespmem:s18], [sflag:$0x3], $0x80, s15, s17, $0xb8;
	[tilespmem:$0x1CC00] =	vst v63  }
0x62: {  	_ =	swait.ge [sflag:s22], $0x2000  }
0x63: {  	[sflag:s22] =	ssyncset.done $0x0  }
0x64: {  	[sflag:s22] =	ssyncadd.s32 $0xFFFFE000  }
0x65: {  	_ =	swait.ge [sflag:s23], $0x2000  }
0x66: {  	[sflag:s23] =	ssyncset.done $0x0  }
0x67: {  	[sflag:s23] =	ssyncadd.s32 $0xFFFFE000  }
0x68: {  	[tilespmem:s18], [sflag:$0x1] =	stream.indirect.gather [hbm4b:s4+s17], $0x80, s24, s17, $0xb8;
	[tilespmem:$0x1CC00] =	vst v63  }
0x69: {  	s29 =	simm.s32 $0xFFFF6800  }
0x6a: {  	[spmem:s2] =	stream.indirect.scatter.add.f32 [tilespmem:s21], [sflag:$0x4], $0x80, s25, s17, $0xb8;
	[tilespmem:$0x1CC00] =	vst v63  }
.LBB2_5:
0x6b: {  	_ =	swait.ge [sflag:s19], $0x2000  }
0x6c: {  	[sflag:s19] =	ssyncset.done $0x0  }
0x6d: {  	[sflag:s19] =	ssyncadd.s32 $0xFFFFE000  }
0x6e: {  	_ =	swait.ge [sflag:s26], $0x2000  }
0x6f: {  	s30 =	sshra.s32 s29, $0x2;
	[sflag:s26] =	ssyncset.done $0x0  }
0x70: {  	s31 =	sadd.s32 $0x18B80, s30;
	[sflag:s26] =	ssyncadd.s32 $0xFFFFE000  }
0x71: {  	[tilespmem:s21], [sflag:$0x2] =	stream.indirect.gather [hbm4b:s4+s17], $0x80, s31, s17, $0xb8;
	[tilespmem:$0x1CC00] =	vst v63  }
0x72: {  	s31 =	sadd.s32 $0x16300, s30  }
0x73: {  	[spmem:s2] =	stream.indirect.scatter.add.f32 [tilespmem:s18], [sflag:$0x3], $0x80, s31, s17, $0xb8;
	[tilespmem:$0x1CC00] =	vst v63  }
0x74: {  	p0 =	seq.s32 s29, $0x0;
	_ =	swait.ge [sflag:s22], $0x2000  }
.Ltmp4:
0x75: {  	[sflag:s22] =	ssyncset.done $0x0;
	(pc) =	sbr.rel @p0 .LBB2_7-.Ltmp4, $4  }
0x76: {  	[sflag:s22] =	ssyncadd.s32 $0xFFFFE000  }
0x77: {  	_ =	swait.ge [sflag:s23], $0x2000  }
0x78: {  	[sflag:s23] =	ssyncset.done $0x0  }
0x79: {  	s31 =	sadd.s32 $0x16380, s30;
	[sflag:s23] =	ssyncadd.s32 $0xFFFFE000  }
.Ltmp5:
0x7a: {  	(pc) =	sbr.rel .LBB2_5-.Ltmp5, $4  }
0x7b: {  	s30 =	sadd.s32 $0x18C00, s30  }
0x7c: {  	[tilespmem:s18], [sflag:$0x1] =	stream.indirect.gather [hbm4b:s4+s17], $0x80, s30, s17, $0xb8;
	[tilespmem:$0x1CC00] =	vst v63  }
0x7d: {  	s29 =	sadd.s32 $0x400, s29  }
0x7e: {  	[spmem:s2] =	stream.indirect.scatter.add.f32 [tilespmem:s21], [sflag:$0x4], $0x80, s31, s17, $0xb8;
	[tilespmem:$0x1CC00] =	vst v63  }
.LBB2_8:
0x7f: {  	_ =	sfence.sel $0x180000  }
0x80: {  	[bflag:$0x0] =	sbarrier.arrive $0xFFFF  }
0x81: {  	p0 =	sne.s32 s1, $0x0;
	_ =	strace $0x9000004D  }
0x82: {  	s0 =	sadd.s32 @!p0 $0x100000, s0;
	[bflag:$0x2] =	sbarrier.arrive $0xFFFF  }
0x83: {  	[sflag:s0] =	ssyncadd.tile.s32 @!p0 $0x1;
	_ =	shalt  }
.Lfunc_end2:
_tile_overlayer_lowered:
.L_overlay_start_2:
0x84: {  	(tag) =	ssettag $0x2  }
0x85: {  	s0 =	rddreg [dreg:$0x0];
	s2 =	stileid.u32  }
0x86: {  	s1 =	rddreg [dreg:$0x1];
	p0 =	sne.s32 s2, $0x0  }
0x87: {  	s3 =	rddreg [dreg:$0x2];
	[bflag:$0x3] =	sbarrier.arrive $0xFFFF;
	s2 =	simm.s32 @!p0 $0x1C05  }
0x88: {  	[timem:s3], [sflag:s2] =	dma.local @!p0 [hbm:s0], s1  }
0x89: {  	s0 =	simm.s32 @!p0 $0x5  }
0x8a: {  	_ =	swait.ge @!p0 [sflag:s0], s1  }
0x8b: {  	s1 =	ssub.s32 @!p0 $0x0, s1;
	[sflag:s0] =	ssyncset.done @!p0 $0x0  }
0x8c: {  	[sflag:s0] =	ssyncadd.s32 @!p0 s1  }
0x8d: {  	[bflag:$0x3] =	sbarrier.arrive $0xFFFF  }
0x8e: {  	_ =	shalt  }

// kernel: kernel.19.cloned.1.call-start
scs
__scs_entry_jumppad:
0x0: {  	(pc) =	sbr.rel $0x88, $3  }
0x1: {  	(tag) =	ssettag $0x0;
	lr =	simm.s32 $0x1  }
0x2: {  	[smem:$0x3F95] =	sst lr;
	_ =	strace $0xD0000000  }
0x3: {  	_ = 	snop  }
0x4: {  	_ = 	snop  }
0x5: {  	_ = 	snop  }
0x6: {  	_ = 	snop  }
0x7: {  	_ = 	snop  }
__scs_overlays_trampoline_lowered:
0x8: {  	[smem:$0x3FA4] =	sst s0  }
0x9: {  	[smem:$0x3FA5] =	sst s1  }
0xa: {  	[smem:$0x3FA6] =	sst s2  }
0xb: {  	[smem:$0x3FA7] =	sst s3  }
0xc: {  	[smem:$0x3FA8] =	sst s4  }
0xd: {  	[smem:$0x3FA9] =	sst s5  }
0xe: {  	[smem:$0x3FAA] =	sst s6  }
0xf: {  	[smem:$0x3FAB] =	sst s7  }
0x10: {  	[smem:$0x3FAC] =	sst s8  }
0x11: {  	[smem:$0x3FAD] =	sst s9;
	s0 =	simm.s32 @!p0 $0x0  }
0x12: {  	s1 =	sld [smem:$0x3F93];
	s0 =	simm.s32 @p0 $0x1  }
0x13: {  	[smem:$0x3FAE] =	sst s0;
	s0 =	simm.s32 @!p1 $0x0  }
0x14: {  	s2 =	sld [smem:$0x3F92];
	s0 =	simm.s32 @p1 $0x1  }
0x15: {  	[smem:$0x3FAF] =	sst s0;
	s0 =	simm.s32 @!p2 $0x0  }
0x16: {  	s3 =	sld [smem:$0x3FDB];
	s0 =	simm.s32 @p2 $0x1  }
0x17: {  	s4 =	simm.s32 $0x1BF5;
	[smem:$0x3FB1] =	sst s0  }
0x18: {  	s0 =	sld [smem:$0x3F94];
	_ =	swait.ge [sflag:s4], $0x0  }
0x19: {  	s7 =	sld [smem:$0x3F95]  }
0x1a: {  	s8 =	sadd.s32 $0xFFFFE003, lr  }
0x1b: {  	s9 =	sadd.s32 $0xFFFFFEF7, lr;
	s5 =	simm.s32 $0xFFFFFFFF;
	p2 =	slt.u32 s8, $0xFFFFF086  }
0x1c: {  	p1 =	slt.u32 s9, $0xF7A;
	s5 =	simm.s32 @!p2 $0x0  }
0x1d: {  	s5 =	simm.s32 @p1 $0x1;
	p0 =	seq.s32 s7, s2  }
0x1e: {  	s7 =	smul.u32 @!p0 $0xF7A, s2;
	p2 =	seq.s32 @!p0 s5, $0x0  }
0x1f: {  	s9 =	smul.u32 $0xF7A, s1;
	s8 =	simm.s32 @!p0 $0x1BF5;
	p2 =	por !p2, p0  }
0x20: {  	[sflag:s8] =	ssyncset.s32 @!p0 $0xFFFFF086;
	s6 =	sadd.s32 @!p0 s3, s7;
	s7 =	simm.s32 @!p0 $0x108  }
0x21: {  	s3 =	sadd.s32 s3, s9;
	s6 =	sadd.s32 @!p0 $0x88, s6;
	s7 =	simm.s32 @p2 $0x1082  }
0x22: {  	[simem:s7], [sflag:s8] =	dma.local @!p0 [hbm:s6], $0xF7A  }
0x23: {  	s9 =	sor.u32 $0xD0000000, s2;
	s6 =	simm.s32 $0x108;
	_ =	swait.ge @!p0 [sflag:s8], $0x0  }
0x24: {  	s3 =	sadd.s32 $0x88, s3;
	s6 =	simm.s32 @!p1 $0x1082;
	[sflag:s4] =	ssyncset.s32 $0xFFFFF086  }
0x25: {  	[simem:s6], [sflag:s4] =	dma.local [hbm:s3], $0xF7A  }
0x26: {  	[smem:$0x3F95] =	sst s1;
	(tag) =	ssettag s2;
	_ =	strace s9  }
0x27: {  	s1 =	sld [smem:$0x3FA5]  }
0x28: {  	s2 =	sld [smem:$0x3FA6]  }
0x29: {  	s4 =	sld [smem:$0x3FA8]  }
0x2a: {  	p0 =	seq.s32 s5, $0x0;
	s5 =	sld [smem:$0x3FA9]  }
0x2b: {  	s6 =	sld [smem:$0x3FAA]  }
0x2c: {  	s7 =	sld [smem:$0x3FAB]  }
0x2d: {  	s3 =	simm.s32 $0x108;
	s8 =	sld [smem:$0x3FAC]  }
0x2e: {  	s3 =	simm.s32 @!p0 $0x1082;
	s9 =	sld [smem:$0x3FAD]  }
0x2f: {  	lr =	sadd.s32 s0, s3;
	s0 =	sld [smem:$0x3FA4]  }
0x30: {  	s3 =	sld [smem:$0x3FA7]  }
0x31: {  	[smem:$0x3FB0] =	sst s10  }
0x32: {  	s10 =	sld [smem:$0x3FAE];
	_ =	sdelay $0x3  }
0x33: {  	p0 =	seq.s32 s10, $0x1;
	s10 =	sld [smem:$0x3FB0];
	_ =	sdelay $0x3  }
0x34: {  	[smem:$0x3FB0] =	sst s10  }
0x35: {  	s10 =	sld [smem:$0x3FAF];
	_ =	sdelay $0x3  }
0x36: {  	p1 =	seq.s32 s10, $0x1;
	s10 =	sld [smem:$0x3FB0];
	_ =	sdelay $0x3  }
0x37: {  	[smem:$0x3FB0] =	sst s10  }
0x38: {  	s10 =	sld [smem:$0x3FB1]  }
0x39: {  	_ = 	snop;
	(pc) =	sbr.ind lr, $3  }
0x3a: {  	_ = 	snop  }
0x3b: {  	_ = 	snop  }
0x3c: {  	p2 =	seq.s32 s10, $0x1;
	s10 =	sld [smem:$0x3FB0]  }
0x3d: {  	_ =	shalt  }
0x3e: {  	_ =	shalt  }
0x3f: {  	_ =	shalt  }
0x40: {  	_ =	shalt  }
0x41: {  	_ =	shalt  }
0x42: {  	_ =	shalt  }
0x43: {  	_ =	shalt  }
0x44: {  	_ =	shalt  }
0x45: {  	_ =	shalt  }
0x46: {  	_ =	shalt  }
0x47: {  	_ =	shalt  }
0x48: {  	_ =	shalt  }
0x49: {  	_ =	shalt  }
0x4a: {  	_ =	shalt  }
0x4b: {  	_ =	shalt  }
0x4c: {  	_ =	shalt  }
0x4d: {  	_ =	shalt  }
0x4e: {  	_ =	shalt  }
0x4f: {  	_ =	shalt  }
0x50: {  	_ =	shalt  }
0x51: {  	_ =	shalt  }
0x52: {  	_ =	shalt  }
0x53: {  	_ =	shalt  }
0x54: {  	_ =	shalt  }
0x55: {  	_ =	shalt  }
0x56: {  	_ =	shalt  }
0x57: {  	_ =	shalt  }
0x58: {  	_ =	shalt  }
0x59: {  	_ =	shalt  }
0x5a: {  	_ =	shalt  }
0x5b: {  	_ =	shalt  }
0x5c: {  	_ =	shalt  }
0x5d: {  	_ =	shalt  }
0x5e: {  	_ =	shalt  }
0x5f: {  	_ =	shalt  }
0x60: {  	_ =	shalt  }
0x61: {  	_ =	shalt  }
0x62: {  	_ =	shalt  }
0x63: {  	_ =	shalt  }
0x64: {  	_ =	shalt  }
0x65: {  	_ =	shalt  }
0x66: {  	_ =	shalt  }
0x67: {  	_ =	shalt  }
0x68: {  	_ =	shalt  }
0x69: {  	_ =	shalt  }
0x6a: {  	_ =	shalt  }
0x6b: {  	_ =	shalt  }
0x6c: {  	_ =	shalt  }
0x6d: {  	_ =	shalt  }
0x6e: {  	_ =	shalt  }
0x6f: {  	_ =	shalt  }
0x70: {  	_ =	shalt  }
0x71: {  	_ =	shalt  }
0x72: {  	_ =	shalt  }
0x73: {  	_ =	shalt  }
0x74: {  	_ =	shalt  }
0x75: {  	_ =	shalt  }
0x76: {  	_ =	shalt  }
0x77: {  	_ =	shalt  }
0x78: {  	_ =	shalt  }
0x79: {  	_ =	shalt  }
0x7a: {  	_ =	shalt  }
0x7b: {  	_ =	shalt  }
0x7c: {  	_ =	shalt  }
0x7d: {  	_ =	shalt  }
0x7e: {  	_ =	shalt  }
0x7f: {  	_ =	shalt  }
0x80: {  	_ =	shalt  }
0x81: {  	_ =	shalt  }
0x82: {  	_ =	shalt  }
0x83: {  	_ =	shalt  }
0x84: {  	_ =	shalt  }
0x85: {  	_ =	shalt  }
0x86: {  	_ =	shalt  }
0x87: {  	_ =	shalt  }
.Lfunc_end0:
.L_simem_size_0:
called_computation.3_lowered:
.L_overlay_start_0:
0x88: {  	s2 =	sld [smem:$0x3FD9]  }
0x89: {  	s3 =	sld [smem:$0x3FFE];
	_ =	sdelay $0x1  }
0x8a: {  	s1 =	srdreg.scid  }
0x8b: {  	s0 =	sand.u32 $0x1, s1  }
0x8c: {  	s16 =	sshll.u32 s0, $0xA;
	s2 =	sadd.s32 s3, s2  }
0x8d: {  	s2 =	sadd.s32 s2, s16  }
0x8e: {  	[smem:$0x3FBC] =	sst s2  }
0x8f: {  	_ = 	snop  }
0x90: {  	(tm) =	ssettm $0x1  }
0x91: {  	s17 =	sld [smem:$0x3FFB];
	_ =	sdelay $0x3  }
0x92: {  	_ =	strace s17  }
0x93: {  	s2 =	sld [smem:$0x3FFC];
	_ =	sdelay $0x3  }
0x94: {  	_ =	strace s2  }
0x95: {  	s2 =	sld [smem:$0x3FFD];
	_ =	sdelay $0x3  }
0x96: {  	_ =	strace s2  }
0x97: {  	_ =	strace $0x8FFFFFFF  }
0x98: {  	s18 =	sld [smem:$0x3FDB];
	_ =	sdelay $0x1  }
0x99: {  	s19 =	simm.s32 $_scs_section_size  }
0x9a: {  	s4 =	simm.s32 $_size__tile_overlayer_lowered;
	s5 =	simm.s32 $_tile_overlayer_lowered  }
0x9b: {  	s22 =	simm.s32 $0x1BFF;
	s21 =	sshll.u32 s5, $0x1;
	s2 =	sadd.s32 s19, s18  }
0x9c: {  	s6 =	simm.s32 $0x0;
	s20 =	sshll.u32 s4, $0x1;
	s4 =	sadd.s32 s21, s2  }
0x9d: {  	[timem:s6], [sflag:s22] =	dma.local [hbm:s4], s20  }
0x9e: {  	_ =	swait.ge [sflag:s22], s20  }
0x9f: {  	s3 =	ssub.s32 $0x0, s20;
	[sflag:s22] =	ssyncset.done $0x0  }
0xa0: {  	[sflag:s22] =	ssyncadd.s32 s3;
	_ =	sdelay $0x1  }
0xa1: {  	s23 =	simm.s32 $0x1B8B  }
0xa2: {  	_ =	swait.ge [sflag:s23], $0x1  }
0xa3: {  	[sflag:s23] =	ssyncset.done $0x0  }
0xa4: {  	s25 =	simm.s32 $0x1B8E;
	s24 =	sld [smem:$0x3FFE];
	[sflag:s23] =	ssyncadd.s32 $0xFFFFFFFF  }
0xa5: {  	s26 =	simm.s32 $execute0_lowered;
	[smem:$0x3FD2] =	sst s25  }
0xa6: {  	s4 =	sshll.u32 s26, $0x1;
	_ =	strace $0x8000004F;
	[dreg:$0x1] =	wrdreg $0xFFFFFFFF  }
0xa7: {  	s28 =	simm.s32 $_size_execute0_lowered;
	s2 =	sadd.s32 s2, s4;
	[dreg:$0x0] =	wrdreg $0x0  }
0xa8: {  	s4 =	sshll.u32 s28, $0x1;
	[dreg:$0x2] =	wrdreg s2  }
0xa9: {  	[dreg:$0x3] =	wrdreg s4  }
0xaa: {  	[dreg:$0x4] =	wrdreg $0xC0  }
0xab: {  	_ =	task [dreg:s6], $0x5FFFF  }
0xac: {  	[dreg:$0x1] =	wrdreg $0xFFFFFFFF  }
0xad: {  	[dreg:$0x0] =	wrdreg $0x60  }
0xae: {  	[dreg:$0x2] =	wrdreg s24  }
0xaf: {  	[dreg:$0x3] =	wrdreg $0x0  }
0xb0: {  	[dreg:$0x4] =	wrdreg $0x9  }
0xb1: {  	_ =	task.clear_ibuf [dreg:s6], $0x5FFFF;
	_ =	strace $0x9000004F  }
0xb2: {  	s29 =	simm.s32 $0x9;
	_ =	strace $0x80000051  }
0xb3: {  	_ =	swait.ge [sflag:s29], $0x1  }
0xb4: {  	[sflag:s29] =	ssyncadd.s32 $0xFFFFFFFF  }
0xb5: {  	_ =	strace $0x90000051  }
0xb6: {  	_ =	sfence  }
0xb7: {  	s30 =	sld [smem:$0x0];
	_ =	sdelay $0x2  }
0xb8: {  	s31 =	sshll.u32 s1, $0xD;
	s1 =	sshrl.u32 s1, $0x2  }
0xb9: {  	s3 =	sand.u32 $0x4000, s31;
	s1 =	sadd.s32 s1, s30  }
0xba: {  	s0 =	sor.u32 s3, s0;
	s1 =	sshll.u32 s1, $0x11  }
0xbb: {  	s0 =	sor.u32 s1, s0  }
0xbc: {  	s0 =	sadd.s32 $0x8F2B, s0  }
0xbd: {  	[sflag:s0] =	ssyncadd.remote.s32 $0x1  }
0xbe: {  	_ =	sfence.sel $0xFFFF  }
0xbf: {  	[dreg:$0x0] =	wrdreg $0xFFFFFFFF;
	(pc) =	sbr.abs _section_cstart, $3  }
0xc0: {  	[dreg:$0x1] =	wrdreg $0xFFFFFFFF  }
0xc1: {  	_ =	task.clear_ibuf [dreg:s6], $0x2FFFF;
	_ =	strace $0x9FFFFFFF  }
0xc2: {  	(tm) =	ssettm $0x7FFFFFFF  }
0xc3: {  	_ =	shalt  }
tec
execute0_lowered:
.L_overlay_start_1:
0x0: {  	(tag) =	ssettag $0x1  }
0x1: {  	s5 =	rddreg [dreg:$0x0]  }
0x2: {  	s2 =	rddreg [dreg:$0x1]  }
0x3: {  	s0 =	rddreg [dreg:$0x2];
	s3 =	simm.s32 $0x0;
	s1 =	stileid.u32  }
0x4: {  	s4 =	srdreg.scid;
	s17 =	simm.s32 $0x40;
	s18 =	simm.s32 $0x18C00  }
0x5: {  	s19 =	simm.s32 $0x1;
	s20 =	simm.s32 $0x16480;
	s21 =	simm.s32 $0x1AC00  }
0x6: {  	s22 =	simm.s32 $0x2;
	s23 =	simm.s32 $0x3;
	s24 =	simm.s32 $0x16500  }
0x7: {  	s25 =	simm.s32 $0x13C80;
	s28 =	simm.s32 $0x0;
	[smem:$0x7FF] =	sst s3  }
0x8: {  	s6 =	smul.u32 $0x13C00, s1;
	s7 =	sand.u32 $0x1, s4;
	s4 =	sadd.s32 $0x3000, s5  }
0x9: {  	s10 =	sadd.s32 $0x53A00, s5;
	s11 =	sadd.s32 $0x67A00, s5;
	s12 =	smul.u32 $0x4F000, s1  }
0xa: {  	s29 =	sshll.u32 s1, $0x6;
	_ =	strace $0x80000050;
	s9 =	smul.u32 $0x140000, s7  }
0xb: {  	s26 =	sshll.u32 s7, $0x4;
	s7 =	ssub.s32 $0x2, s7;
	s8 =	sshrl.u32 s6, $0x3  }
0xc: {  	s13 =	sshrl.u32 s7, $0x1;
	s12 =	sshrl.u32 s12, $0x2;
	s8 =	sadd.s32 s8, s5  }
0xd: {  	s6 =	sadd.s32 s6, s9;
	s9 =	sor.u32 s1, s26;
	s13 =	ssub.s32 s7, s13  }
0xe: {  	s16 =	sadd.s32 s12, s2;
	s26 =	simm.s32 $0x4;
	s14 =	smul.u32 $0x5000, s9  }
0xf: {  	s6 =	sshrl.u32 s6, $0x3;
	s9 =	smul.u32 $0xA00, s9;
	s12 =	smax.u32 s13, $0x1  }
.Ltmp0:
0x10: {  	s13 =	sshrl.u32 s16, $0x3;
	s16 =	simm.s32 $0x16400;
	(pc) =	sbr.rel .LBB2_1-.Ltmp0, $4  }
0x11: {  	s15 =	sadd.s32 s6, s5;
	s5 =	sadd.s32 $0x2B000, s8;
	s30 =	sshrl.u32 s14, $0x3  }
0x12: {  	s6 =	sor.u32 $0x1C05, s29;
	s7 =	sadd.s32 s10, s9;
	s31 =	sadd.s32 $0x500, s30  }
0x13: {  	s8 =	sadd.s32 s11, s9;
	s14 =	simm.s32 $0x5;
	s9 =	sadd.s32 s10, s31  }
0x14: {  	s10 =	sadd.s32 s11, s31;
	s11 =	sadd.s32 $0x7BA00, s15;
	s15 =	simm.s32 $0x13C00  }
.LBB2_7:
0x15: {  	[spmem:s2] =	stream.indirect.scatter.add.f32 [tilespmem:s21], [sflag:$0x4], $0x80, s31, s17, $0xb8;
	[tilespmem:$0x1CC00] =	vst v63  }
0x16: {  	_ =	swait.ge [sflag:s26], $0x2000  }
0x17: {  	s28 =	sadd.s32 $0x1, s28;
	[sflag:s26] =	ssyncset.done $0x0  }
0x18: {  	p0 =	sne.s32 s28, s12;
	[sflag:s26] =	ssyncadd.s32 $0xFFFFE000  }
.Ltmp1:
0x19: {  	[bflag:$0x0] =	sbarrier.arrive $0xFFFF;
	(pc) =	sbr.rel @!p0 .LBB2_8-.Ltmp1, $4  }
0x1a: {  	[hbm:s11], [sflag:s6] =	dma.local [spmem:s13], $0x2780  }
0x1b: {  	_ =	swait.ge [sflag:s14], $0x2780  }
0x1c: {  	[sflag:s14] =	ssyncset.done $0x0  }
0x1d: {  	[sflag:s14] =	ssyncadd.s32 $0xFFFFD880  }
.LBB2_1:
0x1e: {  	[spmem:s13], [sflag:s6] =	dma.local [hbm:s5], $0x2780  }
0x1f: {  	_ =	swait.ge [sflag:s14], $0x2780  }
0x20: {  	[sflag:s14] =	ssyncset.done $0x0  }
0x21: {  	[sflag:s14] =	ssyncadd.s32 $0xFFFFD880  }
0x22: {  	[bflag:$0x0] =	sbarrier.arrive $0xFFFF  }
0x23: {  	[tilespmem:s15], [sflag:$0x5] =	stream.linear.gather [hbm4b:s7+s3], $0x2800, $0x38;
	[tilespmem:$0x1CC00] =	vst v63  }
0x24: {  	_ =	swait.ge [sflag:s14], $0x2800  }
0x25: {  	[sflag:s14] =	ssyncset.done $0x0  }
0x26: {  	[sflag:s14] =	ssyncadd.s32 $0xFFFFD800  }
0x27: {  	[tilespmem:s16], [sflag:$0x5] =	stream.linear.gather [hbm4b:s8+s3], $0x2800, $0x38;
	[tilespmem:$0x1CC00] =	vst v63  }
0x28: {  	_ =	swait.ge [sflag:s14], $0x2800  }
0x29: {  	[sflag:s14] =	ssyncset.done $0x0  }
0x2a: {  	[sflag:s14] =	ssyncadd.s32 $0xFFFFD800  }
0x2b: {  	[tilespmem:s18], [sflag:$0x1] =	stream.indirect.gather [hbm4b:s4+s17], $0x80, s16, s17, $0xb8;
	[tilespmem:$0x1CC00] =	vst v63  }
0x2c: {  	_ =	swait.ge [sflag:s19], $0x2000  }
0x2d: {  	[sflag:s19] =	ssyncset.done $0x0  }
0x2e: {  	[sflag:s19] =	ssyncadd.s32 $0xFFFFE000  }
0x2f: {  	[tilespmem:s21], [sflag:$0x2] =	stream.indirect.gather [hbm4b:s4+s17], $0x80, s20, s17, $0xb8;
	[tilespmem:$0x1CC00] =	vst v63  }
0x30: {  	_ = 	snop  }
0x31: {  	[spmem:s2] =	stream.indirect.scatter.add.f32 [tilespmem:s18], [sflag:$0x3], $0x80, s15, s17, $0xb8;
	[tilespmem:$0x1CC00] =	vst v63  }
0x32: {  	_ =	swait.ge [sflag:s22], $0x2000  }
0x33: {  	[sflag:s22] =	ssyncset.done $0x0  }
0x34: {  	[sflag:s22] =	ssyncadd.s32 $0xFFFFE000  }
0x35: {  	_ =	swait.ge [sflag:s23], $0x2000  }
0x36: {  	[sflag:s23] =	ssyncset.done $0x0  }
0x37: {  	[sflag:s23] =	ssyncadd.s32 $0xFFFFE000  }
0x38: {  	[tilespmem:s18], [sflag:$0x1] =	stream.indirect.gather [hbm4b:s4+s17], $0x80, s24, s17, $0xb8;
	[tilespmem:$0x1CC00] =	vst v63  }
0x39: {  	s29 =	simm.s32 $0xFFFF6800  }
0x3a: {  	[spmem:s2] =	stream.indirect.scatter.add.f32 [tilespmem:s21], [sflag:$0x4], $0x80, s25, s17, $0xb8;
	[tilespmem:$0x1CC00] =	vst v63  }
.LBB2_2:
0x3b: {  	_ =	swait.ge [sflag:s19], $0x2000  }
0x3c: {  	[sflag:s19] =	ssyncset.done $0x0  }
0x3d: {  	[sflag:s19] =	ssyncadd.s32 $0xFFFFE000  }
0x3e: {  	_ =	swait.ge [sflag:s26], $0x2000  }
0x3f: {  	s30 =	sshra.s32 s29, $0x2;
	[sflag:s26] =	ssyncset.done $0x0  }
0x40: {  	s31 =	sadd.s32 $0x18B80, s30;
	[sflag:s26] =	ssyncadd.s32 $0xFFFFE000  }
0x41: {  	[tilespmem:s21], [sflag:$0x2] =	stream.indirect.gather [hbm4b:s4+s17], $0x80, s31, s17, $0xb8;
	[tilespmem:$0x1CC00] =	vst v63  }
0x42: {  	s31 =	sadd.s32 $0x16300, s30  }
0x43: {  	[spmem:s2] =	stream.indirect.scatter.add.f32 [tilespmem:s18], [sflag:$0x3], $0x80, s31, s17, $0xb8;
	[tilespmem:$0x1CC00] =	vst v63  }
0x44: {  	p0 =	seq.s32 s29, $0x0;
	_ =	swait.ge [sflag:s22], $0x2000  }
.Ltmp2:
0x45: {  	[sflag:s22] =	ssyncset.done $0x0;
	(pc) =	sbr.rel @p0 .LBB2_4-.Ltmp2, $4  }
0x46: {  	[sflag:s22] =	ssyncadd.s32 $0xFFFFE000  }
0x47: {  	_ =	swait.ge [sflag:s23], $0x2000  }
0x48: {  	[sflag:s23] =	ssyncset.done $0x0  }
0x49: {  	s31 =	sadd.s32 $0x16380, s30;
	[sflag:s23] =	ssyncadd.s32 $0xFFFFE000  }
.Ltmp3:
0x4a: {  	(pc) =	sbr.rel .LBB2_2-.Ltmp3, $4  }
0x4b: {  	s30 =	sadd.s32 $0x18C00, s30  }
0x4c: {  	[tilespmem:s18], [sflag:$0x1] =	stream.indirect.gather [hbm4b:s4+s17], $0x80, s30, s17, $0xb8;
	[tilespmem:$0x1CC00] =	vst v63  }
0x4d: {  	s29 =	sadd.s32 $0x400, s29  }
0x4e: {  	[spmem:s2] =	stream.indirect.scatter.add.f32 [tilespmem:s21], [sflag:$0x4], $0x80, s31, s17, $0xb8;
	[tilespmem:$0x1CC00] =	vst v63  }
.LBB2_4:
0x4f: {  	[spmem:s2] =	stream.indirect.scatter.add.f32 [tilespmem:s21], [sflag:$0x4], $0x80, s31, s17, $0xb8;
	[tilespmem:$0x1CC00] =	vst v63  }
0x50: {  	_ =	swait.ge [sflag:s26], $0x2000  }
0x51: {  	[sflag:s26] =	ssyncset.done $0x0  }
0x52: {  	[sflag:s26] =	ssyncadd.s32 $0xFFFFE000  }
0x53: {  	[tilespmem:s15], [sflag:$0x5] =	stream.linear.gather [hbm4b:s9+s3], $0x2800, $0x38;
	[tilespmem:$0x1CC00] =	vst v63  }
0x54: {  	_ =	swait.ge [sflag:s14], $0x2800  }
0x55: {  	[sflag:s14] =	ssyncset.done $0x0  }
0x56: {  	[sflag:s14] =	ssyncadd.s32 $0xFFFFD800  }
0x57: {  	[tilespmem:s16], [sflag:$0x5] =	stream.linear.gather [hbm4b:s10+s3], $0x2800, $0x38;
	[tilespmem:$0x1CC00] =	vst v63  }
0x58: {  	_ =	swait.ge [sflag:s14], $0x2800  }
0x59: {  	[sflag:s14] =	ssyncset.done $0x0  }
0x5a: {  	[sflag:s14] =	ssyncadd.s32 $0xFFFFD800  }
0x5b: {  	[tilespmem:s18], [sflag:$0x1] =	stream.indirect.gather [hbm4b:s4+s17], $0x80, s16, s17, $0xb8;
	[tilespmem:$0x1CC00] =	vst v63  }
0x5c: {  	_ =	swait.ge [sflag:s19], $0x2000  }
0x5d: {  	[sflag:s19] =	ssyncset.done $0x0  }
0x5e: {  	[sflag:s19] =	ssyncadd.s32 $0xFFFFE000  }
0x5f: {  	[tilespmem:s21], [sflag:$0x2] =	stream.indirect.gather [hbm4b:s4+s17], $0x80, s20, s17, $0xb8;
	[tilespmem:$0x1CC00] =	vst v63  }
0x60: {  	_ = 	snop  }
0x61: {  	[spmem:s2] =	stream.indirect.scatter.add.f32 [tilespmem:s18], [sflag:$0x3], $0x80, s15, s17, $0xb8;
	[tilespmem:$0x1CC00] =	vst v63  }
0x62: {  	_ =	swait.ge [sflag:s22], $0x2000  }
0x63: {  	[sflag:s22] =	ssyncset.done $0x0  }
0x64: {  	[sflag:s22] =	ssyncadd.s32 $0xFFFFE000  }
0x65: {  	_ =	swait.ge [sflag:s23], $0x2000  }
0x66: {  	[sflag:s23] =	ssyncset.done $0x0  }
0x67: {  	[sflag:s23] =	ssyncadd.s32 $0xFFFFE000  }
0x68: {  	[tilespmem:s18], [sflag:$0x1] =	stream.indirect.gather [hbm4b:s4+s17], $0x80, s24, s17, $0xb8;
	[tilespmem:$0x1CC00] =	vst v63  }
0x69: {  	s29 =	simm.s32 $0xFFFF6800  }
0x6a: {  	[spmem:s2] =	stream.indirect.scatter.add.f32 [tilespmem:s21], [sflag:$0x4], $0x80, s25, s17, $0xb8;
	[tilespmem:$0x1CC00] =	vst v63  }
.LBB2_5:
0x6b: {  	_ =	swait.ge [sflag:s19], $0x2000  }
0x6c: {  	[sflag:s19] =	ssyncset.done $0x0  }
0x6d: {  	[sflag:s19] =	ssyncadd.s32 $0xFFFFE000  }
0x6e: {  	_ =	swait.ge [sflag:s26], $0x2000  }
0x6f: {  	s30 =	sshra.s32 s29, $0x2;
	[sflag:s26] =	ssyncset.done $0x0  }
0x70: {  	s31 =	sadd.s32 $0x18B80, s30;
	[sflag:s26] =	ssyncadd.s32 $0xFFFFE000  }
0x71: {  	[tilespmem:s21], [sflag:$0x2] =	stream.indirect.gather [hbm4b:s4+s17], $0x80, s31, s17, $0xb8;
	[tilespmem:$0x1CC00] =	vst v63  }
0x72: {  	s31 =	sadd.s32 $0x16300, s30  }
0x73: {  	[spmem:s2] =	stream.indirect.scatter.add.f32 [tilespmem:s18], [sflag:$0x3], $0x80, s31, s17, $0xb8;
	[tilespmem:$0x1CC00] =	vst v63  }
0x74: {  	p0 =	seq.s32 s29, $0x0;
	_ =	swait.ge [sflag:s22], $0x2000  }
.Ltmp4:
0x75: {  	[sflag:s22] =	ssyncset.done $0x0;
	(pc) =	sbr.rel @p0 .LBB2_7-.Ltmp4, $4  }
0x76: {  	[sflag:s22] =	ssyncadd.s32 $0xFFFFE000  }
0x77: {  	_ =	swait.ge [sflag:s23], $0x2000  }
0x78: {  	[sflag:s23] =	ssyncset.done $0x0  }
0x79: {  	s31 =	sadd.s32 $0x16380, s30;
	[sflag:s23] =	ssyncadd.s32 $0xFFFFE000  }
.Ltmp5:
0x7a: {  	(pc) =	sbr.rel .LBB2_5-.Ltmp5, $4  }
0x7b: {  	s30 =	sadd.s32 $0x18C00, s30  }
0x7c: {  	[tilespmem:s18], [sflag:$0x1] =	stream.indirect.gather [hbm4b:s4+s17], $0x80, s30, s17, $0xb8;
	[tilespmem:$0x1CC00] =	vst v63  }
0x7d: {  	s29 =	sadd.s32 $0x400, s29  }
0x7e: {  	[spmem:s2] =	stream.indirect.scatter.add.f32 [tilespmem:s21], [sflag:$0x4], $0x80, s31, s17, $0xb8;
	[tilespmem:$0x1CC00] =	vst v63  }
.LBB2_8:
0x7f: {  	_ =	sfence.sel $0x180000  }
0x80: {  	[bflag:$0x0] =	sbarrier.arrive $0xFFFF  }
0x81: {  	p0 =	sne.s32 s1, $0x0;
	_ =	strace $0x90000050  }
0x82: {  	s0 =	sadd.s32 @!p0 $0x100000, s0;
	[bflag:$0x2] =	sbarrier.arrive $0xFFFF  }
0x83: {  	[sflag:s0] =	ssyncadd.tile.s32 @!p0 $0x1;
	_ =	shalt  }
.Lfunc_end2:
_tile_overlayer_lowered:
.L_overlay_start_2:
0x84: {  	(tag) =	ssettag $0x2  }
0x85: {  	s0 =	rddreg [dreg:$0x0];
	s2 =	stileid.u32  }
0x86: {  	s1 =	rddreg [dreg:$0x1];
	p0 =	sne.s32 s2, $0x0  }
0x87: {  	s3 =	rddreg [dreg:$0x2];
	[bflag:$0x3] =	sbarrier.arrive $0xFFFF;
	s2 =	simm.s32 @!p0 $0x1C05  }
0x88: {  	[timem:s3], [sflag:s2] =	dma.local @!p0 [hbm:s0], s1  }
0x89: {  	s0 =	simm.s32 @!p0 $0x5  }
0x8a: {  	_ =	swait.ge @!p0 [sflag:s0], s1  }
0x8b: {  	s1 =	ssub.s32 @!p0 $0x0, s1;
	[sflag:s0] =	ssyncset.done @!p0 $0x0  }
0x8c: {  	[sflag:s0] =	ssyncadd.s32 @!p0 s1  }
0x8d: {  	[bflag:$0x3] =	sbarrier.arrive $0xFFFF  }
0x8e: {  	_ =	shalt  }

</sc_bundles>
